<compile_context>
chip_gen: v7x
topology: tpu7x:2x2x1
jax: 0.10.2.dev20260603
libtpu: 0.0.44.dev20260713+nightly
codegen_flags: <defaults>
</compile_context>

<pallas_src>
import jax
import jax.numpy as jnp
from jax import lax
from jax.experimental import pallas as pl
from jax.experimental.pallas import tpu as pltpu
from jax.experimental.pallas import tpu_sc as plsc

NUM_CLASS = 1000
N_CLS_CTX = 4
CTX_DIM = 512
PREFIX_LEN = 6
SUFFIX_LEN = 67
SEQ_LEN = PREFIX_LEN + N_CLS_CTX + SUFFIX_LEN
BATCH = 1024
LANES = 16
NCOL = CTX_DIM // LANES

NC = 2
NS = 16
NW = NC * NS
BPW = BATCH // NW

N_BCAST = SEQ_LEN - N_CLS_CTX
UPS = 16
N_UNIT = N_BCAST * UPS
UROWS = BATCH // UPS
REP = 32
DMA_PER_UNIT = UROWS // REP
STAGE = 8
CCH = 8


def _body(cls_hbm, idx_hbm, tmpl_hbm, out_hbm,
          idx_v, stage_v, rep_all, rows_v, crep0, crep1,
          gsem, bsem, csem0, csem1, ssem):
    wid = lax.axis_index("s") * NC + lax.axis_index("c")
    base = wid * BPW

    start = (wid * N_UNIT) >> 5
    end = ((wid + 1) * N_UNIT) >> 5
    s_first = start >> 4
    sout_first = jnp.where(s_first >= PREFIX_LEN,
                           s_first + N_CLS_CTX, s_first)

    c1 = pltpu.async_copy(idx_hbm.at[pl.ds(base, BPW)], idx_v, ssem)
    toff = pl.multiple_of(sout_first * CTX_DIM, CTX_DIM)
    c2 = pltpu.async_copy(
        tmpl_hbm.at[pl.ds(toff, STAGE * CTX_DIM)], stage_v, ssem)
    c1.wait(); c2.wait()

    def unit_body(u, carry):
        ub = u >> 4
        bucket = ub - s_first
        sout = jnp.where(ub >= PREFIX_LEN, ub + N_CLS_CTX, ub)
        srcoff = (sout - sout_first) * CTX_DIM

        @pl.when((u == start) | ((u & (UPS - 1)) == 0))
        def _fill():
            vals = [stage_v[pl.ds(srcoff + c * LANES, LANES)]
                    for c in range(NCOL)]

            def fr(row, vs):
                for c in range(NCOL):
                    rep_all[bucket, row, pl.ds(c * LANES, LANES)] = vs[c]
                return vs
            lax.fori_loop(0, REP, fr, vals)

        row0 = (u & (UPS - 1)) * UROWS
        for q in range(DMA_PER_UNIT):
            pltpu.async_copy(
                rep_all.at[bucket],
                out_hbm.at[sout, pl.ds(row0 + q * REP, REP)], bsem)
        return carry

    lax.fori_loop(start, end, unit_body, 0)

    creps = [crep0, crep1]
    csems = [csem0, csem1]

    def cls_chunk(ch, carry):
        off = pl.multiple_of(ch * CCH, CCH)
        pltpu.async_copy(
            cls_hbm.at[idx_v.at[pl.ds(off, CCH)]], rows_v, gsem).wait()
        boff = pl.multiple_of(base + ch * CCH, CCH)
        for r in range(N_CLS_CTX):
            crep = creps[r % 2]
            csem = csems[r % 2]

            def _drain(crep=crep, csem=csem):
                pltpu.make_async_copy(
                    out_hbm.at[0, pl.ds(0, CCH)], crep, csem).wait()
            if r >= 2:
                _drain()
            else:
                pl.when(ch > 0)(_drain)

            def tpose(j, c2):
                for c in range(NCOL):
                    crep[j, pl.ds(c * LANES, LANES)] = (
                        rows_v[j, r, pl.ds(c * LANES, LANES)])
                return c2
            lax.fori_loop(0, CCH, tpose, 0)

            pltpu.async_copy(
                crep, out_hbm.at[PREFIX_LEN + r, pl.ds(boff, CCH)], csem)
        return carry

    lax.fori_loop(0, BPW // CCH, cls_chunk, 0)

    def drain(i, carry):
        for q in range(DMA_PER_UNIT):
            pltpu.make_async_copy(
                out_hbm.at[0, pl.ds(0, REP)], rep_all.at[0], bsem).wait()
        return carry
    lax.fori_loop(0, end - start, drain, 0)
    pltpu.make_async_copy(out_hbm.at[0, pl.ds(0, CCH)], crep0, csem0).wait()
    pltpu.make_async_copy(out_hbm.at[0, pl.ds(0, CCH)], crep1, csem1).wait()


@jax.jit
def _prompt_learner(label, cls_ctx, tmpl):
    mesh = plsc.VectorSubcoreMesh(core_axis_name="c", subcore_axis_name="s")
    out_t = pl.kernel(
        _body,
        out_type=jax.ShapeDtypeStruct((SEQ_LEN, BATCH, CTX_DIM), jnp.float32),
        mesh=mesh,
        scratch_types=[
            pltpu.VMEM((BPW,), jnp.int32),
            pltpu.VMEM((STAGE * CTX_DIM,), jnp.float32),
            pltpu.VMEM((4, REP, CTX_DIM), jnp.float32),
            pltpu.VMEM((CCH, N_CLS_CTX, CTX_DIM), jnp.float32),
            pltpu.VMEM((CCH, CTX_DIM), jnp.float32),
            pltpu.VMEM((CCH, CTX_DIM), jnp.float32),
            pltpu.SemaphoreType.DMA,
            pltpu.SemaphoreType.DMA,
            pltpu.SemaphoreType.DMA,
            pltpu.SemaphoreType.DMA,
            pltpu.SemaphoreType.DMA,
        ],
    )(cls_ctx, label, tmpl)
    return jnp.transpose(out_t, (1, 0, 2))


def kernel(label, cls_ctx, token_prefix, token_suffix):
    label = label.astype(jnp.int32)
    tmpl = jnp.concatenate(
        [token_prefix.reshape(PREFIX_LEN * CTX_DIM),
         jnp.zeros((N_CLS_CTX * CTX_DIM,), jnp.float32),
         token_suffix.reshape(SUFFIX_LEN * CTX_DIM)])
    return _prompt_learner(label, cls_ctx, tmpl)

# --- scband reference (transcript-rebuilt; emitter-appended) ---
"""Pipeline reference for scband-prompt-learner-57921928954242 (READ-ONLY COPY).

The authoritative reference and input builder live on the scoring server;
editing this copy changes nothing except your own understanding.
"""

import jax, jax.numpy as jnp
import numpy as np

NUM_CLASS = 1000
N_CLS_CTX = 4
CTX_DIM = 512
N_CTX = 5  # market1501
SEQ_LEN = 77  # CLIP context length
PREFIX_LEN = N_CTX + 1  # 6
SUFFIX_LEN = SEQ_LEN - (N_CTX + 1 + N_CLS_CTX)  # 67
BATCH = 1024


def setup_inputs(seed: int = 0) -> dict:
    key = jax.random.key(seed)
    k1, k2, k3, k4 = jax.random.split(key, 4)
    label = jax.random.randint(k1, (BATCH,), 0, NUM_CLASS, dtype=jnp.int64 if jax.config.read('jax_enable_x64') else jnp.int32)
    cls_ctx = jax.random.normal(k2, (NUM_CLASS, N_CLS_CTX, CTX_DIM), dtype=jnp.float32) * 0.02
    # token_prefix / token_suffix are frozen CLIP token embeddings of the init prompt
    token_prefix = jax.random.normal(k3, (1, PREFIX_LEN, CTX_DIM), dtype=jnp.float32) * 0.02
    token_suffix = jax.random.normal(k4, (1, SUFFIX_LEN, CTX_DIM), dtype=jnp.float32) * 0.02
    return {"label": label, "cls_ctx": cls_ctx, "token_prefix": token_prefix, "token_suffix": token_suffix}


def reference(label, cls_ctx, token_prefix, token_suffix):
    # cls_ctx gather: embedding lookup by class label
    cls = jnp.take(cls_ctx, label, axis=0)           # [B, 4, 512]
    b = label.shape[0]
    prefix = jnp.broadcast_to(token_prefix, (b, token_prefix.shape[1], token_prefix.shape[2]))
    suffix = jnp.broadcast_to(token_suffix, (b, token_suffix.shape[1], token_suffix.shape[2]))
    prompts = jnp.concatenate([prefix, cls, suffix], axis=1)  # [B, 77, 512]
    return prompts

if __name__ == "__main__":
    import jax
    _d = setup_inputs()
    print(jax.jit(kernel)(*tuple(_d.values())))

</pallas_src>

<mosaic_0001>
#map = affine_map<(d0, d1) -> (0, 0, 0)>
#map1 = affine_map<(d0, d1) -> (0)>
module attributes {stable_mosaic.version = 14 : i64} {
  func.func @_body(%arg0: i32, %arg1: i32, %arg2: memref<1000x4x512xf32, #tpu.memory_space<hbm>>, %arg3: memref<1024xi32, #tpu.memory_space<hbm>>, %arg4: memref<39424xf32, #tpu.memory_space<hbm>>, %arg5: memref<77x1024x512xf32, #tpu.memory_space<hbm>>, %arg6: memref<32xi32, #tpu.memory_space<vmem>>, %arg7: memref<4096xf32, #tpu.memory_space<vmem>>, %arg8: memref<4x32x512xf32, #tpu.memory_space<vmem>>, %arg9: memref<8x4x512xf32, #tpu.memory_space<vmem>>, %arg10: memref<8x512xf32, #tpu.memory_space<vmem>>, %arg11: memref<8x512xf32, #tpu.memory_space<vmem>>, %arg12: memref<!tpu.dma_semaphore, #tpu.memory_space<semaphore_mem>>, %arg13: memref<!tpu.dma_semaphore, #tpu.memory_space<semaphore_mem>>, %arg14: memref<!tpu.dma_semaphore, #tpu.memory_space<semaphore_mem>>, %arg15: memref<!tpu.dma_semaphore, #tpu.memory_space<semaphore_mem>>, %arg16: memref<!tpu.dma_semaphore, #tpu.memory_space<semaphore_mem>>) attributes {dimension_semantics = [#tpu.dimension_semantics<core_parallel>, #tpu.dimension_semantics<subcore_parallel>], iteration_bounds = array<i64: 2, 16>, scalar_prefetch = 0 : i64, scratch_operands = 11 : i64, tpu.core_type = #tpu.core_type<sc_vector_subcore>, window_params = [{transform_indices = #map}, {transform_indices = #map1}, {transform_indices = #map1}, {transform_indices = #map}]} {
    %mul3A = arith.constant 2 : i32
    %mul3A_0 = arith.muli %arg1, %mul3A : i32
    %add3A = arith.addi %mul3A_0, %arg0 : i32
    %mul3A_1 = arith.constant 32 : i32
    %mul3A_2 = arith.muli %add3A, %mul3A_1 : i32
    %mul3A_3 = arith.constant 1168 : i32
    %mul3A_4 = arith.muli %add3A, %mul3A_3 : i32
    %shift_right_arithmetic3A = arith.constant 5 : i32
    %shift_right_arithmetic3A_5 = arith.shrsi %mul3A_4, %shift_right_arithmetic3A : i32
    %add3A_6 = arith.constant 1 : i32
    %add3A_7 = arith.addi %add3A, %add3A_6 : i32
    %mul3A_8 = arith.constant 1168 : i32
    %mul3A_9 = arith.muli %add3A_7, %mul3A_8 : i32
    %shift_right_arithmetic3A_10 = arith.constant 5 : i32
    %shift_right_arithmetic3A_11 = arith.shrsi %mul3A_9, %shift_right_arithmetic3A_10 : i32
    %shift_right_arithmetic3A_12 = arith.constant 4 : i32
    %shift_right_arithmetic3A_13 = arith.shrsi %shift_right_arithmetic3A_5, %shift_right_arithmetic3A_12 : i32
    %ge3A = arith.constant 6 : i32
    %ge3A_14 = arith.cmpi sge, %shift_right_arithmetic3A_13, %ge3A : i32
    %add3A_15 = arith.constant 4 : i32
    %add3A_16 = arith.addi %shift_right_arithmetic3A_13, %add3A_15 : i32
    %select_n3A = arith.select %ge3A_14, %add3A_16, %shift_right_arithmetic3A_13 : i32
    %dma_start3A = tpu.memref_slice %arg3[%mul3A_2] : memref<1024xi32, #tpu.memory_space<hbm>> -> memref<32xi32, #tpu.memory_space<hbm>>
    %dma_start3A_17 = tpu.memref_slice %arg3[%mul3A_2] : memref<1024xi32, #tpu.memory_space<hbm>> -> memref<32xi32, #tpu.memory_space<hbm>>
    tpu.enqueue_dma source(%dma_start3A_17 : memref<32xi32, #tpu.memory_space<hbm>>) target(%arg6 : memref<32xi32, #tpu.memory_space<vmem>>) target_semaphore(%arg16 : memref<!tpu.dma_semaphore, #tpu.memory_space<semaphore_mem>>)
    %mul3A_18 = arith.constant 512 : i32
    %mul3A_19 = arith.muli %select_n3A, %mul3A_18 : i32
    %multiple_of3A = tpu.assume_multiple %mul3A_19, 512 : i32
    %dma_start3A_20 = tpu.memref_slice %arg4[%multiple_of3A] : memref<39424xf32, #tpu.memory_space<hbm>> -> memref<4096xf32, #tpu.memory_space<hbm>>
    %dma_start3A_21 = tpu.memref_slice %arg4[%multiple_of3A] : memref<39424xf32, #tpu.memory_space<hbm>> -> memref<4096xf32, #tpu.memory_space<hbm>>
    tpu.enqueue_dma source(%dma_start3A_21 : memref<4096xf32, #tpu.memory_space<hbm>>) target(%arg7 : memref<4096xf32, #tpu.memory_space<vmem>>) target_semaphore(%arg16 : memref<!tpu.dma_semaphore, #tpu.memory_space<semaphore_mem>>)
    %dma_wait3A = tpu.memref_slice %arg3[%mul3A_2] : memref<1024xi32, #tpu.memory_space<hbm>> -> memref<32xi32, #tpu.memory_space<hbm>>
    %dma_wait3A_22 = tpu.memref_slice %arg3[%mul3A_2] : memref<1024xi32, #tpu.memory_space<hbm>> -> memref<32xi32, #tpu.memory_space<hbm>>
    tpu.wait_dma2 semaphore(%arg16 : memref<!tpu.dma_semaphore, #tpu.memory_space<semaphore_mem>>) src(%dma_wait3A_22 : memref<32xi32, #tpu.memory_space<hbm>>) dst(%arg6 : memref<32xi32, #tpu.memory_space<vmem>>)
    %dma_wait3A_23 = tpu.memref_slice %arg4[%multiple_of3A] : memref<39424xf32, #tpu.memory_space<hbm>> -> memref<4096xf32, #tpu.memory_space<hbm>>
    %dma_wait3A_24 = tpu.memref_slice %arg4[%multiple_of3A] : memref<39424xf32, #tpu.memory_space<hbm>> -> memref<4096xf32, #tpu.memory_space<hbm>>
    tpu.wait_dma2 semaphore(%arg16 : memref<!tpu.dma_semaphore, #tpu.memory_space<semaphore_mem>>) src(%dma_wait3A_24 : memref<4096xf32, #tpu.memory_space<hbm>>) dst(%arg7 : memref<4096xf32, #tpu.memory_space<vmem>>)
    %while3A = arith.constant 0 : i32
    %while3A_25 = arith.subi %shift_right_arithmetic3A_11, %shift_right_arithmetic3A_5 : i32
    %while3A_26 = arith.addi %shift_right_arithmetic3A_5, %while3A_25 : i32
    %while3A_27 = arith.constant 1 : i32
    %while3A_28 = arith.divsi %while3A_25, %while3A_27 : i32
    %while3A_29 = arith.muli %while3A_28, %while3A_27 : i32
    %while3A_30 = arith.addi %shift_right_arithmetic3A_5, %while3A_29 : i32
    %while3A_31 = arith.constant 1 : i32
    scf.for %while3A_66 = %shift_right_arithmetic3A_5 to %while3A_30 step %while3A_31  : i32 {
      %shift_right_arithmetic3A_67 = arith.constant 4 : i32
      %shift_right_arithmetic3A_68 = arith.shrsi %while3A_66, %shift_right_arithmetic3A_67 : i32
      %sub3A_69 = arith.subi %shift_right_arithmetic3A_68, %shift_right_arithmetic3A_13 : i32
      %ge3A_70 = arith.constant 6 : i32
      %ge3A_71 = arith.cmpi sge, %shift_right_arithmetic3A_68, %ge3A_70 : i32
      %add3A_72 = arith.constant 4 : i32
      %add3A_73 = arith.addi %shift_right_arithmetic3A_68, %add3A_72 : i32
      %select_n3A_74 = arith.select %ge3A_71, %add3A_73, %shift_right_arithmetic3A_68 : i32
      %sub3A_75 = arith.subi %select_n3A_74, %select_n3A : i32
      %mul3A_76 = arith.constant 512 : i32
      %mul3A_77 = arith.muli %sub3A_75, %mul3A_76 : i32
      %eq3A = arith.cmpi eq, %while3A_66, %shift_right_arithmetic3A_5 : i32
      %and3A = arith.constant 15 : i32
      %and3A_78 = arith.andi %while3A_66, %and3A : i32
      %eq3A_79 = arith.constant 0 : i32
      %eq3A_80 = arith.cmpi eq, %and3A_78, %eq3A_79 : i32
      %or3A = arith.ori %eq3A, %eq3A_80 : i1
      %convert_element_type3A = arith.extui %or3A : i1 to i32
      %cond3A = arith.constant 0 : i32
      %cond3A_81 = arith.cmpi ne, %convert_element_type3A, %cond3A : i32
      scf.if %cond3A_81 {
        %add3A_118 = arith.constant 0 : i32
        %add3A_119 = arith.addi %mul3A_77, %add3A_118 : i32
        %get3A = arith.index_cast %add3A_119 : i32 to index
        %get3A_120 = tpu.vector_load %arg7[%get3A] {strides = array<i32>} : memref<4096xf32, #tpu.memory_space<vmem>>, vector<16xf32>,
        %get3A_121 = vector.shape_cast %get3A_120 : vector<16xf32> to vector<16xf32>
        %add3A_122 = arith.constant 16 : i32
        %add3A_123 = arith.addi %mul3A_77, %add3A_122 : i32
        %get3A_124 = arith.index_cast %add3A_123 : i32 to index
        %get3A_125 = tpu.vector_load %arg7[%get3A_124] {strides = array<i32>} : memref<4096xf32, #tpu.memory_space<vmem>>, vector<16xf32>,
        %get3A_126 = vector.shape_cast %get3A_125 : vector<16xf32> to vector<16xf32>
        %add3A_127 = arith.constant 32 : i32
        %add3A_128 = arith.addi %mul3A_77, %add3A_127 : i32
        %get3A_129 = arith.index_cast %add3A_128 : i32 to index
        %get3A_130 = tpu.vector_load %arg7[%get3A_129] {strides = array<i32>} : memref<4096xf32, #tpu.memory_space<vmem>>, vector<16xf32>,
        %get3A_131 = vector.shape_cast %get3A_130 : vector<16xf32> to vector<16xf32>
        %add3A_132 = arith.constant 48 : i32
        %add3A_133 = arith.addi %mul3A_77, %add3A_132 : i32
        %get3A_134 = arith.index_cast %add3A_133 : i32 to index
        %get3A_135 = tpu.vector_load %arg7[%get3A_134] {strides = array<i32>} : memref<4096xf32, #tpu.memory_space<vmem>>, vector<16xf32>,
        %get3A_136 = vector.shape_cast %get3A_135 : vector<16xf32> to vector<16xf32>
        %add3A_137 = arith.constant 64 : i32
        %add3A_138 = arith.addi %mul3A_77, %add3A_137 : i32
        %get3A_139 = arith.index_cast %add3A_138 : i32 to index
        %get3A_140 = tpu.vector_load %arg7[%get3A_139] {strides = array<i32>} : memref<4096xf32, #tpu.memory_space<vmem>>, vector<16xf32>,
        %get3A_141 = vector.shape_cast %get3A_140 : vector<16xf32> to vector<16xf32>
        %add3A_142 = arith.constant 80 : i32
        %add3A_143 = arith.addi %mul3A_77, %add3A_142 : i32
        %get3A_144 = arith.index_cast %add3A_143 : i32 to index
        %get3A_145 = tpu.vector_load %arg7[%get3A_144] {strides = array<i32>} : memref<4096xf32, #tpu.memory_space<vmem>>, vector<16xf32>,
        %get3A_146 = vector.shape_cast %get3A_145 : vector<16xf32> to vector<16xf32>
        %add3A_147 = arith.constant 96 : i32
        %add3A_148 = arith.addi %mul3A_77, %add3A_147 : i32
        %get3A_149 = arith.index_cast %add3A_148 : i32 to index
        %get3A_150 = tpu.vector_load %arg7[%get3A_149] {strides = array<i32>} : memref<4096xf32, #tpu.memory_space<vmem>>, vector<16xf32>,
        %get3A_151 = vector.shape_cast %get3A_150 : vector<16xf32> to vector<16xf32>
        %add3A_152 = arith.constant 112 : i32
        %add3A_153 = arith.addi %mul3A_77, %add3A_152 : i32
        %get3A_154 = arith.index_cast %add3A_153 : i32 to index
        %get3A_155 = tpu.vector_load %arg7[%get3A_154] {strides = array<i32>} : memref<4096xf32, #tpu.memory_space<vmem>>, vector<16xf32>,
        %get3A_156 = vector.shape_cast %get3A_155 : vector<16xf32> to vector<16xf32>
        %add3A_157 = arith.constant 128 : i32
        %add3A_158 = arith.addi %mul3A_77, %add3A_157 : i32
        %get3A_159 = arith.index_cast %add3A_158 : i32 to index
        %get3A_160 = tpu.vector_load %arg7[%get3A_159] {strides = array<i32>} : memref<4096xf32, #tpu.memory_space<vmem>>, vector<16xf32>,
        %get3A_161 = vector.shape_cast %get3A_160 : vector<16xf32> to vector<16xf32>
        %add3A_162 = arith.constant 144 : i32
        %add3A_163 = arith.addi %mul3A_77, %add3A_162 : i32
        %get3A_164 = arith.index_cast %add3A_163 : i32 to index
        %get3A_165 = tpu.vector_load %arg7[%get3A_164] {strides = array<i32>} : memref<4096xf32, #tpu.memory_space<vmem>>, vector<16xf32>,
        %get3A_166 = vector.shape_cast %get3A_165 : vector<16xf32> to vector<16xf32>
        %add3A_167 = arith.constant 160 : i32
        %add3A_168 = arith.addi %mul3A_77, %add3A_167 : i32
        %get3A_169 = arith.index_cast %add3A_168 : i32 to index
        %get3A_170 = tpu.vector_load %arg7[%get3A_169] {strides = array<i32>} : memref<4096xf32, #tpu.memory_space<vmem>>, vector<16xf32>,
        %get3A_171 = vector.shape_cast %get3A_170 : vector<16xf32> to vector<16xf32>
        %add3A_172 = arith.constant 176 : i32
        %add3A_173 = arith.addi %mul3A_77, %add3A_172 : i32
        %get3A_174 = arith.index_cast %add3A_173 : i32 to index
        %get3A_175 = tpu.vector_load %arg7[%get3A_174] {strides = array<i32>} : memref<4096xf32, #tpu.memory_space<vmem>>, vector<16xf32>,
        %get3A_176 = vector.shape_cast %get3A_175 : vector<16xf32> to vector<16xf32>
        %add3A_177 = arith.constant 192 : i32
        %add3A_178 = arith.addi %mul3A_77, %add3A_177 : i32
        %get3A_179 = arith.index_cast %add3A_178 : i32 to index
        %get3A_180 = tpu.vector_load %arg7[%get3A_179] {strides = array<i32>} : memref<4096xf32, #tpu.memory_space<vmem>>, vector<16xf32>,
        %get3A_181 = vector.shape_cast %get3A_180 : vector<16xf32> to vector<16xf32>
        %add3A_182 = arith.constant 208 : i32
        %add3A_183 = arith.addi %mul3A_77, %add3A_182 : i32
        %get3A_184 = arith.index_cast %add3A_183 : i32 to index
        %get3A_185 = tpu.vector_load %arg7[%get3A_184] {strides = array<i32>} : memref<4096xf32, #tpu.memory_space<vmem>>, vector<16xf32>,
        %get3A_186 = vector.shape_cast %get3A_185 : vector<16xf32> to vector<16xf32>
        %add3A_187 = arith.constant 224 : i32
        %add3A_188 = arith.addi %mul3A_77, %add3A_187 : i32
        %get3A_189 = arith.index_cast %add3A_188 : i32 to index
        %get3A_190 = tpu.vector_load %arg7[%get3A_189] {strides = array<i32>} : memref<4096xf32, #tpu.memory_space<vmem>>, vector<16xf32>,
        %get3A_191 = vector.shape_cast %get3A_190 : vector<16xf32> to vector<16xf32>
        %add3A_192 = arith.constant 240 : i32
        %add3A_193 = arith.addi %mul3A_77, %add3A_192 : i32
        %get3A_194 = arith.index_cast %add3A_193 : i32 to index
        %get3A_195 = tpu.vector_load %arg7[%get3A_194] {strides = array<i32>} : memref<4096xf32, #tpu.memory_space<vmem>>, vector<16xf32>,
        %get3A_196 = vector.shape_cast %get3A_195 : vector<16xf32> to vector<16xf32>
        %add3A_197 = arith.constant 256 : i32
        %add3A_198 = arith.addi %mul3A_77, %add3A_197 : i32
        %get3A_199 = arith.index_cast %add3A_198 : i32 to index
        %get3A_200 = tpu.vector_load %arg7[%get3A_199] {strides = array<i32>} : memref<4096xf32, #tpu.memory_space<vmem>>, vector<16xf32>,
        %get3A_201 = vector.shape_cast %get3A_200 : vector<16xf32> to vector<16xf32>
        %add3A_202 = arith.constant 272 : i32
        %add3A_203 = arith.addi %mul3A_77, %add3A_202 : i32
        %get3A_204 = arith.index_cast %add3A_203 : i32 to index
        %get3A_205 = tpu.vector_load %arg7[%get3A_204] {strides = array<i32>} : memref<4096xf32, #tpu.memory_space<vmem>>, vector<16xf32>,
        %get3A_206 = vector.shape_cast %get3A_205 : vector<16xf32> to vector<16xf32>
        %add3A_207 = arith.constant 288 : i32
        %add3A_208 = arith.addi %mul3A_77, %add3A_207 : i32
        %get3A_209 = arith.index_cast %add3A_208 : i32 to index
        %get3A_210 = tpu.vector_load %arg7[%get3A_209] {strides = array<i32>} : memref<4096xf32, #tpu.memory_space<vmem>>, vector<16xf32>,
        %get3A_211 = vector.shape_cast %get3A_210 : vector<16xf32> to vector<16xf32>
        %add3A_212 = arith.constant 304 : i32
        %add3A_213 = arith.addi %mul3A_77, %add3A_212 : i32
        %get3A_214 = arith.index_cast %add3A_213 : i32 to index
        %get3A_215 = tpu.vector_load %arg7[%get3A_214] {strides = array<i32>} : memref<4096xf32, #tpu.memory_space<vmem>>, vector<16xf32>,
        %get3A_216 = vector.shape_cast %get3A_215 : vector<16xf32> to vector<16xf32>
        %add3A_217 = arith.constant 320 : i32
        %add3A_218 = arith.addi %mul3A_77, %add3A_217 : i32
        %get3A_219 = arith.index_cast %add3A_218 : i32 to index
        %get3A_220 = tpu.vector_load %arg7[%get3A_219] {strides = array<i32>} : memref<4096xf32, #tpu.memory_space<vmem>>, vector<16xf32>,
        %get3A_221 = vector.shape_cast %get3A_220 : vector<16xf32> to vector<16xf32>
        %add3A_222 = arith.constant 336 : i32
        %add3A_223 = arith.addi %mul3A_77, %add3A_222 : i32
        %get3A_224 = arith.index_cast %add3A_223 : i32 to index
        %get3A_225 = tpu.vector_load %arg7[%get3A_224] {strides = array<i32>} : memref<4096xf32, #tpu.memory_space<vmem>>, vector<16xf32>,
        %get3A_226 = vector.shape_cast %get3A_225 : vector<16xf32> to vector<16xf32>
        %add3A_227 = arith.constant 352 : i32
        %add3A_228 = arith.addi %mul3A_77, %add3A_227 : i32
        %get3A_229 = arith.index_cast %add3A_228 : i32 to index
        %get3A_230 = tpu.vector_load %arg7[%get3A_229] {strides = array<i32>} : memref<4096xf32, #tpu.memory_space<vmem>>, vector<16xf32>,
        %get3A_231 = vector.shape_cast %get3A_230 : vector<16xf32> to vector<16xf32>
        %add3A_232 = arith.constant 368 : i32
        %add3A_233 = arith.addi %mul3A_77, %add3A_232 : i32
        %get3A_234 = arith.index_cast %add3A_233 : i32 to index
        %get3A_235 = tpu.vector_load %arg7[%get3A_234] {strides = array<i32>} : memref<4096xf32, #tpu.memory_space<vmem>>, vector<16xf32>,
        %get3A_236 = vector.shape_cast %get3A_235 : vector<16xf32> to vector<16xf32>
        %add3A_237 = arith.constant 384 : i32
        %add3A_238 = arith.addi %mul3A_77, %add3A_237 : i32
        %get3A_239 = arith.index_cast %add3A_238 : i32 to index
        %get3A_240 = tpu.vector_load %arg7[%get3A_239] {strides = array<i32>} : memref<4096xf32, #tpu.memory_space<vmem>>, vector<16xf32>,
        %get3A_241 = vector.shape_cast %get3A_240 : vector<16xf32> to vector<16xf32>
        %add3A_242 = arith.constant 400 : i32
        %add3A_243 = arith.addi %mul3A_77, %add3A_242 : i32
        %get3A_244 = arith.index_cast %add3A_243 : i32 to index
        %get3A_245 = tpu.vector_load %arg7[%get3A_244] {strides = array<i32>} : memref<4096xf32, #tpu.memory_space<vmem>>, vector<16xf32>,
        %get3A_246 = vector.shape_cast %get3A_245 : vector<16xf32> to vector<16xf32>
        %add3A_247 = arith.constant 416 : i32
        %add3A_248 = arith.addi %mul3A_77, %add3A_247 : i32
        %get3A_249 = arith.index_cast %add3A_248 : i32 to index
        %get3A_250 = tpu.vector_load %arg7[%get3A_249] {strides = array<i32>} : memref<4096xf32, #tpu.memory_space<vmem>>, vector<16xf32>,
        %get3A_251 = vector.shape_cast %get3A_250 : vector<16xf32> to vector<16xf32>
        %add3A_252 = arith.constant 432 : i32
        %add3A_253 = arith.addi %mul3A_77, %add3A_252 : i32
        %get3A_254 = arith.index_cast %add3A_253 : i32 to index
        %get3A_255 = tpu.vector_load %arg7[%get3A_254] {strides = array<i32>} : memref<4096xf32, #tpu.memory_space<vmem>>, vector<16xf32>,
        %get3A_256 = vector.shape_cast %get3A_255 : vector<16xf32> to vector<16xf32>
        %add3A_257 = arith.constant 448 : i32
        %add3A_258 = arith.addi %mul3A_77, %add3A_257 : i32
        %get3A_259 = arith.index_cast %add3A_258 : i32 to index
        %get3A_260 = tpu.vector_load %arg7[%get3A_259] {strides = array<i32>} : memref<4096xf32, #tpu.memory_space<vmem>>, vector<16xf32>,
        %get3A_261 = vector.shape_cast %get3A_260 : vector<16xf32> to vector<16xf32>
        %add3A_262 = arith.constant 464 : i32
        %add3A_263 = arith.addi %mul3A_77, %add3A_262 : i32
        %get3A_264 = arith.index_cast %add3A_263 : i32 to index
        %get3A_265 = tpu.vector_load %arg7[%get3A_264] {strides = array<i32>} : memref<4096xf32, #tpu.memory_space<vmem>>, vector<16xf32>,
        %get3A_266 = vector.shape_cast %get3A_265 : vector<16xf32> to vector<16xf32>
        %add3A_267 = arith.constant 480 : i32
        %add3A_268 = arith.addi %mul3A_77, %add3A_267 : i32
        %get3A_269 = arith.index_cast %add3A_268 : i32 to index
        %get3A_270 = tpu.vector_load %arg7[%get3A_269] {strides = array<i32>} : memref<4096xf32, #tpu.memory_space<vmem>>, vector<16xf32>,
        %get3A_271 = vector.shape_cast %get3A_270 : vector<16xf32> to vector<16xf32>
        %add3A_272 = arith.constant 496 : i32
        %add3A_273 = arith.addi %mul3A_77, %add3A_272 : i32
        %get3A_274 = arith.index_cast %add3A_273 : i32 to index
        %get3A_275 = tpu.vector_load %arg7[%get3A_274] {strides = array<i32>} : memref<4096xf32, #tpu.memory_space<vmem>>, vector<16xf32>,
        %get3A_276 = vector.shape_cast %get3A_275 : vector<16xf32> to vector<16xf32>
        %scan3A_277 = arith.constant 0 : i32
        %scan3A_278 = arith.constant 32 : i32
        %scan3A_279 = arith.addi %scan3A_277, %scan3A_278 : i32
        %scan3A_280 = arith.constant 1 : i32
        scf.for %scan3A_282 = %scan3A_277 to %scan3A_279 step %scan3A_280  : i32 {
          %swap3A = arith.index_cast %sub3A_69 : i32 to index
          %swap3A_283 = arith.index_cast %scan3A_282 : i32 to index
          %swap3A_284 = arith.constant 0 : index
          %swap3A_285 = tpu.vector_load %arg8[%swap3A, %swap3A_283, %swap3A_284] {strides = array<i32>} : memref<4x32x512xf32, #tpu.memory_space<vmem>>, vector<1x1x16xf32>,
          %swap3A_286 = vector.shape_cast %swap3A_285 : vector<1x1x16xf32> to vector<16xf32>
          %swap3A_287 = vector.shape_cast %get3A_121 : vector<16xf32> to vector<1x1x16xf32>
          tpu.vector_store %arg8[%swap3A, %swap3A_283, %swap3A_284], %swap3A_287 {strides = array<i32>} : memref<4x32x512xf32, #tpu.memory_space<vmem>>, vector<1x1x16xf32>,
          %swap3A_288 = arith.index_cast %sub3A_69 : i32 to index
          %swap3A_289 = arith.index_cast %scan3A_282 : i32 to index
          %swap3A_290 = arith.constant 16 : index
          %swap3A_291 = tpu.vector_load %arg8[%swap3A_288, %swap3A_289, %swap3A_290] {strides = array<i32>} : memref<4x32x512xf32, #tpu.memory_space<vmem>>, vector<1x1x16xf32>,
          %swap3A_292 = vector.shape_cast %swap3A_291 : vector<1x1x16xf32> to vector<16xf32>
          %swap3A_293 = vector.shape_cast %get3A_126 : vector<16xf32> to vector<1x1x16xf32>
          tpu.vector_store %arg8[%swap3A_288, %swap3A_289, %swap3A_290], %swap3A_293 {strides = array<i32>} : memref<4x32x512xf32, #tpu.memory_space<vmem>>, vector<1x1x16xf32>,
          %swap3A_294 = arith.index_cast %sub3A_69 : i32 to index
          %swap3A_295 = arith.index_cast %scan3A_282 : i32 to index
          %swap3A_296 = arith.constant 32 : index
          %swap3A_297 = tpu.vector_load %arg8[%swap3A_294, %swap3A_295, %swap3A_296] {strides = array<i32>} : memref<4x32x512xf32, #tpu.memory_space<vmem>>, vector<1x1x16xf32>,
          %swap3A_298 = vector.shape_cast %swap3A_297 : vector<1x1x16xf32> to vector<16xf32>
          %swap3A_299 = vector.shape_cast %get3A_131 : vector<16xf32> to vector<1x1x16xf32>
          tpu.vector_store %arg8[%swap3A_294, %swap3A_295, %swap3A_296], %swap3A_299 {strides = array<i32>} : memref<4x32x512xf32, #tpu.memory_space<vmem>>, vector<1x1x16xf32>,
          %swap3A_300 = arith.index_cast %sub3A_69 : i32 to index
          %swap3A_301 = arith.index_cast %scan3A_282 : i32 to index
          %swap3A_302 = arith.constant 48 : index
          %swap3A_303 = tpu.vector_load %arg8[%swap3A_300, %swap3A_301, %swap3A_302] {strides = array<i32>} : memref<4x32x512xf32, #tpu.memory_space<vmem>>, vector<1x1x16xf32>,
          %swap3A_304 = vector.shape_cast %swap3A_303 : vector<1x1x16xf32> to vector<16xf32>
          %swap3A_305 = vector.shape_cast %get3A_136 : vector<16xf32> to vector<1x1x16xf32>
          tpu.vector_store %arg8[%swap3A_300, %swap3A_301, %swap3A_302], %swap3A_305 {strides = array<i32>} : memref<4x32x512xf32, #tpu.memory_space<vmem>>, vector<1x1x16xf32>,
          %swap3A_306 = arith.index_cast %sub3A_69 : i32 to index
          %swap3A_307 = arith.index_cast %scan3A_282 : i32 to index
          %swap3A_308 = arith.constant 64 : index
          %swap3A_309 = tpu.vector_load %arg8[%swap3A_306, %swap3A_307, %swap3A_308] {strides = array<i32>} : memref<4x32x512xf32, #tpu.memory_space<vmem>>, vector<1x1x16xf32>,
          %swap3A_310 = vector.shape_cast %swap3A_309 : vector<1x1x16xf32> to vector<16xf32>
          %swap3A_311 = vector.shape_cast %get3A_141 : vector<16xf32> to vector<1x1x16xf32>
          tpu.vector_store %arg8[%swap3A_306, %swap3A_307, %swap3A_308], %swap3A_311 {strides = array<i32>} : memref<4x32x512xf32, #tpu.memory_space<vmem>>, vector<1x1x16xf32>,
          %swap3A_312 = arith.index_cast %sub3A_69 : i32 to index
          %swap3A_313 = arith.index_cast %scan3A_282 : i32 to index
          %swap3A_314 = arith.constant 80 : index
          %swap3A_315 = tpu.vector_load %arg8[%swap3A_312, %swap3A_313, %swap3A_314] {strides = array<i32>} : memref<4x32x512xf32, #tpu.memory_space<vmem>>, vector<1x1x16xf32>,
          %swap3A_316 = vector.shape_cast %swap3A_315 : vector<1x1x16xf32> to vector<16xf32>
          %swap3A_317 = vector.shape_cast %get3A_146 : vector<16xf32> to vector<1x1x16xf32>
          tpu.vector_store %arg8[%swap3A_312, %swap3A_313, %swap3A_314], %swap3A_317 {strides = array<i32>} : memref<4x32x512xf32, #tpu.memory_space<vmem>>, vector<1x1x16xf32>,
          %swap3A_318 = arith.index_cast %sub3A_69 : i32 to index
          %swap3A_319 = arith.index_cast %scan3A_282 : i32 to index
          %swap3A_320 = arith.constant 96 : index
          %swap3A_321 = tpu.vector_load %arg8[%swap3A_318, %swap3A_319, %swap3A_320] {strides = array<i32>} : memref<4x32x512xf32, #tpu.memory_space<vmem>>, vector<1x1x16xf32>,
          %swap3A_322 = vector.shape_cast %swap3A_321 : vector<1x1x16xf32> to vector<16xf32>
          %swap3A_323 = vector.shape_cast %get3A_151 : vector<16xf32> to vector<1x1x16xf32>
          tpu.vector_store %arg8[%swap3A_318, %swap3A_319, %swap3A_320], %swap3A_323 {strides = array<i32>} : memref<4x32x512xf32, #tpu.memory_space<vmem>>, vector<1x1x16xf32>,
          %swap3A_324 = arith.index_cast %sub3A_69 : i32 to index
          %swap3A_325 = arith.index_cast %scan3A_282 : i32 to index
          %swap3A_326 = arith.constant 112 : index
          %swap3A_327 = tpu.vector_load %arg8[%swap3A_324, %swap3A_325, %swap3A_326] {strides = array<i32>} : memref<4x32x512xf32, #tpu.memory_space<vmem>>, vector<1x1x16xf32>,
          %swap3A_328 = vector.shape_cast %swap3A_327 : vector<1x1x16xf32> to vector<16xf32>
          %swap3A_329 = vector.shape_cast %get3A_156 : vector<16xf32> to vector<1x1x16xf32>
          tpu.vector_store %arg8[%swap3A_324, %swap3A_325, %swap3A_326], %swap3A_329 {strides = array<i32>} : memref<4x32x512xf32, #tpu.memory_space<vmem>>, vector<1x1x16xf32>,
          %swap3A_330 = arith.index_cast %sub3A_69 : i32 to index
          %swap3A_331 = arith.index_cast %scan3A_282 : i32 to index
          %swap3A_332 = arith.constant 128 : index
          %swap3A_333 = tpu.vector_load %arg8[%swap3A_330, %swap3A_331, %swap3A_332] {strides = array<i32>} : memref<4x32x512xf32, #tpu.memory_space<vmem>>, vector<1x1x16xf32>,
          %swap3A_334 = vector.shape_cast %swap3A_333 : vector<1x1x16xf32> to vector<16xf32>
          %swap3A_335 = vector.shape_cast %get3A_161 : vector<16xf32> to vector<1x1x16xf32>
          tpu.vector_store %arg8[%swap3A_330, %swap3A_331, %swap3A_332], %swap3A_335 {strides = array<i32>} : memref<4x32x512xf32, #tpu.memory_space<vmem>>, vector<1x1x16xf32>,
          %swap3A_336 = arith.index_cast %sub3A_69 : i32 to index
          %swap3A_337 = arith.index_cast %scan3A_282 : i32 to index
          %swap3A_338 = arith.constant 144 : index
          %swap3A_339 = tpu.vector_load %arg8[%swap3A_336, %swap3A_337, %swap3A_338] {strides = array<i32>} : memref<4x32x512xf32, #tpu.memory_space<vmem>>, vector<1x1x16xf32>,
          %swap3A_340 = vector.shape_cast %swap3A_339 : vector<1x1x16xf32> to vector<16xf32>
          %swap3A_341 = vector.shape_cast %get3A_166 : vector<16xf32> to vector<1x1x16xf32>
          tpu.vector_store %arg8[%swap3A_336, %swap3A_337, %swap3A_338], %swap3A_341 {strides = array<i32>} : memref<4x32x512xf32, #tpu.memory_space<vmem>>, vector<1x1x16xf32>,
          %swap3A_342 = arith.index_cast %sub3A_69 : i32 to index
          %swap3A_343 = arith.index_cast %scan3A_282 : i32 to index
          %swap3A_344 = arith.constant 160 : index
          %swap3A_345 = tpu.vector_load %arg8[%swap3A_342, %swap3A_343, %swap3A_344] {strides = array<i32>} : memref<4x32x512xf32, #tpu.memory_space<vmem>>, vector<1x1x16xf32>,
          %swap3A_346 = vector.shape_cast %swap3A_345 : vector<1x1x16xf32> to vector<16xf32>
          %swap3A_347 = vector.shape_cast %get3A_171 : vector<16xf32> to vector<1x1x16xf32>
          tpu.vector_store %arg8[%swap3A_342, %swap3A_343, %swap3A_344], %swap3A_347 {strides = array<i32>} : memref<4x32x512xf32, #tpu.memory_space<vmem>>, vector<1x1x16xf32>,
          %swap3A_348 = arith.index_cast %sub3A_69 : i32 to index
          %swap3A_349 = arith.index_cast %scan3A_282 : i32 to index
          %swap3A_350 = arith.constant 176 : index
          %swap3A_351 = tpu.vector_load %arg8[%swap3A_348, %swap3A_349, %swap3A_350] {strides = array<i32>} : memref<4x32x512xf32, #tpu.memory_space<vmem>>, vector<1x1x16xf32>,
          %swap3A_352 = vector.shape_cast %swap3A_351 : vector<1x1x16xf32> to vector<16xf32>
          %swap3A_353 = vector.shape_cast %get3A_176 : vector<16xf32> to vector<1x1x16xf32>
          tpu.vector_store %arg8[%swap3A_348, %swap3A_349, %swap3A_350], %swap3A_353 {strides = array<i32>} : memref<4x32x512xf32, #tpu.memory_space<vmem>>, vector<1x1x16xf32>,
          %swap3A_354 = arith.index_cast %sub3A_69 : i32 to index
          %swap3A_355 = arith.index_cast %scan3A_282 : i32 to index
          %swap3A_356 = arith.constant 192 : index
          %swap3A_357 = tpu.vector_load %arg8[%swap3A_354, %swap3A_355, %swap3A_356] {strides = array<i32>} : memref<4x32x512xf32, #tpu.memory_space<vmem>>, vector<1x1x16xf32>,
          %swap3A_358 = vector.shape_cast %swap3A_357 : vector<1x1x16xf32> to vector<16xf32>
          %swap3A_359 = vector.shape_cast %get3A_181 : vector<16xf32> to vector<1x1x16xf32>
          tpu.vector_store %arg8[%swap3A_354, %swap3A_355, %swap3A_356], %swap3A_359 {strides = array<i32>} : memref<4x32x512xf32, #tpu.memory_space<vmem>>, vector<1x1x16xf32>,
          %swap3A_360 = arith.index_cast %sub3A_69 : i32 to index
          %swap3A_361 = arith.index_cast %scan3A_282 : i32 to index
          %swap3A_362 = arith.constant 208 : index
          %swap3A_363 = tpu.vector_load %arg8[%swap3A_360, %swap3A_361, %swap3A_362] {strides = array<i32>} : memref<4x32x512xf32, #tpu.memory_space<vmem>>, vector<1x1x16xf32>,
          %swap3A_364 = vector.shape_cast %swap3A_363 : vector<1x1x16xf32> to vector<16xf32>
          %swap3A_365 = vector.shape_cast %get3A_186 : vector<16xf32> to vector<1x1x16xf32>
          tpu.vector_store %arg8[%swap3A_360, %swap3A_361, %swap3A_362], %swap3A_365 {strides = array<i32>} : memref<4x32x512xf32, #tpu.memory_space<vmem>>, vector<1x1x16xf32>,
          %swap3A_366 = arith.index_cast %sub3A_69 : i32 to index
          %swap3A_367 = arith.index_cast %scan3A_282 : i32 to index
          %swap3A_368 = arith.constant 224 : index
          %swap3A_369 = tpu.vector_load %arg8[%swap3A_366, %swap3A_367, %swap3A_368] {strides = array<i32>} : memref<4x32x512xf32, #tpu.memory_space<vmem>>, vector<1x1x16xf32>,
          %swap3A_370 = vector.shape_cast %swap3A_369 : vector<1x1x16xf32> to vector<16xf32>
          %swap3A_371 = vector.shape_cast %get3A_191 : vector<16xf32> to vector<1x1x16xf32>
          tpu.vector_store %arg8[%swap3A_366, %swap3A_367, %swap3A_368], %swap3A_371 {strides = array<i32>} : memref<4x32x512xf32, #tpu.memory_space<vmem>>, vector<1x1x16xf32>,
          %swap3A_372 = arith.index_cast %sub3A_69 : i32 to index
          %swap3A_373 = arith.index_cast %scan3A_282 : i32 to index
          %swap3A_374 = arith.constant 240 : index
          %swap3A_375 = tpu.vector_load %arg8[%swap3A_372, %swap3A_373, %swap3A_374] {strides = array<i32>} : memref<4x32x512xf32, #tpu.memory_space<vmem>>, vector<1x1x16xf32>,
          %swap3A_376 = vector.shape_cast %swap3A_375 : vector<1x1x16xf32> to vector<16xf32>
          %swap3A_377 = vector.shape_cast %get3A_196 : vector<16xf32> to vector<1x1x16xf32>
          tpu.vector_store %arg8[%swap3A_372, %swap3A_373, %swap3A_374], %swap3A_377 {strides = array<i32>} : memref<4x32x512xf32, #tpu.memory_space<vmem>>, vector<1x1x16xf32>,
          %swap3A_378 = arith.index_cast %sub3A_69 : i32 to index
          %swap3A_379 = arith.index_cast %scan3A_282 : i32 to index
          %swap3A_380 = arith.constant 256 : index
          %swap3A_381 = tpu.vector_load %arg8[%swap3A_378, %swap3A_379, %swap3A_380] {strides = array<i32>} : memref<4x32x512xf32, #tpu.memory_space<vmem>>, vector<1x1x16xf32>,
          %swap3A_382 = vector.shape_cast %swap3A_381 : vector<1x1x16xf32> to vector<16xf32>
          %swap3A_383 = vector.shape_cast %get3A_201 : vector<16xf32> to vector<1x1x16xf32>
          tpu.vector_store %arg8[%swap3A_378, %swap3A_379, %swap3A_380], %swap3A_383 {strides = array<i32>} : memref<4x32x512xf32, #tpu.memory_space<vmem>>, vector<1x1x16xf32>,
          %swap3A_384 = arith.index_cast %sub3A_69 : i32 to index
          %swap3A_385 = arith.index_cast %scan3A_282 : i32 to index
          %swap3A_386 = arith.constant 272 : index
          %swap3A_387 = tpu.vector_load %arg8[%swap3A_384, %swap3A_385, %swap3A_386] {strides = array<i32>} : memref<4x32x512xf32, #tpu.memory_space<vmem>>, vector<1x1x16xf32>,
          %swap3A_388 = vector.shape_cast %swap3A_387 : vector<1x1x16xf32> to vector<16xf32>
          %swap3A_389 = vector.shape_cast %get3A_206 : vector<16xf32> to vector<1x1x16xf32>
          tpu.vector_store %arg8[%swap3A_384, %swap3A_385, %swap3A_386], %swap3A_389 {strides = array<i32>} : memref<4x32x512xf32, #tpu.memory_space<vmem>>, vector<1x1x16xf32>,
          %swap3A_390 = arith.index_cast %sub3A_69 : i32 to index
          %swap3A_391 = arith.index_cast %scan3A_282 : i32 to index
          %swap3A_392 = arith.constant 288 : index
          %swap3A_393 = tpu.vector_load %arg8[%swap3A_390, %swap3A_391, %swap3A_392] {strides = array<i32>} : memref<4x32x512xf32, #tpu.memory_space<vmem>>, vector<1x1x16xf32>,
          %swap3A_394 = vector.shape_cast %swap3A_393 : vector<1x1x16xf32> to vector<16xf32>
          %swap3A_395 = vector.shape_cast %get3A_211 : vector<16xf32> to vector<1x1x16xf32>
          tpu.vector_store %arg8[%swap3A_390, %swap3A_391, %swap3A_392], %swap3A_395 {strides = array<i32>} : memref<4x32x512xf32, #tpu.memory_space<vmem>>, vector<1x1x16xf32>,
          %swap3A_396 = arith.index_cast %sub3A_69 : i32 to index
          %swap3A_397 = arith.index_cast %scan3A_282 : i32 to index
          %swap3A_398 = arith.constant 304 : index
          %swap3A_399 = tpu.vector_load %arg8[%swap3A_396, %swap3A_397, %swap3A_398] {strides = array<i32>} : memref<4x32x512xf32, #tpu.memory_space<vmem>>, vector<1x1x16xf32>,
          %swap3A_400 = vector.shape_cast %swap3A_399 : vector<1x1x16xf32> to vector<16xf32>
          %swap3A_401 = vector.shape_cast %get3A_216 : vector<16xf32> to vector<1x1x16xf32>
          tpu.vector_store %arg8[%swap3A_396, %swap3A_397, %swap3A_398], %swap3A_401 {strides = array<i32>} : memref<4x32x512xf32, #tpu.memory_space<vmem>>, vector<1x1x16xf32>,
          %swap3A_402 = arith.index_cast %sub3A_69 : i32 to index
          %swap3A_403 = arith.index_cast %scan3A_282 : i32 to index
          %swap3A_404 = arith.constant 320 : index
          %swap3A_405 = tpu.vector_load %arg8[%swap3A_402, %swap3A_403, %swap3A_404] {strides = array<i32>} : memref<4x32x512xf32, #tpu.memory_space<vmem>>, vector<1x1x16xf32>,
          %swap3A_406 = vector.shape_cast %swap3A_405 : vector<1x1x16xf32> to vector<16xf32>
          %swap3A_407 = vector.shape_cast %get3A_221 : vector<16xf32> to vector<1x1x16xf32>
          tpu.vector_store %arg8[%swap3A_402, %swap3A_403, %swap3A_404], %swap3A_407 {strides = array<i32>} : memref<4x32x512xf32, #tpu.memory_space<vmem>>, vector<1x1x16xf32>,
          %swap3A_408 = arith.index_cast %sub3A_69 : i32 to index
          %swap3A_409 = arith.index_cast %scan3A_282 : i32 to index
          %swap3A_410 = arith.constant 336 : index
          %swap3A_411 = tpu.vector_load %arg8[%swap3A_408, %swap3A_409, %swap3A_410] {strides = array<i32>} : memref<4x32x512xf32, #tpu.memory_space<vmem>>, vector<1x1x16xf32>,
          %swap3A_412 = vector.shape_cast %swap3A_411 : vector<1x1x16xf32> to vector<16xf32>
          %swap3A_413 = vector.shape_cast %get3A_226 : vector<16xf32> to vector<1x1x16xf32>
          tpu.vector_store %arg8[%swap3A_408, %swap3A_409, %swap3A_410], %swap3A_413 {strides = array<i32>} : memref<4x32x512xf32, #tpu.memory_space<vmem>>, vector<1x1x16xf32>,
          %swap3A_414 = arith.index_cast %sub3A_69 : i32 to index
          %swap3A_415 = arith.index_cast %scan3A_282 : i32 to index
          %swap3A_416 = arith.constant 352 : index
          %swap3A_417 = tpu.vector_load %arg8[%swap3A_414, %swap3A_415, %swap3A_416] {strides = array<i32>} : memref<4x32x512xf32, #tpu.memory_space<vmem>>, vector<1x1x16xf32>,
          %swap3A_418 = vector.shape_cast %swap3A_417 : vector<1x1x16xf32> to vector<16xf32>
          %swap3A_419 = vector.shape_cast %get3A_231 : vector<16xf32> to vector<1x1x16xf32>
          tpu.vector_store %arg8[%swap3A_414, %swap3A_415, %swap3A_416], %swap3A_419 {strides = array<i32>} : memref<4x32x512xf32, #tpu.memory_space<vmem>>, vector<1x1x16xf32>,
          %swap3A_420 = arith.index_cast %sub3A_69 : i32 to index
          %swap3A_421 = arith.index_cast %scan3A_282 : i32 to index
          %swap3A_422 = arith.constant 368 : index
          %swap3A_423 = tpu.vector_load %arg8[%swap3A_420, %swap3A_421, %swap3A_422] {strides = array<i32>} : memref<4x32x512xf32, #tpu.memory_space<vmem>>, vector<1x1x16xf32>,
          %swap3A_424 = vector.shape_cast %swap3A_423 : vector<1x1x16xf32> to vector<16xf32>
          %swap3A_425 = vector.shape_cast %get3A_236 : vector<16xf32> to vector<1x1x16xf32>
          tpu.vector_store %arg8[%swap3A_420, %swap3A_421, %swap3A_422], %swap3A_425 {strides = array<i32>} : memref<4x32x512xf32, #tpu.memory_space<vmem>>, vector<1x1x16xf32>,
          %swap3A_426 = arith.index_cast %sub3A_69 : i32 to index
          %swap3A_427 = arith.index_cast %scan3A_282 : i32 to index
          %swap3A_428 = arith.constant 384 : index
          %swap3A_429 = tpu.vector_load %arg8[%swap3A_426, %swap3A_427, %swap3A_428] {strides = array<i32>} : memref<4x32x512xf32, #tpu.memory_space<vmem>>, vector<1x1x16xf32>,
          %swap3A_430 = vector.shape_cast %swap3A_429 : vector<1x1x16xf32> to vector<16xf32>
          %swap3A_431 = vector.shape_cast %get3A_241 : vector<16xf32> to vector<1x1x16xf32>
          tpu.vector_store %arg8[%swap3A_426, %swap3A_427, %swap3A_428], %swap3A_431 {strides = array<i32>} : memref<4x32x512xf32, #tpu.memory_space<vmem>>, vector<1x1x16xf32>,
          %swap3A_432 = arith.index_cast %sub3A_69 : i32 to index
          %swap3A_433 = arith.index_cast %scan3A_282 : i32 to index
          %swap3A_434 = arith.constant 400 : index
          %swap3A_435 = tpu.vector_load %arg8[%swap3A_432, %swap3A_433, %swap3A_434] {strides = array<i32>} : memref<4x32x512xf32, #tpu.memory_space<vmem>>, vector<1x1x16xf32>,
          %swap3A_436 = vector.shape_cast %swap3A_435 : vector<1x1x16xf32> to vector<16xf32>
          %swap3A_437 = vector.shape_cast %get3A_246 : vector<16xf32> to vector<1x1x16xf32>
          tpu.vector_store %arg8[%swap3A_432, %swap3A_433, %swap3A_434], %swap3A_437 {strides = array<i32>} : memref<4x32x512xf32, #tpu.memory_space<vmem>>, vector<1x1x16xf32>,
          %swap3A_438 = arith.index_cast %sub3A_69 : i32 to index
          %swap3A_439 = arith.index_cast %scan3A_282 : i32 to index
          %swap3A_440 = arith.constant 416 : index
          %swap3A_441 = tpu.vector_load %arg8[%swap3A_438, %swap3A_439, %swap3A_440] {strides = array<i32>} : memref<4x32x512xf32, #tpu.memory_space<vmem>>, vector<1x1x16xf32>,
          %swap3A_442 = vector.shape_cast %swap3A_441 : vector<1x1x16xf32> to vector<16xf32>
          %swap3A_443 = vector.shape_cast %get3A_251 : vector<16xf32> to vector<1x1x16xf32>
          tpu.vector_store %arg8[%swap3A_438, %swap3A_439, %swap3A_440], %swap3A_443 {strides = array<i32>} : memref<4x32x512xf32, #tpu.memory_space<vmem>>, vector<1x1x16xf32>,
          %swap3A_444 = arith.index_cast %sub3A_69 : i32 to index
          %swap3A_445 = arith.index_cast %scan3A_282 : i32 to index
          %swap3A_446 = arith.constant 432 : index
          %swap3A_447 = tpu.vector_load %arg8[%swap3A_444, %swap3A_445, %swap3A_446] {strides = array<i32>} : memref<4x32x512xf32, #tpu.memory_space<vmem>>, vector<1x1x16xf32>,
          %swap3A_448 = vector.shape_cast %swap3A_447 : vector<1x1x16xf32> to vector<16xf32>
          %swap3A_449 = vector.shape_cast %get3A_256 : vector<16xf32> to vector<1x1x16xf32>
          tpu.vector_store %arg8[%swap3A_444, %swap3A_445, %swap3A_446], %swap3A_449 {strides = array<i32>} : memref<4x32x512xf32, #tpu.memory_space<vmem>>, vector<1x1x16xf32>,
          %swap3A_450 = arith.index_cast %sub3A_69 : i32 to index
          %swap3A_451 = arith.index_cast %scan3A_282 : i32 to index
          %swap3A_452 = arith.constant 448 : index
          %swap3A_453 = tpu.vector_load %arg8[%swap3A_450, %swap3A_451, %swap3A_452] {strides = array<i32>} : memref<4x32x512xf32, #tpu.memory_space<vmem>>, vector<1x1x16xf32>,
          %swap3A_454 = vector.shape_cast %swap3A_453 : vector<1x1x16xf32> to vector<16xf32>
          %swap3A_455 = vector.shape_cast %get3A_261 : vector<16xf32> to vector<1x1x16xf32>
          tpu.vector_store %arg8[%swap3A_450, %swap3A_451, %swap3A_452], %swap3A_455 {strides = array<i32>} : memref<4x32x512xf32, #tpu.memory_space<vmem>>, vector<1x1x16xf32>,
          %swap3A_456 = arith.index_cast %sub3A_69 : i32 to index
          %swap3A_457 = arith.index_cast %scan3A_282 : i32 to index
          %swap3A_458 = arith.constant 464 : index
          %swap3A_459 = tpu.vector_load %arg8[%swap3A_456, %swap3A_457, %swap3A_458] {strides = array<i32>} : memref<4x32x512xf32, #tpu.memory_space<vmem>>, vector<1x1x16xf32>,
          %swap3A_460 = vector.shape_cast %swap3A_459 : vector<1x1x16xf32> to vector<16xf32>
          %swap3A_461 = vector.shape_cast %get3A_266 : vector<16xf32> to vector<1x1x16xf32>
          tpu.vector_store %arg8[%swap3A_456, %swap3A_457, %swap3A_458], %swap3A_461 {strides = array<i32>} : memref<4x32x512xf32, #tpu.memory_space<vmem>>, vector<1x1x16xf32>,
          %swap3A_462 = arith.index_cast %sub3A_69 : i32 to index
          %swap3A_463 = arith.index_cast %scan3A_282 : i32 to index
          %swap3A_464 = arith.constant 480 : index
          %swap3A_465 = tpu.vector_load %arg8[%swap3A_462, %swap3A_463, %swap3A_464] {strides = array<i32>} : memref<4x32x512xf32, #tpu.memory_space<vmem>>, vector<1x1x16xf32>,
          %swap3A_466 = vector.shape_cast %swap3A_465 : vector<1x1x16xf32> to vector<16xf32>
          %swap3A_467 = vector.shape_cast %get3A_271 : vector<16xf32> to vector<1x1x16xf32>
          tpu.vector_store %arg8[%swap3A_462, %swap3A_463, %swap3A_464], %swap3A_467 {strides = array<i32>} : memref<4x32x512xf32, #tpu.memory_space<vmem>>, vector<1x1x16xf32>,
          %swap3A_468 = arith.index_cast %sub3A_69 : i32 to index
          %swap3A_469 = arith.index_cast %scan3A_282 : i32 to index
          %swap3A_470 = arith.constant 496 : index
          %swap3A_471 = tpu.vector_load %arg8[%swap3A_468, %swap3A_469, %swap3A_470] {strides = array<i32>} : memref<4x32x512xf32, #tpu.memory_space<vmem>>, vector<1x1x16xf32>,
          %swap3A_472 = vector.shape_cast %swap3A_471 : vector<1x1x16xf32> to vector<16xf32>
          %swap3A_473 = vector.shape_cast %get3A_276 : vector<16xf32> to vector<1x1x16xf32>
          tpu.vector_store %arg8[%swap3A_468, %swap3A_469, %swap3A_470], %swap3A_473 {strides = array<i32>} : memref<4x32x512xf32, #tpu.memory_space<vmem>>, vector<1x1x16xf32>,
        }
        %scan3A_281 = arith.constant 32 : i32
      } else {
      }
      %and3A_82 = arith.constant 15 : i32
      %and3A_83 = arith.andi %while3A_66, %and3A_82 : i32
      %mul3A_84 = arith.constant 64 : i32
      %mul3A_85 = arith.muli %and3A_83, %mul3A_84 : i32
      %add3A_86 = arith.constant 0 : i32
      %add3A_87 = arith.addi %mul3A_85, %add3A_86 : i32
      %dma_start3A_88 = arith.constant 0 : i32
      %dma_start3A_89 = arith.constant 0 : i32
      %dma_start3A_90 = tpu.memref_slice %arg8[%sub3A_69, %dma_start3A_88, %dma_start3A_89] : memref<4x32x512xf32, #tpu.memory_space<vmem>> -> memref<1x32x512xf32, #tpu.memory_space<vmem>>
      %dma_start3A_91 = tpu.memref_squeeze %dma_start3A_90 : memref<1x32x512xf32, #tpu.memory_space<vmem>> -> memref<32x512xf32, #tpu.memory_space<vmem>>
      %dma_start3A_92 = arith.constant 0 : i32
      %dma_start3A_93 = tpu.memref_slice %arg5[%select_n3A_74, %add3A_87, %dma_start3A_92] : memref<77x1024x512xf32, #tpu.memory_space<hbm>> -> memref<1x32x512xf32, #tpu.memory_space<hbm>>
      %dma_start3A_94 = tpu.memref_squeeze %dma_start3A_93 : memref<1x32x512xf32, #tpu.memory_space<hbm>> -> memref<32x512xf32, #tpu.memory_space<hbm>>
      %dma_start3A_95 = arith.constant 0 : i32
      %dma_start3A_96 = tpu.memref_slice %arg5[%select_n3A_74, %add3A_87, %dma_start3A_95] : memref<77x1024x512xf32, #tpu.memory_space<hbm>> -> memref<1x32x512xf32, #tpu.memory_space<hbm>>
      %dma_start3A_97 = tpu.memref_squeeze %dma_start3A_96 : memref<1x32x512xf32, #tpu.memory_space<hbm>> -> memref<32x512xf32, #tpu.memory_space<hbm>>
      %dma_start3A_98 = arith.constant 0 : i32
      %dma_start3A_99 = arith.constant 0 : i32
      %dma_start3A_100 = tpu.memref_slice %arg8[%sub3A_69, %dma_start3A_98, %dma_start3A_99] : memref<4x32x512xf32, #tpu.memory_space<vmem>> -> memref<1x32x512xf32, #tpu.memory_space<vmem>>
      %dma_start3A_101 = tpu.memref_squeeze %dma_start3A_100 : memref<1x32x512xf32, #tpu.memory_space<vmem>> -> memref<32x512xf32, #tpu.memory_space<vmem>>
      tpu.enqueue_dma source(%dma_start3A_101 : memref<32x512xf32, #tpu.memory_space<vmem>>) target(%dma_start3A_97 : memref<32x512xf32, #tpu.memory_space<hbm>>) target_semaphore(%arg13 : memref<!tpu.dma_semaphore, #tpu.memory_space<semaphore_mem>>)
      %add3A_102 = arith.constant 32 : i32
      %add3A_103 = arith.addi %mul3A_85, %add3A_102 : i32
      %dma_start3A_104 = arith.constant 0 : i32
      %dma_start3A_105 = arith.constant 0 : i32
      %dma_start3A_106 = tpu.memref_slice %arg8[%sub3A_69, %dma_start3A_104, %dma_start3A_105] : memref<4x32x512xf32, #tpu.memory_space<vmem>> -> memref<1x32x512xf32, #tpu.memory_space<vmem>>
      %dma_start3A_107 = tpu.memref_squeeze %dma_start3A_106 : memref<1x32x512xf32, #tpu.memory_space<vmem>> -> memref<32x512xf32, #tpu.memory_space<vmem>>
      %dma_start3A_108 = arith.constant 0 : i32
      %dma_start3A_109 = tpu.memref_slice %arg5[%select_n3A_74, %add3A_103, %dma_start3A_108] : memref<77x1024x512xf32, #tpu.memory_space<hbm>> -> memref<1x32x512xf32, #tpu.memory_space<hbm>>
      %dma_start3A_110 = tpu.memref_squeeze %dma_start3A_109 : memref<1x32x512xf32, #tpu.memory_space<hbm>> -> memref<32x512xf32, #tpu.memory_space<hbm>>
      %dma_start3A_111 = arith.constant 0 : i32
      %dma_start3A_112 = tpu.memref_slice %arg5[%select_n3A_74, %add3A_103, %dma_start3A_111] : memref<77x1024x512xf32, #tpu.memory_space<hbm>> -> memref<1x32x512xf32, #tpu.memory_space<hbm>>
      %dma_start3A_113 = tpu.memref_squeeze %dma_start3A_112 : memref<1x32x512xf32, #tpu.memory_space<hbm>> -> memref<32x512xf32, #tpu.memory_space<hbm>>
      %dma_start3A_114 = arith.constant 0 : i32
      %dma_start3A_115 = arith.constant 0 : i32
      %dma_start3A_116 = tpu.memref_slice %arg8[%sub3A_69, %dma_start3A_114, %dma_start3A_115] : memref<4x32x512xf32, #tpu.memory_space<vmem>> -> memref<1x32x512xf32, #tpu.memory_space<vmem>>
      %dma_start3A_117 = tpu.memref_squeeze %dma_start3A_116 : memref<1x32x512xf32, #tpu.memory_space<vmem>> -> memref<32x512xf32, #tpu.memory_space<vmem>>
      tpu.enqueue_dma source(%dma_start3A_117 : memref<32x512xf32, #tpu.memory_space<vmem>>) target(%dma_start3A_113 : memref<32x512xf32, #tpu.memory_space<hbm>>) target_semaphore(%arg13 : memref<!tpu.dma_semaphore, #tpu.memory_space<semaphore_mem>>)
    }
    %while3A_32 = arith.constant 1 : i32
    scf.for %while3A_66 = %while3A_30 to %while3A_26 step %while3A_32  : i32 {
      %shift_right_arithmetic3A_67 = arith.constant 4 : i32
      %shift_right_arithmetic3A_68 = arith.shrsi %while3A_66, %shift_right_arithmetic3A_67 : i32
      %sub3A_69 = arith.subi %shift_right_arithmetic3A_68, %shift_right_arithmetic3A_13 : i32
      %ge3A_70 = arith.constant 6 : i32
      %ge3A_71 = arith.cmpi sge, %shift_right_arithmetic3A_68, %ge3A_70 : i32
      %add3A_72 = arith.constant 4 : i32
      %add3A_73 = arith.addi %shift_right_arithmetic3A_68, %add3A_72 : i32
      %select_n3A_74 = arith.select %ge3A_71, %add3A_73, %shift_right_arithmetic3A_68 : i32
      %sub3A_75 = arith.subi %select_n3A_74, %select_n3A : i32
      %mul3A_76 = arith.constant 512 : i32
      %mul3A_77 = arith.muli %sub3A_75, %mul3A_76 : i32
      %eq3A = arith.cmpi eq, %while3A_66, %shift_right_arithmetic3A_5 : i32
      %and3A = arith.constant 15 : i32
      %and3A_78 = arith.andi %while3A_66, %and3A : i32
      %eq3A_79 = arith.constant 0 : i32
      %eq3A_80 = arith.cmpi eq, %and3A_78, %eq3A_79 : i32
      %or3A = arith.ori %eq3A, %eq3A_80 : i1
      %convert_element_type3A = arith.extui %or3A : i1 to i32
      %cond3A = arith.constant 0 : i32
      %cond3A_81 = arith.cmpi ne, %convert_element_type3A, %cond3A : i32
      scf.if %cond3A_81 {
        %add3A_118 = arith.constant 0 : i32
        %add3A_119 = arith.addi %mul3A_77, %add3A_118 : i32
        %get3A = arith.index_cast %add3A_119 : i32 to index
        %get3A_120 = tpu.vector_load %arg7[%get3A] {strides = array<i32>} : memref<4096xf32, #tpu.memory_space<vmem>>, vector<16xf32>,
        %get3A_121 = vector.shape_cast %get3A_120 : vector<16xf32> to vector<16xf32>
        %add3A_122 = arith.constant 16 : i32
        %add3A_123 = arith.addi %mul3A_77, %add3A_122 : i32
        %get3A_124 = arith.index_cast %add3A_123 : i32 to index
        %get3A_125 = tpu.vector_load %arg7[%get3A_124] {strides = array<i32>} : memref<4096xf32, #tpu.memory_space<vmem>>, vector<16xf32>,
        %get3A_126 = vector.shape_cast %get3A_125 : vector<16xf32> to vector<16xf32>
        %add3A_127 = arith.constant 32 : i32
        %add3A_128 = arith.addi %mul3A_77, %add3A_127 : i32
        %get3A_129 = arith.index_cast %add3A_128 : i32 to index
        %get3A_130 = tpu.vector_load %arg7[%get3A_129] {strides = array<i32>} : memref<4096xf32, #tpu.memory_space<vmem>>, vector<16xf32>,
        %get3A_131 = vector.shape_cast %get3A_130 : vector<16xf32> to vector<16xf32>
        %add3A_132 = arith.constant 48 : i32
        %add3A_133 = arith.addi %mul3A_77, %add3A_132 : i32
        %get3A_134 = arith.index_cast %add3A_133 : i32 to index
        %get3A_135 = tpu.vector_load %arg7[%get3A_134] {strides = array<i32>} : memref<4096xf32, #tpu.memory_space<vmem>>, vector<16xf32>,
        %get3A_136 = vector.shape_cast %get3A_135 : vector<16xf32> to vector<16xf32>
        %add3A_137 = arith.constant 64 : i32
        %add3A_138 = arith.addi %mul3A_77, %add3A_137 : i32
        %get3A_139 = arith.index_cast %add3A_138 : i32 to index
        %get3A_140 = tpu.vector_load %arg7[%get3A_139] {strides = array<i32>} : memref<4096xf32, #tpu.memory_space<vmem>>, vector<16xf32>,
        %get3A_141 = vector.shape_cast %get3A_140 : vector<16xf32> to vector<16xf32>
        %add3A_142 = arith.constant 80 : i32
        %add3A_143 = arith.addi %mul3A_77, %add3A_142 : i32
        %get3A_144 = arith.index_cast %add3A_143 : i32 to index
        %get3A_145 = tpu.vector_load %arg7[%get3A_144] {strides = array<i32>} : memref<4096xf32, #tpu.memory_space<vmem>>, vector<16xf32>,
        %get3A_146 = vector.shape_cast %get3A_145 : vector<16xf32> to vector<16xf32>
        %add3A_147 = arith.constant 96 : i32
        %add3A_148 = arith.addi %mul3A_77, %add3A_147 : i32
        %get3A_149 = arith.index_cast %add3A_148 : i32 to index
        %get3A_150 = tpu.vector_load %arg7[%get3A_149] {strides = array<i32>} : memref<4096xf32, #tpu.memory_space<vmem>>, vector<16xf32>,
        %get3A_151 = vector.shape_cast %get3A_150 : vector<16xf32> to vector<16xf32>
        %add3A_152 = arith.constant 112 : i32
        %add3A_153 = arith.addi %mul3A_77, %add3A_152 : i32
        %get3A_154 = arith.index_cast %add3A_153 : i32 to index
        %get3A_155 = tpu.vector_load %arg7[%get3A_154] {strides = array<i32>} : memref<4096xf32, #tpu.memory_space<vmem>>, vector<16xf32>,
        %get3A_156 = vector.shape_cast %get3A_155 : vector<16xf32> to vector<16xf32>
        %add3A_157 = arith.constant 128 : i32
        %add3A_158 = arith.addi %mul3A_77, %add3A_157 : i32
        %get3A_159 = arith.index_cast %add3A_158 : i32 to index
        %get3A_160 = tpu.vector_load %arg7[%get3A_159] {strides = array<i32>} : memref<4096xf32, #tpu.memory_space<vmem>>, vector<16xf32>,
        %get3A_161 = vector.shape_cast %get3A_160 : vector<16xf32> to vector<16xf32>
        %add3A_162 = arith.constant 144 : i32
        %add3A_163 = arith.addi %mul3A_77, %add3A_162 : i32
        %get3A_164 = arith.index_cast %add3A_163 : i32 to index
        %get3A_165 = tpu.vector_load %arg7[%get3A_164] {strides = array<i32>} : memref<4096xf32, #tpu.memory_space<vmem>>, vector<16xf32>,
        %get3A_166 = vector.shape_cast %get3A_165 : vector<16xf32> to vector<16xf32>
        %add3A_167 = arith.constant 160 : i32
        %add3A_168 = arith.addi %mul3A_77, %add3A_167 : i32
        %get3A_169 = arith.index_cast %add3A_168 : i32 to index
        %get3A_170 = tpu.vector_load %arg7[%get3A_169] {strides = array<i32>} : memref<4096xf32, #tpu.memory_space<vmem>>, vector<16xf32>,
        %get3A_171 = vector.shape_cast %get3A_170 : vector<16xf32> to vector<16xf32>
        %add3A_172 = arith.constant 176 : i32
        %add3A_173 = arith.addi %mul3A_77, %add3A_172 : i32
        %get3A_174 = arith.index_cast %add3A_173 : i32 to index
        %get3A_175 = tpu.vector_load %arg7[%get3A_174] {strides = array<i32>} : memref<4096xf32, #tpu.memory_space<vmem>>, vector<16xf32>,
        %get3A_176 = vector.shape_cast %get3A_175 : vector<16xf32> to vector<16xf32>
        %add3A_177 = arith.constant 192 : i32
        %add3A_178 = arith.addi %mul3A_77, %add3A_177 : i32
        %get3A_179 = arith.index_cast %add3A_178 : i32 to index
        %get3A_180 = tpu.vector_load %arg7[%get3A_179] {strides = array<i32>} : memref<4096xf32, #tpu.memory_space<vmem>>, vector<16xf32>,
        %get3A_181 = vector.shape_cast %get3A_180 : vector<16xf32> to vector<16xf32>
        %add3A_182 = arith.constant 208 : i32
        %add3A_183 = arith.addi %mul3A_77, %add3A_182 : i32
        %get3A_184 = arith.index_cast %add3A_183 : i32 to index
        %get3A_185 = tpu.vector_load %arg7[%get3A_184] {strides = array<i32>} : memref<4096xf32, #tpu.memory_space<vmem>>, vector<16xf32>,
        %get3A_186 = vector.shape_cast %get3A_185 : vector<16xf32> to vector<16xf32>
        %add3A_187 = arith.constant 224 : i32
        %add3A_188 = arith.addi %mul3A_77, %add3A_187 : i32
        %get3A_189 = arith.index_cast %add3A_188 : i32 to index
        %get3A_190 = tpu.vector_load %arg7[%get3A_189] {strides = array<i32>} : memref<4096xf32, #tpu.memory_space<vmem>>, vector<16xf32>,
        %get3A_191 = vector.shape_cast %get3A_190 : vector<16xf32> to vector<16xf32>
        %add3A_192 = arith.constant 240 : i32
        %add3A_193 = arith.addi %mul3A_77, %add3A_192 : i32
        %get3A_194 = arith.index_cast %add3A_193 : i32 to index
        %get3A_195 = tpu.vector_load %arg7[%get3A_194] {strides = array<i32>} : memref<4096xf32, #tpu.memory_space<vmem>>, vector<16xf32>,
        %get3A_196 = vector.shape_cast %get3A_195 : vector<16xf32> to vector<16xf32>
        %add3A_197 = arith.constant 256 : i32
        %add3A_198 = arith.addi %mul3A_77, %add3A_197 : i32
        %get3A_199 = arith.index_cast %add3A_198 : i32 to index
        %get3A_200 = tpu.vector_load %arg7[%get3A_199] {strides = array<i32>} : memref<4096xf32, #tpu.memory_space<vmem>>, vector<16xf32>,
        %get3A_201 = vector.shape_cast %get3A_200 : vector<16xf32> to vector<16xf32>
        %add3A_202 = arith.constant 272 : i32
        %add3A_203 = arith.addi %mul3A_77, %add3A_202 : i32
        %get3A_204 = arith.index_cast %add3A_203 : i32 to index
        %get3A_205 = tpu.vector_load %arg7[%get3A_204] {strides = array<i32>} : memref<4096xf32, #tpu.memory_space<vmem>>, vector<16xf32>,
        %get3A_206 = vector.shape_cast %get3A_205 : vector<16xf32> to vector<16xf32>
        %add3A_207 = arith.constant 288 : i32
        %add3A_208 = arith.addi %mul3A_77, %add3A_207 : i32
        %get3A_209 = arith.index_cast %add3A_208 : i32 to index
        %get3A_210 = tpu.vector_load %arg7[%get3A_209] {strides = array<i32>} : memref<4096xf32, #tpu.memory_space<vmem>>, vector<16xf32>,
        %get3A_211 = vector.shape_cast %get3A_210 : vector<16xf32> to vector<16xf32>
        %add3A_212 = arith.constant 304 : i32
        %add3A_213 = arith.addi %mul3A_77, %add3A_212 : i32
        %get3A_214 = arith.index_cast %add3A_213 : i32 to index
        %get3A_215 = tpu.vector_load %arg7[%get3A_214] {strides = array<i32>} : memref<4096xf32, #tpu.memory_space<vmem>>, vector<16xf32>,
        %get3A_216 = vector.shape_cast %get3A_215 : vector<16xf32> to vector<16xf32>
        %add3A_217 = arith.constant 320 : i32
        %add3A_218 = arith.addi %mul3A_77, %add3A_217 : i32
        %get3A_219 = arith.index_cast %add3A_218 : i32 to index
        %get3A_220 = tpu.vector_load %arg7[%get3A_219] {strides = array<i32>} : memref<4096xf32, #tpu.memory_space<vmem>>, vector<16xf32>,
        %get3A_221 = vector.shape_cast %get3A_220 : vector<16xf32> to vector<16xf32>
        %add3A_222 = arith.constant 336 : i32
        %add3A_223 = arith.addi %mul3A_77, %add3A_222 : i32
        %get3A_224 = arith.index_cast %add3A_223 : i32 to index
        %get3A_225 = tpu.vector_load %arg7[%get3A_224] {strides = array<i32>} : memref<4096xf32, #tpu.memory_space<vmem>>, vector<16xf32>,
        %get3A_226 = vector.shape_cast %get3A_225 : vector<16xf32> to vector<16xf32>
        %add3A_227 = arith.constant 352 : i32
        %add3A_228 = arith.addi %mul3A_77, %add3A_227 : i32
        %get3A_229 = arith.index_cast %add3A_228 : i32 to index
        %get3A_230 = tpu.vector_load %arg7[%get3A_229] {strides = array<i32>} : memref<4096xf32, #tpu.memory_space<vmem>>, vector<16xf32>,
        %get3A_231 = vector.shape_cast %get3A_230 : vector<16xf32> to vector<16xf32>
        %add3A_232 = arith.constant 368 : i32
        %add3A_233 = arith.addi %mul3A_77, %add3A_232 : i32
        %get3A_234 = arith.index_cast %add3A_233 : i32 to index
        %get3A_235 = tpu.vector_load %arg7[%get3A_234] {strides = array<i32>} : memref<4096xf32, #tpu.memory_space<vmem>>, vector<16xf32>,
        %get3A_236 = vector.shape_cast %get3A_235 : vector<16xf32> to vector<16xf32>
        %add3A_237 = arith.constant 384 : i32
        %add3A_238 = arith.addi %mul3A_77, %add3A_237 : i32
        %get3A_239 = arith.index_cast %add3A_238 : i32 to index
        %get3A_240 = tpu.vector_load %arg7[%get3A_239] {strides = array<i32>} : memref<4096xf32, #tpu.memory_space<vmem>>, vector<16xf32>,
        %get3A_241 = vector.shape_cast %get3A_240 : vector<16xf32> to vector<16xf32>
        %add3A_242 = arith.constant 400 : i32
        %add3A_243 = arith.addi %mul3A_77, %add3A_242 : i32
        %get3A_244 = arith.index_cast %add3A_243 : i32 to index
        %get3A_245 = tpu.vector_load %arg7[%get3A_244] {strides = array<i32>} : memref<4096xf32, #tpu.memory_space<vmem>>, vector<16xf32>,
        %get3A_246 = vector.shape_cast %get3A_245 : vector<16xf32> to vector<16xf32>
        %add3A_247 = arith.constant 416 : i32
        %add3A_248 = arith.addi %mul3A_77, %add3A_247 : i32
        %get3A_249 = arith.index_cast %add3A_248 : i32 to index
        %get3A_250 = tpu.vector_load %arg7[%get3A_249] {strides = array<i32>} : memref<4096xf32, #tpu.memory_space<vmem>>, vector<16xf32>,
        %get3A_251 = vector.shape_cast %get3A_250 : vector<16xf32> to vector<16xf32>
        %add3A_252 = arith.constant 432 : i32
        %add3A_253 = arith.addi %mul3A_77, %add3A_252 : i32
        %get3A_254 = arith.index_cast %add3A_253 : i32 to index
        %get3A_255 = tpu.vector_load %arg7[%get3A_254] {strides = array<i32>} : memref<4096xf32, #tpu.memory_space<vmem>>, vector<16xf32>,
        %get3A_256 = vector.shape_cast %get3A_255 : vector<16xf32> to vector<16xf32>
        %add3A_257 = arith.constant 448 : i32
        %add3A_258 = arith.addi %mul3A_77, %add3A_257 : i32
        %get3A_259 = arith.index_cast %add3A_258 : i32 to index
        %get3A_260 = tpu.vector_load %arg7[%get3A_259] {strides = array<i32>} : memref<4096xf32, #tpu.memory_space<vmem>>, vector<16xf32>,
        %get3A_261 = vector.shape_cast %get3A_260 : vector<16xf32> to vector<16xf32>
        %add3A_262 = arith.constant 464 : i32
        %add3A_263 = arith.addi %mul3A_77, %add3A_262 : i32
        %get3A_264 = arith.index_cast %add3A_263 : i32 to index
        %get3A_265 = tpu.vector_load %arg7[%get3A_264] {strides = array<i32>} : memref<4096xf32, #tpu.memory_space<vmem>>, vector<16xf32>,
        %get3A_266 = vector.shape_cast %get3A_265 : vector<16xf32> to vector<16xf32>
        %add3A_267 = arith.constant 480 : i32
        %add3A_268 = arith.addi %mul3A_77, %add3A_267 : i32
        %get3A_269 = arith.index_cast %add3A_268 : i32 to index
        %get3A_270 = tpu.vector_load %arg7[%get3A_269] {strides = array<i32>} : memref<4096xf32, #tpu.memory_space<vmem>>, vector<16xf32>,
        %get3A_271 = vector.shape_cast %get3A_270 : vector<16xf32> to vector<16xf32>
        %add3A_272 = arith.constant 496 : i32
        %add3A_273 = arith.addi %mul3A_77, %add3A_272 : i32
        %get3A_274 = arith.index_cast %add3A_273 : i32 to index
        %get3A_275 = tpu.vector_load %arg7[%get3A_274] {strides = array<i32>} : memref<4096xf32, #tpu.memory_space<vmem>>, vector<16xf32>,
        %get3A_276 = vector.shape_cast %get3A_275 : vector<16xf32> to vector<16xf32>
        %scan3A_277 = arith.constant 0 : i32
        %scan3A_278 = arith.constant 32 : i32
        %scan3A_279 = arith.addi %scan3A_277, %scan3A_278 : i32
        %scan3A_280 = arith.constant 1 : i32
        scf.for %scan3A_282 = %scan3A_277 to %scan3A_279 step %scan3A_280  : i32 {
          %swap3A = arith.index_cast %sub3A_69 : i32 to index
          %swap3A_283 = arith.index_cast %scan3A_282 : i32 to index
          %swap3A_284 = arith.constant 0 : index
          %swap3A_285 = tpu.vector_load %arg8[%swap3A, %swap3A_283, %swap3A_284] {strides = array<i32>} : memref<4x32x512xf32, #tpu.memory_space<vmem>>, vector<1x1x16xf32>,
          %swap3A_286 = vector.shape_cast %swap3A_285 : vector<1x1x16xf32> to vector<16xf32>
          %swap3A_287 = vector.shape_cast %get3A_121 : vector<16xf32> to vector<1x1x16xf32>
          tpu.vector_store %arg8[%swap3A, %swap3A_283, %swap3A_284], %swap3A_287 {strides = array<i32>} : memref<4x32x512xf32, #tpu.memory_space<vmem>>, vector<1x1x16xf32>,
          %swap3A_288 = arith.index_cast %sub3A_69 : i32 to index
          %swap3A_289 = arith.index_cast %scan3A_282 : i32 to index
          %swap3A_290 = arith.constant 16 : index
          %swap3A_291 = tpu.vector_load %arg8[%swap3A_288, %swap3A_289, %swap3A_290] {strides = array<i32>} : memref<4x32x512xf32, #tpu.memory_space<vmem>>, vector<1x1x16xf32>,
          %swap3A_292 = vector.shape_cast %swap3A_291 : vector<1x1x16xf32> to vector<16xf32>
          %swap3A_293 = vector.shape_cast %get3A_126 : vector<16xf32> to vector<1x1x16xf32>
          tpu.vector_store %arg8[%swap3A_288, %swap3A_289, %swap3A_290], %swap3A_293 {strides = array<i32>} : memref<4x32x512xf32, #tpu.memory_space<vmem>>, vector<1x1x16xf32>,
          %swap3A_294 = arith.index_cast %sub3A_69 : i32 to index
          %swap3A_295 = arith.index_cast %scan3A_282 : i32 to index
          %swap3A_296 = arith.constant 32 : index
          %swap3A_297 = tpu.vector_load %arg8[%swap3A_294, %swap3A_295, %swap3A_296] {strides = array<i32>} : memref<4x32x512xf32, #tpu.memory_space<vmem>>, vector<1x1x16xf32>,
          %swap3A_298 = vector.shape_cast %swap3A_297 : vector<1x1x16xf32> to vector<16xf32>
          %swap3A_299 = vector.shape_cast %get3A_131 : vector<16xf32> to vector<1x1x16xf32>
          tpu.vector_store %arg8[%swap3A_294, %swap3A_295, %swap3A_296], %swap3A_299 {strides = array<i32>} : memref<4x32x512xf32, #tpu.memory_space<vmem>>, vector<1x1x16xf32>,
          %swap3A_300 = arith.index_cast %sub3A_69 : i32 to index
          %swap3A_301 = arith.index_cast %scan3A_282 : i32 to index
          %swap3A_302 = arith.constant 48 : index
          %swap3A_303 = tpu.vector_load %arg8[%swap3A_300, %swap3A_301, %swap3A_302] {strides = array<i32>} : memref<4x32x512xf32, #tpu.memory_space<vmem>>, vector<1x1x16xf32>,
          %swap3A_304 = vector.shape_cast %swap3A_303 : vector<1x1x16xf32> to vector<16xf32>
          %swap3A_305 = vector.shape_cast %get3A_136 : vector<16xf32> to vector<1x1x16xf32>
          tpu.vector_store %arg8[%swap3A_300, %swap3A_301, %swap3A_302], %swap3A_305 {strides = array<i32>} : memref<4x32x512xf32, #tpu.memory_space<vmem>>, vector<1x1x16xf32>,
          %swap3A_306 = arith.index_cast %sub3A_69 : i32 to index
          %swap3A_307 = arith.index_cast %scan3A_282 : i32 to index
          %swap3A_308 = arith.constant 64 : index
          %swap3A_309 = tpu.vector_load %arg8[%swap3A_306, %swap3A_307, %swap3A_308] {strides = array<i32>} : memref<4x32x512xf32, #tpu.memory_space<vmem>>, vector<1x1x16xf32>,
          %swap3A_310 = vector.shape_cast %swap3A_309 : vector<1x1x16xf32> to vector<16xf32>
          %swap3A_311 = vector.shape_cast %get3A_141 : vector<16xf32> to vector<1x1x16xf32>
          tpu.vector_store %arg8[%swap3A_306, %swap3A_307, %swap3A_308], %swap3A_311 {strides = array<i32>} : memref<4x32x512xf32, #tpu.memory_space<vmem>>, vector<1x1x16xf32>,
          %swap3A_312 = arith.index_cast %sub3A_69 : i32 to index
          %swap3A_313 = arith.index_cast %scan3A_282 : i32 to index
          %swap3A_314 = arith.constant 80 : index
          %swap3A_315 = tpu.vector_load %arg8[%swap3A_312, %swap3A_313, %swap3A_314] {strides = array<i32>} : memref<4x32x512xf32, #tpu.memory_space<vmem>>, vector<1x1x16xf32>,
          %swap3A_316 = vector.shape_cast %swap3A_315 : vector<1x1x16xf32> to vector<16xf32>
          %swap3A_317 = vector.shape_cast %get3A_146 : vector<16xf32> to vector<1x1x16xf32>
          tpu.vector_store %arg8[%swap3A_312, %swap3A_313, %swap3A_314], %swap3A_317 {strides = array<i32>} : memref<4x32x512xf32, #tpu.memory_space<vmem>>, vector<1x1x16xf32>,
          %swap3A_318 = arith.index_cast %sub3A_69 : i32 to index
          %swap3A_319 = arith.index_cast %scan3A_282 : i32 to index
          %swap3A_320 = arith.constant 96 : index
          %swap3A_321 = tpu.vector_load %arg8[%swap3A_318, %swap3A_319, %swap3A_320] {strides = array<i32>} : memref<4x32x512xf32, #tpu.memory_space<vmem>>, vector<1x1x16xf32>,
          %swap3A_322 = vector.shape_cast %swap3A_321 : vector<1x1x16xf32> to vector<16xf32>
          %swap3A_323 = vector.shape_cast %get3A_151 : vector<16xf32> to vector<1x1x16xf32>
          tpu.vector_store %arg8[%swap3A_318, %swap3A_319, %swap3A_320], %swap3A_323 {strides = array<i32>} : memref<4x32x512xf32, #tpu.memory_space<vmem>>, vector<1x1x16xf32>,
          %swap3A_324 = arith.index_cast %sub3A_69 : i32 to index
          %swap3A_325 = arith.index_cast %scan3A_282 : i32 to index
          %swap3A_326 = arith.constant 112 : index
          %swap3A_327 = tpu.vector_load %arg8[%swap3A_324, %swap3A_325, %swap3A_326] {strides = array<i32>} : memref<4x32x512xf32, #tpu.memory_space<vmem>>, vector<1x1x16xf32>,
          %swap3A_328 = vector.shape_cast %swap3A_327 : vector<1x1x16xf32> to vector<16xf32>
          %swap3A_329 = vector.shape_cast %get3A_156 : vector<16xf32> to vector<1x1x16xf32>
          tpu.vector_store %arg8[%swap3A_324, %swap3A_325, %swap3A_326], %swap3A_329 {strides = array<i32>} : memref<4x32x512xf32, #tpu.memory_space<vmem>>, vector<1x1x16xf32>,
          %swap3A_330 = arith.index_cast %sub3A_69 : i32 to index
          %swap3A_331 = arith.index_cast %scan3A_282 : i32 to index
          %swap3A_332 = arith.constant 128 : index
          %swap3A_333 = tpu.vector_load %arg8[%swap3A_330, %swap3A_331, %swap3A_332] {strides = array<i32>} : memref<4x32x512xf32, #tpu.memory_space<vmem>>, vector<1x1x16xf32>,
          %swap3A_334 = vector.shape_cast %swap3A_333 : vector<1x1x16xf32> to vector<16xf32>
          %swap3A_335 = vector.shape_cast %get3A_161 : vector<16xf32> to vector<1x1x16xf32>
          tpu.vector_store %arg8[%swap3A_330, %swap3A_331, %swap3A_332], %swap3A_335 {strides = array<i32>} : memref<4x32x512xf32, #tpu.memory_space<vmem>>, vector<1x1x16xf32>,
          %swap3A_336 = arith.index_cast %sub3A_69 : i32 to index
          %swap3A_337 = arith.index_cast %scan3A_282 : i32 to index
          %swap3A_338 = arith.constant 144 : index
          %swap3A_339 = tpu.vector_load %arg8[%swap3A_336, %swap3A_337, %swap3A_338] {strides = array<i32>} : memref<4x32x512xf32, #tpu.memory_space<vmem>>, vector<1x1x16xf32>,
          %swap3A_340 = vector.shape_cast %swap3A_339 : vector<1x1x16xf32> to vector<16xf32>
          %swap3A_341 = vector.shape_cast %get3A_166 : vector<16xf32> to vector<1x1x16xf32>
          tpu.vector_store %arg8[%swap3A_336, %swap3A_337, %swap3A_338], %swap3A_341 {strides = array<i32>} : memref<4x32x512xf32, #tpu.memory_space<vmem>>, vector<1x1x16xf32>,
          %swap3A_342 = arith.index_cast %sub3A_69 : i32 to index
          %swap3A_343 = arith.index_cast %scan3A_282 : i32 to index
          %swap3A_344 = arith.constant 160 : index
          %swap3A_345 = tpu.vector_load %arg8[%swap3A_342, %swap3A_343, %swap3A_344] {strides = array<i32>} : memref<4x32x512xf32, #tpu.memory_space<vmem>>, vector<1x1x16xf32>,
          %swap3A_346 = vector.shape_cast %swap3A_345 : vector<1x1x16xf32> to vector<16xf32>
          %swap3A_347 = vector.shape_cast %get3A_171 : vector<16xf32> to vector<1x1x16xf32>
          tpu.vector_store %arg8[%swap3A_342, %swap3A_343, %swap3A_344], %swap3A_347 {strides = array<i32>} : memref<4x32x512xf32, #tpu.memory_space<vmem>>, vector<1x1x16xf32>,
          %swap3A_348 = arith.index_cast %sub3A_69 : i32 to index
          %swap3A_349 = arith.index_cast %scan3A_282 : i32 to index
          %swap3A_350 = arith.constant 176 : index
          %swap3A_351 = tpu.vector_load %arg8[%swap3A_348, %swap3A_349, %swap3A_350] {strides = array<i32>} : memref<4x32x512xf32, #tpu.memory_space<vmem>>, vector<1x1x16xf32>,
          %swap3A_352 = vector.shape_cast %swap3A_351 : vector<1x1x16xf32> to vector<16xf32>
          %swap3A_353 = vector.shape_cast %get3A_176 : vector<16xf32> to vector<1x1x16xf32>
          tpu.vector_store %arg8[%swap3A_348, %swap3A_349, %swap3A_350], %swap3A_353 {strides = array<i32>} : memref<4x32x512xf32, #tpu.memory_space<vmem>>, vector<1x1x16xf32>,
          %swap3A_354 = arith.index_cast %sub3A_69 : i32 to index
          %swap3A_355 = arith.index_cast %scan3A_282 : i32 to index
          %swap3A_356 = arith.constant 192 : index
          %swap3A_357 = tpu.vector_load %arg8[%swap3A_354, %swap3A_355, %swap3A_356] {strides = array<i32>} : memref<4x32x512xf32, #tpu.memory_space<vmem>>, vector<1x1x16xf32>,
          %swap3A_358 = vector.shape_cast %swap3A_357 : vector<1x1x16xf32> to vector<16xf32>
          %swap3A_359 = vector.shape_cast %get3A_181 : vector<16xf32> to vector<1x1x16xf32>
          tpu.vector_store %arg8[%swap3A_354, %swap3A_355, %swap3A_356], %swap3A_359 {strides = array<i32>} : memref<4x32x512xf32, #tpu.memory_space<vmem>>, vector<1x1x16xf32>,
          %swap3A_360 = arith.index_cast %sub3A_69 : i32 to index
          %swap3A_361 = arith.index_cast %scan3A_282 : i32 to index
          %swap3A_362 = arith.constant 208 : index
          %swap3A_363 = tpu.vector_load %arg8[%swap3A_360, %swap3A_361, %swap3A_362] {strides = array<i32>} : memref<4x32x512xf32, #tpu.memory_space<vmem>>, vector<1x1x16xf32>,
          %swap3A_364 = vector.shape_cast %swap3A_363 : vector<1x1x16xf32> to vector<16xf32>
          %swap3A_365 = vector.shape_cast %get3A_186 : vector<16xf32> to vector<1x1x16xf32>
          tpu.vector_store %arg8[%swap3A_360, %swap3A_361, %swap3A_362], %swap3A_365 {strides = array<i32>} : memref<4x32x512xf32, #tpu.memory_space<vmem>>, vector<1x1x16xf32>,
          %swap3A_366 = arith.index_cast %sub3A_69 : i32 to index
          %swap3A_367 = arith.index_cast %scan3A_282 : i32 to index
          %swap3A_368 = arith.constant 224 : index
          %swap3A_369 = tpu.vector_load %arg8[%swap3A_366, %swap3A_367, %swap3A_368] {strides = array<i32>} : memref<4x32x512xf32, #tpu.memory_space<vmem>>, vector<1x1x16xf32>,
          %swap3A_370 = vector.shape_cast %swap3A_369 : vector<1x1x16xf32> to vector<16xf32>
          %swap3A_371 = vector.shape_cast %get3A_191 : vector<16xf32> to vector<1x1x16xf32>
          tpu.vector_store %arg8[%swap3A_366, %swap3A_367, %swap3A_368], %swap3A_371 {strides = array<i32>} : memref<4x32x512xf32, #tpu.memory_space<vmem>>, vector<1x1x16xf32>,
          %swap3A_372 = arith.index_cast %sub3A_69 : i32 to index
          %swap3A_373 = arith.index_cast %scan3A_282 : i32 to index
          %swap3A_374 = arith.constant 240 : index
          %swap3A_375 = tpu.vector_load %arg8[%swap3A_372, %swap3A_373, %swap3A_374] {strides = array<i32>} : memref<4x32x512xf32, #tpu.memory_space<vmem>>, vector<1x1x16xf32>,
          %swap3A_376 = vector.shape_cast %swap3A_375 : vector<1x1x16xf32> to vector<16xf32>
          %swap3A_377 = vector.shape_cast %get3A_196 : vector<16xf32> to vector<1x1x16xf32>
          tpu.vector_store %arg8[%swap3A_372, %swap3A_373, %swap3A_374], %swap3A_377 {strides = array<i32>} : memref<4x32x512xf32, #tpu.memory_space<vmem>>, vector<1x1x16xf32>,
          %swap3A_378 = arith.index_cast %sub3A_69 : i32 to index
          %swap3A_379 = arith.index_cast %scan3A_282 : i32 to index
          %swap3A_380 = arith.constant 256 : index
          %swap3A_381 = tpu.vector_load %arg8[%swap3A_378, %swap3A_379, %swap3A_380] {strides = array<i32>} : memref<4x32x512xf32, #tpu.memory_space<vmem>>, vector<1x1x16xf32>,
          %swap3A_382 = vector.shape_cast %swap3A_381 : vector<1x1x16xf32> to vector<16xf32>
          %swap3A_383 = vector.shape_cast %get3A_201 : vector<16xf32> to vector<1x1x16xf32>
          tpu.vector_store %arg8[%swap3A_378, %swap3A_379, %swap3A_380], %swap3A_383 {strides = array<i32>} : memref<4x32x512xf32, #tpu.memory_space<vmem>>, vector<1x1x16xf32>,
          %swap3A_384 = arith.index_cast %sub3A_69 : i32 to index
          %swap3A_385 = arith.index_cast %scan3A_282 : i32 to index
          %swap3A_386 = arith.constant 272 : index
          %swap3A_387 = tpu.vector_load %arg8[%swap3A_384, %swap3A_385, %swap3A_386] {strides = array<i32>} : memref<4x32x512xf32, #tpu.memory_space<vmem>>, vector<1x1x16xf32>,
          %swap3A_388 = vector.shape_cast %swap3A_387 : vector<1x1x16xf32> to vector<16xf32>
          %swap3A_389 = vector.shape_cast %get3A_206 : vector<16xf32> to vector<1x1x16xf32>
          tpu.vector_store %arg8[%swap3A_384, %swap3A_385, %swap3A_386], %swap3A_389 {strides = array<i32>} : memref<4x32x512xf32, #tpu.memory_space<vmem>>, vector<1x1x16xf32>,
          %swap3A_390 = arith.index_cast %sub3A_69 : i32 to index
          %swap3A_391 = arith.index_cast %scan3A_282 : i32 to index
          %swap3A_392 = arith.constant 288 : index
          %swap3A_393 = tpu.vector_load %arg8[%swap3A_390, %swap3A_391, %swap3A_392] {strides = array<i32>} : memref<4x32x512xf32, #tpu.memory_space<vmem>>, vector<1x1x16xf32>,
          %swap3A_394 = vector.shape_cast %swap3A_393 : vector<1x1x16xf32> to vector<16xf32>
          %swap3A_395 = vector.shape_cast %get3A_211 : vector<16xf32> to vector<1x1x16xf32>
          tpu.vector_store %arg8[%swap3A_390, %swap3A_391, %swap3A_392], %swap3A_395 {strides = array<i32>} : memref<4x32x512xf32, #tpu.memory_space<vmem>>, vector<1x1x16xf32>,
          %swap3A_396 = arith.index_cast %sub3A_69 : i32 to index
          %swap3A_397 = arith.index_cast %scan3A_282 : i32 to index
          %swap3A_398 = arith.constant 304 : index
          %swap3A_399 = tpu.vector_load %arg8[%swap3A_396, %swap3A_397, %swap3A_398] {strides = array<i32>} : memref<4x32x512xf32, #tpu.memory_space<vmem>>, vector<1x1x16xf32>,
          %swap3A_400 = vector.shape_cast %swap3A_399 : vector<1x1x16xf32> to vector<16xf32>
          %swap3A_401 = vector.shape_cast %get3A_216 : vector<16xf32> to vector<1x1x16xf32>
          tpu.vector_store %arg8[%swap3A_396, %swap3A_397, %swap3A_398], %swap3A_401 {strides = array<i32>} : memref<4x32x512xf32, #tpu.memory_space<vmem>>, vector<1x1x16xf32>,
          %swap3A_402 = arith.index_cast %sub3A_69 : i32 to index
          %swap3A_403 = arith.index_cast %scan3A_282 : i32 to index
          %swap3A_404 = arith.constant 320 : index
          %swap3A_405 = tpu.vector_load %arg8[%swap3A_402, %swap3A_403, %swap3A_404] {strides = array<i32>} : memref<4x32x512xf32, #tpu.memory_space<vmem>>, vector<1x1x16xf32>,
          %swap3A_406 = vector.shape_cast %swap3A_405 : vector<1x1x16xf32> to vector<16xf32>
          %swap3A_407 = vector.shape_cast %get3A_221 : vector<16xf32> to vector<1x1x16xf32>
          tpu.vector_store %arg8[%swap3A_402, %swap3A_403, %swap3A_404], %swap3A_407 {strides = array<i32>} : memref<4x32x512xf32, #tpu.memory_space<vmem>>, vector<1x1x16xf32>,
          %swap3A_408 = arith.index_cast %sub3A_69 : i32 to index
          %swap3A_409 = arith.index_cast %scan3A_282 : i32 to index
          %swap3A_410 = arith.constant 336 : index
          %swap3A_411 = tpu.vector_load %arg8[%swap3A_408, %swap3A_409, %swap3A_410] {strides = array<i32>} : memref<4x32x512xf32, #tpu.memory_space<vmem>>, vector<1x1x16xf32>,
          %swap3A_412 = vector.shape_cast %swap3A_411 : vector<1x1x16xf32> to vector<16xf32>
          %swap3A_413 = vector.shape_cast %get3A_226 : vector<16xf32> to vector<1x1x16xf32>
          tpu.vector_store %arg8[%swap3A_408, %swap3A_409, %swap3A_410], %swap3A_413 {strides = array<i32>} : memref<4x32x512xf32, #tpu.memory_space<vmem>>, vector<1x1x16xf32>,
          %swap3A_414 = arith.index_cast %sub3A_69 : i32 to index
          %swap3A_415 = arith.index_cast %scan3A_282 : i32 to index
          %swap3A_416 = arith.constant 352 : index
          %swap3A_417 = tpu.vector_load %arg8[%swap3A_414, %swap3A_415, %swap3A_416] {strides = array<i32>} : memref<4x32x512xf32, #tpu.memory_space<vmem>>, vector<1x1x16xf32>,
          %swap3A_418 = vector.shape_cast %swap3A_417 : vector<1x1x16xf32> to vector<16xf32>
          %swap3A_419 = vector.shape_cast %get3A_231 : vector<16xf32> to vector<1x1x16xf32>
          tpu.vector_store %arg8[%swap3A_414, %swap3A_415, %swap3A_416], %swap3A_419 {strides = array<i32>} : memref<4x32x512xf32, #tpu.memory_space<vmem>>, vector<1x1x16xf32>,
          %swap3A_420 = arith.index_cast %sub3A_69 : i32 to index
          %swap3A_421 = arith.index_cast %scan3A_282 : i32 to index
          %swap3A_422 = arith.constant 368 : index
          %swap3A_423 = tpu.vector_load %arg8[%swap3A_420, %swap3A_421, %swap3A_422] {strides = array<i32>} : memref<4x32x512xf32, #tpu.memory_space<vmem>>, vector<1x1x16xf32>,
          %swap3A_424 = vector.shape_cast %swap3A_423 : vector<1x1x16xf32> to vector<16xf32>
          %swap3A_425 = vector.shape_cast %get3A_236 : vector<16xf32> to vector<1x1x16xf32>
          tpu.vector_store %arg8[%swap3A_420, %swap3A_421, %swap3A_422], %swap3A_425 {strides = array<i32>} : memref<4x32x512xf32, #tpu.memory_space<vmem>>, vector<1x1x16xf32>,
          %swap3A_426 = arith.index_cast %sub3A_69 : i32 to index
          %swap3A_427 = arith.index_cast %scan3A_282 : i32 to index
          %swap3A_428 = arith.constant 384 : index
          %swap3A_429 = tpu.vector_load %arg8[%swap3A_426, %swap3A_427, %swap3A_428] {strides = array<i32>} : memref<4x32x512xf32, #tpu.memory_space<vmem>>, vector<1x1x16xf32>,
          %swap3A_430 = vector.shape_cast %swap3A_429 : vector<1x1x16xf32> to vector<16xf32>
          %swap3A_431 = vector.shape_cast %get3A_241 : vector<16xf32> to vector<1x1x16xf32>
          tpu.vector_store %arg8[%swap3A_426, %swap3A_427, %swap3A_428], %swap3A_431 {strides = array<i32>} : memref<4x32x512xf32, #tpu.memory_space<vmem>>, vector<1x1x16xf32>,
          %swap3A_432 = arith.index_cast %sub3A_69 : i32 to index
          %swap3A_433 = arith.index_cast %scan3A_282 : i32 to index
          %swap3A_434 = arith.constant 400 : index
          %swap3A_435 = tpu.vector_load %arg8[%swap3A_432, %swap3A_433, %swap3A_434] {strides = array<i32>} : memref<4x32x512xf32, #tpu.memory_space<vmem>>, vector<1x1x16xf32>,
          %swap3A_436 = vector.shape_cast %swap3A_435 : vector<1x1x16xf32> to vector<16xf32>
          %swap3A_437 = vector.shape_cast %get3A_246 : vector<16xf32> to vector<1x1x16xf32>
          tpu.vector_store %arg8[%swap3A_432, %swap3A_433, %swap3A_434], %swap3A_437 {strides = array<i32>} : memref<4x32x512xf32, #tpu.memory_space<vmem>>, vector<1x1x16xf32>,
          %swap3A_438 = arith.index_cast %sub3A_69 : i32 to index
          %swap3A_439 = arith.index_cast %scan3A_282 : i32 to index
          %swap3A_440 = arith.constant 416 : index
          %swap3A_441 = tpu.vector_load %arg8[%swap3A_438, %swap3A_439, %swap3A_440] {strides = array<i32>} : memref<4x32x512xf32, #tpu.memory_space<vmem>>, vector<1x1x16xf32>,
          %swap3A_442 = vector.shape_cast %swap3A_441 : vector<1x1x16xf32> to vector<16xf32>
          %swap3A_443 = vector.shape_cast %get3A_251 : vector<16xf32> to vector<1x1x16xf32>
          tpu.vector_store %arg8[%swap3A_438, %swap3A_439, %swap3A_440], %swap3A_443 {strides = array<i32>} : memref<4x32x512xf32, #tpu.memory_space<vmem>>, vector<1x1x16xf32>,
          %swap3A_444 = arith.index_cast %sub3A_69 : i32 to index
          %swap3A_445 = arith.index_cast %scan3A_282 : i32 to index
          %swap3A_446 = arith.constant 432 : index
          %swap3A_447 = tpu.vector_load %arg8[%swap3A_444, %swap3A_445, %swap3A_446] {strides = array<i32>} : memref<4x32x512xf32, #tpu.memory_space<vmem>>, vector<1x1x16xf32>,
          %swap3A_448 = vector.shape_cast %swap3A_447 : vector<1x1x16xf32> to vector<16xf32>
          %swap3A_449 = vector.shape_cast %get3A_256 : vector<16xf32> to vector<1x1x16xf32>
          tpu.vector_store %arg8[%swap3A_444, %swap3A_445, %swap3A_446], %swap3A_449 {strides = array<i32>} : memref<4x32x512xf32, #tpu.memory_space<vmem>>, vector<1x1x16xf32>,
          %swap3A_450 = arith.index_cast %sub3A_69 : i32 to index
          %swap3A_451 = arith.index_cast %scan3A_282 : i32 to index
          %swap3A_452 = arith.constant 448 : index
          %swap3A_453 = tpu.vector_load %arg8[%swap3A_450, %swap3A_451, %swap3A_452] {strides = array<i32>} : memref<4x32x512xf32, #tpu.memory_space<vmem>>, vector<1x1x16xf32>,
          %swap3A_454 = vector.shape_cast %swap3A_453 : vector<1x1x16xf32> to vector<16xf32>
          %swap3A_455 = vector.shape_cast %get3A_261 : vector<16xf32> to vector<1x1x16xf32>
          tpu.vector_store %arg8[%swap3A_450, %swap3A_451, %swap3A_452], %swap3A_455 {strides = array<i32>} : memref<4x32x512xf32, #tpu.memory_space<vmem>>, vector<1x1x16xf32>,
          %swap3A_456 = arith.index_cast %sub3A_69 : i32 to index
          %swap3A_457 = arith.index_cast %scan3A_282 : i32 to index
          %swap3A_458 = arith.constant 464 : index
          %swap3A_459 = tpu.vector_load %arg8[%swap3A_456, %swap3A_457, %swap3A_458] {strides = array<i32>} : memref<4x32x512xf32, #tpu.memory_space<vmem>>, vector<1x1x16xf32>,
          %swap3A_460 = vector.shape_cast %swap3A_459 : vector<1x1x16xf32> to vector<16xf32>
          %swap3A_461 = vector.shape_cast %get3A_266 : vector<16xf32> to vector<1x1x16xf32>
          tpu.vector_store %arg8[%swap3A_456, %swap3A_457, %swap3A_458], %swap3A_461 {strides = array<i32>} : memref<4x32x512xf32, #tpu.memory_space<vmem>>, vector<1x1x16xf32>,
          %swap3A_462 = arith.index_cast %sub3A_69 : i32 to index
          %swap3A_463 = arith.index_cast %scan3A_282 : i32 to index
          %swap3A_464 = arith.constant 480 : index
          %swap3A_465 = tpu.vector_load %arg8[%swap3A_462, %swap3A_463, %swap3A_464] {strides = array<i32>} : memref<4x32x512xf32, #tpu.memory_space<vmem>>, vector<1x1x16xf32>,
          %swap3A_466 = vector.shape_cast %swap3A_465 : vector<1x1x16xf32> to vector<16xf32>
          %swap3A_467 = vector.shape_cast %get3A_271 : vector<16xf32> to vector<1x1x16xf32>
          tpu.vector_store %arg8[%swap3A_462, %swap3A_463, %swap3A_464], %swap3A_467 {strides = array<i32>} : memref<4x32x512xf32, #tpu.memory_space<vmem>>, vector<1x1x16xf32>,
          %swap3A_468 = arith.index_cast %sub3A_69 : i32 to index
          %swap3A_469 = arith.index_cast %scan3A_282 : i32 to index
          %swap3A_470 = arith.constant 496 : index
          %swap3A_471 = tpu.vector_load %arg8[%swap3A_468, %swap3A_469, %swap3A_470] {strides = array<i32>} : memref<4x32x512xf32, #tpu.memory_space<vmem>>, vector<1x1x16xf32>,
          %swap3A_472 = vector.shape_cast %swap3A_471 : vector<1x1x16xf32> to vector<16xf32>
          %swap3A_473 = vector.shape_cast %get3A_276 : vector<16xf32> to vector<1x1x16xf32>
          tpu.vector_store %arg8[%swap3A_468, %swap3A_469, %swap3A_470], %swap3A_473 {strides = array<i32>} : memref<4x32x512xf32, #tpu.memory_space<vmem>>, vector<1x1x16xf32>,
        }
        %scan3A_281 = arith.constant 32 : i32
      } else {
      }
      %and3A_82 = arith.constant 15 : i32
      %and3A_83 = arith.andi %while3A_66, %and3A_82 : i32
      %mul3A_84 = arith.constant 64 : i32
      %mul3A_85 = arith.muli %and3A_83, %mul3A_84 : i32
      %add3A_86 = arith.constant 0 : i32
      %add3A_87 = arith.addi %mul3A_85, %add3A_86 : i32
      %dma_start3A_88 = arith.constant 0 : i32
      %dma_start3A_89 = arith.constant 0 : i32
      %dma_start3A_90 = tpu.memref_slice %arg8[%sub3A_69, %dma_start3A_88, %dma_start3A_89] : memref<4x32x512xf32, #tpu.memory_space<vmem>> -> memref<1x32x512xf32, #tpu.memory_space<vmem>>
      %dma_start3A_91 = tpu.memref_squeeze %dma_start3A_90 : memref<1x32x512xf32, #tpu.memory_space<vmem>> -> memref<32x512xf32, #tpu.memory_space<vmem>>
      %dma_start3A_92 = arith.constant 0 : i32
      %dma_start3A_93 = tpu.memref_slice %arg5[%select_n3A_74, %add3A_87, %dma_start3A_92] : memref<77x1024x512xf32, #tpu.memory_space<hbm>> -> memref<1x32x512xf32, #tpu.memory_space<hbm>>
      %dma_start3A_94 = tpu.memref_squeeze %dma_start3A_93 : memref<1x32x512xf32, #tpu.memory_space<hbm>> -> memref<32x512xf32, #tpu.memory_space<hbm>>
      %dma_start3A_95 = arith.constant 0 : i32
      %dma_start3A_96 = tpu.memref_slice %arg5[%select_n3A_74, %add3A_87, %dma_start3A_95] : memref<77x1024x512xf32, #tpu.memory_space<hbm>> -> memref<1x32x512xf32, #tpu.memory_space<hbm>>
      %dma_start3A_97 = tpu.memref_squeeze %dma_start3A_96 : memref<1x32x512xf32, #tpu.memory_space<hbm>> -> memref<32x512xf32, #tpu.memory_space<hbm>>
      %dma_start3A_98 = arith.constant 0 : i32
      %dma_start3A_99 = arith.constant 0 : i32
      %dma_start3A_100 = tpu.memref_slice %arg8[%sub3A_69, %dma_start3A_98, %dma_start3A_99] : memref<4x32x512xf32, #tpu.memory_space<vmem>> -> memref<1x32x512xf32, #tpu.memory_space<vmem>>
      %dma_start3A_101 = tpu.memref_squeeze %dma_start3A_100 : memref<1x32x512xf32, #tpu.memory_space<vmem>> -> memref<32x512xf32, #tpu.memory_space<vmem>>
      tpu.enqueue_dma source(%dma_start3A_101 : memref<32x512xf32, #tpu.memory_space<vmem>>) target(%dma_start3A_97 : memref<32x512xf32, #tpu.memory_space<hbm>>) target_semaphore(%arg13 : memref<!tpu.dma_semaphore, #tpu.memory_space<semaphore_mem>>)
      %add3A_102 = arith.constant 32 : i32
      %add3A_103 = arith.addi %mul3A_85, %add3A_102 : i32
      %dma_start3A_104 = arith.constant 0 : i32
      %dma_start3A_105 = arith.constant 0 : i32
      %dma_start3A_106 = tpu.memref_slice %arg8[%sub3A_69, %dma_start3A_104, %dma_start3A_105] : memref<4x32x512xf32, #tpu.memory_space<vmem>> -> memref<1x32x512xf32, #tpu.memory_space<vmem>>
      %dma_start3A_107 = tpu.memref_squeeze %dma_start3A_106 : memref<1x32x512xf32, #tpu.memory_space<vmem>> -> memref<32x512xf32, #tpu.memory_space<vmem>>
      %dma_start3A_108 = arith.constant 0 : i32
      %dma_start3A_109 = tpu.memref_slice %arg5[%select_n3A_74, %add3A_103, %dma_start3A_108] : memref<77x1024x512xf32, #tpu.memory_space<hbm>> -> memref<1x32x512xf32, #tpu.memory_space<hbm>>
      %dma_start3A_110 = tpu.memref_squeeze %dma_start3A_109 : memref<1x32x512xf32, #tpu.memory_space<hbm>> -> memref<32x512xf32, #tpu.memory_space<hbm>>
      %dma_start3A_111 = arith.constant 0 : i32
      %dma_start3A_112 = tpu.memref_slice %arg5[%select_n3A_74, %add3A_103, %dma_start3A_111] : memref<77x1024x512xf32, #tpu.memory_space<hbm>> -> memref<1x32x512xf32, #tpu.memory_space<hbm>>
      %dma_start3A_113 = tpu.memref_squeeze %dma_start3A_112 : memref<1x32x512xf32, #tpu.memory_space<hbm>> -> memref<32x512xf32, #tpu.memory_space<hbm>>
      %dma_start3A_114 = arith.constant 0 : i32
      %dma_start3A_115 = arith.constant 0 : i32
      %dma_start3A_116 = tpu.memref_slice %arg8[%sub3A_69, %dma_start3A_114, %dma_start3A_115] : memref<4x32x512xf32, #tpu.memory_space<vmem>> -> memref<1x32x512xf32, #tpu.memory_space<vmem>>
      %dma_start3A_117 = tpu.memref_squeeze %dma_start3A_116 : memref<1x32x512xf32, #tpu.memory_space<vmem>> -> memref<32x512xf32, #tpu.memory_space<vmem>>
      tpu.enqueue_dma source(%dma_start3A_117 : memref<32x512xf32, #tpu.memory_space<vmem>>) target(%dma_start3A_113 : memref<32x512xf32, #tpu.memory_space<hbm>>) target_semaphore(%arg13 : memref<!tpu.dma_semaphore, #tpu.memory_space<semaphore_mem>>)
    }
    %scan3A = arith.constant 0 : i32
    %scan3A_33 = arith.constant 0 : i32
    %scan3A_34 = arith.constant 4 : i32
    %scan3A_35 = arith.addi %scan3A_33, %scan3A_34 : i32
    %scan3A_36 = arith.constant 1 : i32
    scf.for %scan3A_66 = %scan3A_33 to %scan3A_35 step %scan3A_36  : i32 {
      %mul3A_67 = arith.constant 8 : i32
      %mul3A_68 = arith.muli %scan3A_66, %mul3A_67 : i32
      %multiple_of3A_69 = tpu.assume_multiple %mul3A_68, 8 : i32
      %dma_start3A_70 = tpu.memref_slice %arg6[%multiple_of3A_69] : memref<32xi32, #tpu.memory_space<vmem>> -> memref<8xi32, #tpu.memory_space<vmem>>
      %dma_start3A_71 = arith.constant 0 : i32
      %dma_start3A_72 = arith.constant 0 : i32
      %dma_start3A_73 = arith.constant 0 : i32
      %dma_start3A_74 = tpu.memref_slice %arg2[%dma_start3A_71, %dma_start3A_72, %dma_start3A_73] : memref<1000x4x512xf32, #tpu.memory_space<hbm>> -> memref<1000x4x512xf32, #tpu.memory_space<hbm>>
      tpu.enqueue_indirect_dma source(%dma_start3A_74 : memref<1000x4x512xf32, #tpu.memory_space<hbm>>) target(%arg9 : memref<8x4x512xf32, #tpu.memory_space<vmem>>) offsets(%dma_start3A_70 : memref<8xi32, #tpu.memory_space<vmem>>) semaphore(%arg12 : memref<!tpu.dma_semaphore, #tpu.memory_space<semaphore_mem>>)
      %dma_wait3A_75 = tpu.memref_slice %arg6[%multiple_of3A_69] : memref<32xi32, #tpu.memory_space<vmem>> -> memref<8xi32, #tpu.memory_space<vmem>>
      %dma_wait3A_76 = arith.constant 0 : i32
      %dma_wait3A_77 = arith.constant 0 : i32
      %dma_wait3A_78 = arith.constant 0 : i32
      %dma_wait3A_79 = tpu.memref_slice %arg2[%dma_wait3A_76, %dma_wait3A_77, %dma_wait3A_78] : memref<1000x4x512xf32, #tpu.memory_space<hbm>> -> memref<1000x4x512xf32, #tpu.memory_space<hbm>>
      tpu.wait_indirect_dma semaphore(%arg12 : memref<!tpu.dma_semaphore, #tpu.memory_space<semaphore_mem>>) src(%dma_wait3A_79 : memref<1000x4x512xf32, #tpu.memory_space<hbm>>) dst(%arg9 : memref<8x4x512xf32, #tpu.memory_space<vmem>>)
      %mul3A_80 = arith.constant 8 : i32
      %mul3A_81 = arith.muli %scan3A_66, %mul3A_80 : i32
      %add3A_82 = arith.addi %mul3A_2, %mul3A_81 : i32
      %multiple_of3A_83 = tpu.assume_multiple %add3A_82, 8 : i32
      %gt3A = arith.constant 0 : i32
      %gt3A_84 = arith.cmpi sgt, %scan3A_66, %gt3A : i32
      %convert_element_type3A = arith.extui %gt3A_84 : i1 to i32
      %cond3A = arith.constant 0 : i32
      %cond3A_85 = arith.cmpi ne, %convert_element_type3A, %cond3A : i32
      scf.if %cond3A_85 {
        %dma_wait3A_161 = arith.constant 0 : i32
        %dma_wait3A_162 = arith.constant 0 : i32
        %dma_wait3A_163 = arith.constant 0 : i32
        %dma_wait3A_164 = tpu.memref_slice %arg5[%dma_wait3A_161, %dma_wait3A_162, %dma_wait3A_163] : memref<77x1024x512xf32, #tpu.memory_space<hbm>> -> memref<1x8x512xf32, #tpu.memory_space<hbm>>
        %dma_wait3A_165 = tpu.memref_squeeze %dma_wait3A_164 : memref<1x8x512xf32, #tpu.memory_space<hbm>> -> memref<8x512xf32, #tpu.memory_space<hbm>>
        %dma_wait3A_166 = arith.constant 0 : i32
        %dma_wait3A_167 = arith.constant 0 : i32
        %dma_wait3A_168 = tpu.memref_slice %arg5[%dma_wait3A_161, %dma_wait3A_166, %dma_wait3A_167] : memref<77x1024x512xf32, #tpu.memory_space<hbm>> -> memref<1x8x512xf32, #tpu.memory_space<hbm>>
        %dma_wait3A_169 = tpu.memref_squeeze %dma_wait3A_168 : memref<1x8x512xf32, #tpu.memory_space<hbm>> -> memref<8x512xf32, #tpu.memory_space<hbm>>
        tpu.wait_dma2 semaphore(%arg14 : memref<!tpu.dma_semaphore, #tpu.memory_space<semaphore_mem>>) src(%dma_wait3A_169 : memref<8x512xf32, #tpu.memory_space<hbm>>) dst(%arg10 : memref<8x512xf32, #tpu.memory_space<vmem>>)
      } else {
      }
      %scan3A_86 = arith.constant 0 : i32
      %scan3A_87 = arith.constant 0 : i32
      %scan3A_88 = arith.constant 8 : i32
      %scan3A_89 = arith.addi %scan3A_87, %scan3A_88 : i32
      %scan3A_90 = arith.constant 1 : i32
      scf.for %scan3A_161 = %scan3A_87 to %scan3A_89 step %scan3A_90  : i32 {
        %get3A = arith.constant 0 : i32
        %get3A_162 = arith.index_cast %scan3A_161 : i32 to index
        %get3A_163 = arith.index_cast %get3A : i32 to index
        %get3A_164 = arith.constant 0 : index
        %get3A_165 = tpu.vector_load %arg9[%get3A_162, %get3A_163, %get3A_164] {strides = array<i32>} : memref<8x4x512xf32, #tpu.memory_space<vmem>>, vector<1x1x16xf32>,
        %get3A_166 = vector.shape_cast %get3A_165 : vector<1x1x16xf32> to vector<16xf32>
        %swap3A = arith.index_cast %scan3A_161 : i32 to index
        %swap3A_167 = arith.constant 0 : index
        %swap3A_168 = tpu.vector_load %arg10[%swap3A, %swap3A_167] {strides = array<i32>} : memref<8x512xf32, #tpu.memory_space<vmem>>, vector<1x16xf32>,
        %swap3A_169 = vector.shape_cast %swap3A_168 : vector<1x16xf32> to vector<16xf32>
        %swap3A_170 = vector.shape_cast %get3A_166 : vector<16xf32> to vector<1x16xf32>
        tpu.vector_store %arg10[%swap3A, %swap3A_167], %swap3A_170 {strides = array<i32>} : memref<8x512xf32, #tpu.memory_space<vmem>>, vector<1x16xf32>,
        %get3A_171 = arith.constant 0 : i32
        %get3A_172 = arith.index_cast %scan3A_161 : i32 to index
        %get3A_173 = arith.index_cast %get3A_171 : i32 to index
        %get3A_174 = arith.constant 16 : index
        %get3A_175 = tpu.vector_load %arg9[%get3A_172, %get3A_173, %get3A_174] {strides = array<i32>} : memref<8x4x512xf32, #tpu.memory_space<vmem>>, vector<1x1x16xf32>,
        %get3A_176 = vector.shape_cast %get3A_175 : vector<1x1x16xf32> to vector<16xf32>
        %swap3A_177 = arith.index_cast %scan3A_161 : i32 to index
        %swap3A_178 = arith.constant 16 : index
        %swap3A_179 = tpu.vector_load %arg10[%swap3A_177, %swap3A_178] {strides = array<i32>} : memref<8x512xf32, #tpu.memory_space<vmem>>, vector<1x16xf32>,
        %swap3A_180 = vector.shape_cast %swap3A_179 : vector<1x16xf32> to vector<16xf32>
        %swap3A_181 = vector.shape_cast %get3A_176 : vector<16xf32> to vector<1x16xf32>
        tpu.vector_store %arg10[%swap3A_177, %swap3A_178], %swap3A_181 {strides = array<i32>} : memref<8x512xf32, #tpu.memory_space<vmem>>, vector<1x16xf32>,
        %get3A_182 = arith.constant 0 : i32
        %get3A_183 = arith.index_cast %scan3A_161 : i32 to index
        %get3A_184 = arith.index_cast %get3A_182 : i32 to index
        %get3A_185 = arith.constant 32 : index
        %get3A_186 = tpu.vector_load %arg9[%get3A_183, %get3A_184, %get3A_185] {strides = array<i32>} : memref<8x4x512xf32, #tpu.memory_space<vmem>>, vector<1x1x16xf32>,
        %get3A_187 = vector.shape_cast %get3A_186 : vector<1x1x16xf32> to vector<16xf32>
        %swap3A_188 = arith.index_cast %scan3A_161 : i32 to index
        %swap3A_189 = arith.constant 32 : index
        %swap3A_190 = tpu.vector_load %arg10[%swap3A_188, %swap3A_189] {strides = array<i32>} : memref<8x512xf32, #tpu.memory_space<vmem>>, vector<1x16xf32>,
        %swap3A_191 = vector.shape_cast %swap3A_190 : vector<1x16xf32> to vector<16xf32>
        %swap3A_192 = vector.shape_cast %get3A_187 : vector<16xf32> to vector<1x16xf32>
        tpu.vector_store %arg10[%swap3A_188, %swap3A_189], %swap3A_192 {strides = array<i32>} : memref<8x512xf32, #tpu.memory_space<vmem>>, vector<1x16xf32>,
        %get3A_193 = arith.constant 0 : i32
        %get3A_194 = arith.index_cast %scan3A_161 : i32 to index
        %get3A_195 = arith.index_cast %get3A_193 : i32 to index
        %get3A_196 = arith.constant 48 : index
        %get3A_197 = tpu.vector_load %arg9[%get3A_194, %get3A_195, %get3A_196] {strides = array<i32>} : memref<8x4x512xf32, #tpu.memory_space<vmem>>, vector<1x1x16xf32>,
        %get3A_198 = vector.shape_cast %get3A_197 : vector<1x1x16xf32> to vector<16xf32>
        %swap3A_199 = arith.index_cast %scan3A_161 : i32 to index
        %swap3A_200 = arith.constant 48 : index
        %swap3A_201 = tpu.vector_load %arg10[%swap3A_199, %swap3A_200] {strides = array<i32>} : memref<8x512xf32, #tpu.memory_space<vmem>>, vector<1x16xf32>,
        %swap3A_202 = vector.shape_cast %swap3A_201 : vector<1x16xf32> to vector<16xf32>
        %swap3A_203 = vector.shape_cast %get3A_198 : vector<16xf32> to vector<1x16xf32>
        tpu.vector_store %arg10[%swap3A_199, %swap3A_200], %swap3A_203 {strides = array<i32>} : memref<8x512xf32, #tpu.memory_space<vmem>>, vector<1x16xf32>,
        %get3A_204 = arith.constant 0 : i32
        %get3A_205 = arith.index_cast %scan3A_161 : i32 to index
        %get3A_206 = arith.index_cast %get3A_204 : i32 to index
        %get3A_207 = arith.constant 64 : index
        %get3A_208 = tpu.vector_load %arg9[%get3A_205, %get3A_206, %get3A_207] {strides = array<i32>} : memref<8x4x512xf32, #tpu.memory_space<vmem>>, vector<1x1x16xf32>,
        %get3A_209 = vector.shape_cast %get3A_208 : vector<1x1x16xf32> to vector<16xf32>
        %swap3A_210 = arith.index_cast %scan3A_161 : i32 to index
        %swap3A_211 = arith.constant 64 : index
        %swap3A_212 = tpu.vector_load %arg10[%swap3A_210, %swap3A_211] {strides = array<i32>} : memref<8x512xf32, #tpu.memory_space<vmem>>, vector<1x16xf32>,
        %swap3A_213 = vector.shape_cast %swap3A_212 : vector<1x16xf32> to vector<16xf32>
        %swap3A_214 = vector.shape_cast %get3A_209 : vector<16xf32> to vector<1x16xf32>
        tpu.vector_store %arg10[%swap3A_210, %swap3A_211], %swap3A_214 {strides = array<i32>} : memref<8x512xf32, #tpu.memory_space<vmem>>, vector<1x16xf32>,
        %get3A_215 = arith.constant 0 : i32
        %get3A_216 = arith.index_cast %scan3A_161 : i32 to index
        %get3A_217 = arith.index_cast %get3A_215 : i32 to index
        %get3A_218 = arith.constant 80 : index
        %get3A_219 = tpu.vector_load %arg9[%get3A_216, %get3A_217, %get3A_218] {strides = array<i32>} : memref<8x4x512xf32, #tpu.memory_space<vmem>>, vector<1x1x16xf32>,
        %get3A_220 = vector.shape_cast %get3A_219 : vector<1x1x16xf32> to vector<16xf32>
        %swap3A_221 = arith.index_cast %scan3A_161 : i32 to index
        %swap3A_222 = arith.constant 80 : index
        %swap3A_223 = tpu.vector_load %arg10[%swap3A_221, %swap3A_222] {strides = array<i32>} : memref<8x512xf32, #tpu.memory_space<vmem>>, vector<1x16xf32>,
        %swap3A_224 = vector.shape_cast %swap3A_223 : vector<1x16xf32> to vector<16xf32>
        %swap3A_225 = vector.shape_cast %get3A_220 : vector<16xf32> to vector<1x16xf32>
        tpu.vector_store %arg10[%swap3A_221, %swap3A_222], %swap3A_225 {strides = array<i32>} : memref<8x512xf32, #tpu.memory_space<vmem>>, vector<1x16xf32>,
        %get3A_226 = arith.constant 0 : i32
        %get3A_227 = arith.index_cast %scan3A_161 : i32 to index
        %get3A_228 = arith.index_cast %get3A_226 : i32 to index
        %get3A_229 = arith.constant 96 : index
        %get3A_230 = tpu.vector_load %arg9[%get3A_227, %get3A_228, %get3A_229] {strides = array<i32>} : memref<8x4x512xf32, #tpu.memory_space<vmem>>, vector<1x1x16xf32>,
        %get3A_231 = vector.shape_cast %get3A_230 : vector<1x1x16xf32> to vector<16xf32>
        %swap3A_232 = arith.index_cast %scan3A_161 : i32 to index
        %swap3A_233 = arith.constant 96 : index
        %swap3A_234 = tpu.vector_load %arg10[%swap3A_232, %swap3A_233] {strides = array<i32>} : memref<8x512xf32, #tpu.memory_space<vmem>>, vector<1x16xf32>,
        %swap3A_235 = vector.shape_cast %swap3A_234 : vector<1x16xf32> to vector<16xf32>
        %swap3A_236 = vector.shape_cast %get3A_231 : vector<16xf32> to vector<1x16xf32>
        tpu.vector_store %arg10[%swap3A_232, %swap3A_233], %swap3A_236 {strides = array<i32>} : memref<8x512xf32, #tpu.memory_space<vmem>>, vector<1x16xf32>,
        %get3A_237 = arith.constant 0 : i32
        %get3A_238 = arith.index_cast %scan3A_161 : i32 to index
        %get3A_239 = arith.index_cast %get3A_237 : i32 to index
        %get3A_240 = arith.constant 112 : index
        %get3A_241 = tpu.vector_load %arg9[%get3A_238, %get3A_239, %get3A_240] {strides = array<i32>} : memref<8x4x512xf32, #tpu.memory_space<vmem>>, vector<1x1x16xf32>,
        %get3A_242 = vector.shape_cast %get3A_241 : vector<1x1x16xf32> to vector<16xf32>
        %swap3A_243 = arith.index_cast %scan3A_161 : i32 to index
        %swap3A_244 = arith.constant 112 : index
        %swap3A_245 = tpu.vector_load %arg10[%swap3A_243, %swap3A_244] {strides = array<i32>} : memref<8x512xf32, #tpu.memory_space<vmem>>, vector<1x16xf32>,
        %swap3A_246 = vector.shape_cast %swap3A_245 : vector<1x16xf32> to vector<16xf32>
        %swap3A_247 = vector.shape_cast %get3A_242 : vector<16xf32> to vector<1x16xf32>
        tpu.vector_store %arg10[%swap3A_243, %swap3A_244], %swap3A_247 {strides = array<i32>} : memref<8x512xf32, #tpu.memory_space<vmem>>, vector<1x16xf32>,
        %get3A_248 = arith.constant 0 : i32
        %get3A_249 = arith.index_cast %scan3A_161 : i32 to index
        %get3A_250 = arith.index_cast %get3A_248 : i32 to index
        %get3A_251 = arith.constant 128 : index
        %get3A_252 = tpu.vector_load %arg9[%get3A_249, %get3A_250, %get3A_251] {strides = array<i32>} : memref<8x4x512xf32, #tpu.memory_space<vmem>>, vector<1x1x16xf32>,
        %get3A_253 = vector.shape_cast %get3A_252 : vector<1x1x16xf32> to vector<16xf32>
        %swap3A_254 = arith.index_cast %scan3A_161 : i32 to index
        %swap3A_255 = arith.constant 128 : index
        %swap3A_256 = tpu.vector_load %arg10[%swap3A_254, %swap3A_255] {strides = array<i32>} : memref<8x512xf32, #tpu.memory_space<vmem>>, vector<1x16xf32>,
        %swap3A_257 = vector.shape_cast %swap3A_256 : vector<1x16xf32> to vector<16xf32>
        %swap3A_258 = vector.shape_cast %get3A_253 : vector<16xf32> to vector<1x16xf32>
        tpu.vector_store %arg10[%swap3A_254, %swap3A_255], %swap3A_258 {strides = array<i32>} : memref<8x512xf32, #tpu.memory_space<vmem>>, vector<1x16xf32>,
        %get3A_259 = arith.constant 0 : i32
        %get3A_260 = arith.index_cast %scan3A_161 : i32 to index
        %get3A_261 = arith.index_cast %get3A_259 : i32 to index
        %get3A_262 = arith.constant 144 : index
        %get3A_263 = tpu.vector_load %arg9[%get3A_260, %get3A_261, %get3A_262] {strides = array<i32>} : memref<8x4x512xf32, #tpu.memory_space<vmem>>, vector<1x1x16xf32>,
        %get3A_264 = vector.shape_cast %get3A_263 : vector<1x1x16xf32> to vector<16xf32>
        %swap3A_265 = arith.index_cast %scan3A_161 : i32 to index
        %swap3A_266 = arith.constant 144 : index
        %swap3A_267 = tpu.vector_load %arg10[%swap3A_265, %swap3A_266] {strides = array<i32>} : memref<8x512xf32, #tpu.memory_space<vmem>>, vector<1x16xf32>,
        %swap3A_268 = vector.shape_cast %swap3A_267 : vector<1x16xf32> to vector<16xf32>
        %swap3A_269 = vector.shape_cast %get3A_264 : vector<16xf32> to vector<1x16xf32>
        tpu.vector_store %arg10[%swap3A_265, %swap3A_266], %swap3A_269 {strides = array<i32>} : memref<8x512xf32, #tpu.memory_space<vmem>>, vector<1x16xf32>,
        %get3A_270 = arith.constant 0 : i32
        %get3A_271 = arith.index_cast %scan3A_161 : i32 to index
        %get3A_272 = arith.index_cast %get3A_270 : i32 to index
        %get3A_273 = arith.constant 160 : index
        %get3A_274 = tpu.vector_load %arg9[%get3A_271, %get3A_272, %get3A_273] {strides = array<i32>} : memref<8x4x512xf32, #tpu.memory_space<vmem>>, vector<1x1x16xf32>,
        %get3A_275 = vector.shape_cast %get3A_274 : vector<1x1x16xf32> to vector<16xf32>
        %swap3A_276 = arith.index_cast %scan3A_161 : i32 to index
        %swap3A_277 = arith.constant 160 : index
        %swap3A_278 = tpu.vector_load %arg10[%swap3A_276, %swap3A_277] {strides = array<i32>} : memref<8x512xf32, #tpu.memory_space<vmem>>, vector<1x16xf32>,
        %swap3A_279 = vector.shape_cast %swap3A_278 : vector<1x16xf32> to vector<16xf32>
        %swap3A_280 = vector.shape_cast %get3A_275 : vector<16xf32> to vector<1x16xf32>
        tpu.vector_store %arg10[%swap3A_276, %swap3A_277], %swap3A_280 {strides = array<i32>} : memref<8x512xf32, #tpu.memory_space<vmem>>, vector<1x16xf32>,
        %get3A_281 = arith.constant 0 : i32
        %get3A_282 = arith.index_cast %scan3A_161 : i32 to index
        %get3A_283 = arith.index_cast %get3A_281 : i32 to index
        %get3A_284 = arith.constant 176 : index
        %get3A_285 = tpu.vector_load %arg9[%get3A_282, %get3A_283, %get3A_284] {strides = array<i32>} : memref<8x4x512xf32, #tpu.memory_space<vmem>>, vector<1x1x16xf32>,
        %get3A_286 = vector.shape_cast %get3A_285 : vector<1x1x16xf32> to vector<16xf32>
        %swap3A_287 = arith.index_cast %scan3A_161 : i32 to index
        %swap3A_288 = arith.constant 176 : index
        %swap3A_289 = tpu.vector_load %arg10[%swap3A_287, %swap3A_288] {strides = array<i32>} : memref<8x512xf32, #tpu.memory_space<vmem>>, vector<1x16xf32>,
        %swap3A_290 = vector.shape_cast %swap3A_289 : vector<1x16xf32> to vector<16xf32>
        %swap3A_291 = vector.shape_cast %get3A_286 : vector<16xf32> to vector<1x16xf32>
        tpu.vector_store %arg10[%swap3A_287, %swap3A_288], %swap3A_291 {strides = array<i32>} : memref<8x512xf32, #tpu.memory_space<vmem>>, vector<1x16xf32>,
        %get3A_292 = arith.constant 0 : i32
        %get3A_293 = arith.index_cast %scan3A_161 : i32 to index
        %get3A_294 = arith.index_cast %get3A_292 : i32 to index
        %get3A_295 = arith.constant 192 : index
        %get3A_296 = tpu.vector_load %arg9[%get3A_293, %get3A_294, %get3A_295] {strides = array<i32>} : memref<8x4x512xf32, #tpu.memory_space<vmem>>, vector<1x1x16xf32>,
        %get3A_297 = vector.shape_cast %get3A_296 : vector<1x1x16xf32> to vector<16xf32>
        %swap3A_298 = arith.index_cast %scan3A_161 : i32 to index
        %swap3A_299 = arith.constant 192 : index
        %swap3A_300 = tpu.vector_load %arg10[%swap3A_298, %swap3A_299] {strides = array<i32>} : memref<8x512xf32, #tpu.memory_space<vmem>>, vector<1x16xf32>,
        %swap3A_301 = vector.shape_cast %swap3A_300 : vector<1x16xf32> to vector<16xf32>
        %swap3A_302 = vector.shape_cast %get3A_297 : vector<16xf32> to vector<1x16xf32>
        tpu.vector_store %arg10[%swap3A_298, %swap3A_299], %swap3A_302 {strides = array<i32>} : memref<8x512xf32, #tpu.memory_space<vmem>>, vector<1x16xf32>,
        %get3A_303 = arith.constant 0 : i32
        %get3A_304 = arith.index_cast %scan3A_161 : i32 to index
        %get3A_305 = arith.index_cast %get3A_303 : i32 to index
        %get3A_306 = arith.constant 208 : index
        %get3A_307 = tpu.vector_load %arg9[%get3A_304, %get3A_305, %get3A_306] {strides = array<i32>} : memref<8x4x512xf32, #tpu.memory_space<vmem>>, vector<1x1x16xf32>,
        %get3A_308 = vector.shape_cast %get3A_307 : vector<1x1x16xf32> to vector<16xf32>
        %swap3A_309 = arith.index_cast %scan3A_161 : i32 to index
        %swap3A_310 = arith.constant 208 : index
        %swap3A_311 = tpu.vector_load %arg10[%swap3A_309, %swap3A_310] {strides = array<i32>} : memref<8x512xf32, #tpu.memory_space<vmem>>, vector<1x16xf32>,
        %swap3A_312 = vector.shape_cast %swap3A_311 : vector<1x16xf32> to vector<16xf32>
        %swap3A_313 = vector.shape_cast %get3A_308 : vector<16xf32> to vector<1x16xf32>
        tpu.vector_store %arg10[%swap3A_309, %swap3A_310], %swap3A_313 {strides = array<i32>} : memref<8x512xf32, #tpu.memory_space<vmem>>, vector<1x16xf32>,
        %get3A_314 = arith.constant 0 : i32
        %get3A_315 = arith.index_cast %scan3A_161 : i32 to index
        %get3A_316 = arith.index_cast %get3A_314 : i32 to index
        %get3A_317 = arith.constant 224 : index
        %get3A_318 = tpu.vector_load %arg9[%get3A_315, %get3A_316, %get3A_317] {strides = array<i32>} : memref<8x4x512xf32, #tpu.memory_space<vmem>>, vector<1x1x16xf32>,
        %get3A_319 = vector.shape_cast %get3A_318 : vector<1x1x16xf32> to vector<16xf32>
        %swap3A_320 = arith.index_cast %scan3A_161 : i32 to index
        %swap3A_321 = arith.constant 224 : index
        %swap3A_322 = tpu.vector_load %arg10[%swap3A_320, %swap3A_321] {strides = array<i32>} : memref<8x512xf32, #tpu.memory_space<vmem>>, vector<1x16xf32>,
        %swap3A_323 = vector.shape_cast %swap3A_322 : vector<1x16xf32> to vector<16xf32>
        %swap3A_324 = vector.shape_cast %get3A_319 : vector<16xf32> to vector<1x16xf32>
        tpu.vector_store %arg10[%swap3A_320, %swap3A_321], %swap3A_324 {strides = array<i32>} : memref<8x512xf32, #tpu.memory_space<vmem>>, vector<1x16xf32>,
        %get3A_325 = arith.constant 0 : i32
        %get3A_326 = arith.index_cast %scan3A_161 : i32 to index
        %get3A_327 = arith.index_cast %get3A_325 : i32 to index
        %get3A_328 = arith.constant 240 : index
        %get3A_329 = tpu.vector_load %arg9[%get3A_326, %get3A_327, %get3A_328] {strides = array<i32>} : memref<8x4x512xf32, #tpu.memory_space<vmem>>, vector<1x1x16xf32>,
        %get3A_330 = vector.shape_cast %get3A_329 : vector<1x1x16xf32> to vector<16xf32>
        %swap3A_331 = arith.index_cast %scan3A_161 : i32 to index
        %swap3A_332 = arith.constant 240 : index
        %swap3A_333 = tpu.vector_load %arg10[%swap3A_331, %swap3A_332] {strides = array<i32>} : memref<8x512xf32, #tpu.memory_space<vmem>>, vector<1x16xf32>,
        %swap3A_334 = vector.shape_cast %swap3A_333 : vector<1x16xf32> to vector<16xf32>
        %swap3A_335 = vector.shape_cast %get3A_330 : vector<16xf32> to vector<1x16xf32>
        tpu.vector_store %arg10[%swap3A_331, %swap3A_332], %swap3A_335 {strides = array<i32>} : memref<8x512xf32, #tpu.memory_space<vmem>>, vector<1x16xf32>,
        %get3A_336 = arith.constant 0 : i32
        %get3A_337 = arith.index_cast %scan3A_161 : i32 to index
        %get3A_338 = arith.index_cast %get3A_336 : i32 to index
        %get3A_339 = arith.constant 256 : index
        %get3A_340 = tpu.vector_load %arg9[%get3A_337, %get3A_338, %get3A_339] {strides = array<i32>} : memref<8x4x512xf32, #tpu.memory_space<vmem>>, vector<1x1x16xf32>,
        %get3A_341 = vector.shape_cast %get3A_340 : vector<1x1x16xf32> to vector<16xf32>
        %swap3A_342 = arith.index_cast %scan3A_161 : i32 to index
        %swap3A_343 = arith.constant 256 : index
        %swap3A_344 = tpu.vector_load %arg10[%swap3A_342, %swap3A_343] {strides = array<i32>} : memref<8x512xf32, #tpu.memory_space<vmem>>, vector<1x16xf32>,
        %swap3A_345 = vector.shape_cast %swap3A_344 : vector<1x16xf32> to vector<16xf32>
        %swap3A_346 = vector.shape_cast %get3A_341 : vector<16xf32> to vector<1x16xf32>
        tpu.vector_store %arg10[%swap3A_342, %swap3A_343], %swap3A_346 {strides = array<i32>} : memref<8x512xf32, #tpu.memory_space<vmem>>, vector<1x16xf32>,
        %get3A_347 = arith.constant 0 : i32
        %get3A_348 = arith.index_cast %scan3A_161 : i32 to index
        %get3A_349 = arith.index_cast %get3A_347 : i32 to index
        %get3A_350 = arith.constant 272 : index
        %get3A_351 = tpu.vector_load %arg9[%get3A_348, %get3A_349, %get3A_350] {strides = array<i32>} : memref<8x4x512xf32, #tpu.memory_space<vmem>>, vector<1x1x16xf32>,
        %get3A_352 = vector.shape_cast %get3A_351 : vector<1x1x16xf32> to vector<16xf32>
        %swap3A_353 = arith.index_cast %scan3A_161 : i32 to index
        %swap3A_354 = arith.constant 272 : index
        %swap3A_355 = tpu.vector_load %arg10[%swap3A_353, %swap3A_354] {strides = array<i32>} : memref<8x512xf32, #tpu.memory_space<vmem>>, vector<1x16xf32>,
        %swap3A_356 = vector.shape_cast %swap3A_355 : vector<1x16xf32> to vector<16xf32>
        %swap3A_357 = vector.shape_cast %get3A_352 : vector<16xf32> to vector<1x16xf32>
        tpu.vector_store %arg10[%swap3A_353, %swap3A_354], %swap3A_357 {strides = array<i32>} : memref<8x512xf32, #tpu.memory_space<vmem>>, vector<1x16xf32>,
        %get3A_358 = arith.constant 0 : i32
        %get3A_359 = arith.index_cast %scan3A_161 : i32 to index
        %get3A_360 = arith.index_cast %get3A_358 : i32 to index
        %get3A_361 = arith.constant 288 : index
        %get3A_362 = tpu.vector_load %arg9[%get3A_359, %get3A_360, %get3A_361] {strides = array<i32>} : memref<8x4x512xf32, #tpu.memory_space<vmem>>, vector<1x1x16xf32>,
        %get3A_363 = vector.shape_cast %get3A_362 : vector<1x1x16xf32> to vector<16xf32>
        %swap3A_364 = arith.index_cast %scan3A_161 : i32 to index
        %swap3A_365 = arith.constant 288 : index
        %swap3A_366 = tpu.vector_load %arg10[%swap3A_364, %swap3A_365] {strides = array<i32>} : memref<8x512xf32, #tpu.memory_space<vmem>>, vector<1x16xf32>,
        %swap3A_367 = vector.shape_cast %swap3A_366 : vector<1x16xf32> to vector<16xf32>
        %swap3A_368 = vector.shape_cast %get3A_363 : vector<16xf32> to vector<1x16xf32>
        tpu.vector_store %arg10[%swap3A_364, %swap3A_365], %swap3A_368 {strides = array<i32>} : memref<8x512xf32, #tpu.memory_space<vmem>>, vector<1x16xf32>,
        %get3A_369 = arith.constant 0 : i32
        %get3A_370 = arith.index_cast %scan3A_161 : i32 to index
        %get3A_371 = arith.index_cast %get3A_369 : i32 to index
        %get3A_372 = arith.constant 304 : index
        %get3A_373 = tpu.vector_load %arg9[%get3A_370, %get3A_371, %get3A_372] {strides = array<i32>} : memref<8x4x512xf32, #tpu.memory_space<vmem>>, vector<1x1x16xf32>,
        %get3A_374 = vector.shape_cast %get3A_373 : vector<1x1x16xf32> to vector<16xf32>
        %swap3A_375 = arith.index_cast %scan3A_161 : i32 to index
        %swap3A_376 = arith.constant 304 : index
        %swap3A_377 = tpu.vector_load %arg10[%swap3A_375, %swap3A_376] {strides = array<i32>} : memref<8x512xf32, #tpu.memory_space<vmem>>, vector<1x16xf32>,
        %swap3A_378 = vector.shape_cast %swap3A_377 : vector<1x16xf32> to vector<16xf32>
        %swap3A_379 = vector.shape_cast %get3A_374 : vector<16xf32> to vector<1x16xf32>
        tpu.vector_store %arg10[%swap3A_375, %swap3A_376], %swap3A_379 {strides = array<i32>} : memref<8x512xf32, #tpu.memory_space<vmem>>, vector<1x16xf32>,
        %get3A_380 = arith.constant 0 : i32
        %get3A_381 = arith.index_cast %scan3A_161 : i32 to index
        %get3A_382 = arith.index_cast %get3A_380 : i32 to index
        %get3A_383 = arith.constant 320 : index
        %get3A_384 = tpu.vector_load %arg9[%get3A_381, %get3A_382, %get3A_383] {strides = array<i32>} : memref<8x4x512xf32, #tpu.memory_space<vmem>>, vector<1x1x16xf32>,
        %get3A_385 = vector.shape_cast %get3A_384 : vector<1x1x16xf32> to vector<16xf32>
        %swap3A_386 = arith.index_cast %scan3A_161 : i32 to index
        %swap3A_387 = arith.constant 320 : index
        %swap3A_388 = tpu.vector_load %arg10[%swap3A_386, %swap3A_387] {strides = array<i32>} : memref<8x512xf32, #tpu.memory_space<vmem>>, vector<1x16xf32>,
        %swap3A_389 = vector.shape_cast %swap3A_388 : vector<1x16xf32> to vector<16xf32>
        %swap3A_390 = vector.shape_cast %get3A_385 : vector<16xf32> to vector<1x16xf32>
        tpu.vector_store %arg10[%swap3A_386, %swap3A_387], %swap3A_390 {strides = array<i32>} : memref<8x512xf32, #tpu.memory_space<vmem>>, vector<1x16xf32>,
        %get3A_391 = arith.constant 0 : i32
        %get3A_392 = arith.index_cast %scan3A_161 : i32 to index
        %get3A_393 = arith.index_cast %get3A_391 : i32 to index
        %get3A_394 = arith.constant 336 : index
        %get3A_395 = tpu.vector_load %arg9[%get3A_392, %get3A_393, %get3A_394] {strides = array<i32>} : memref<8x4x512xf32, #tpu.memory_space<vmem>>, vector<1x1x16xf32>,
        %get3A_396 = vector.shape_cast %get3A_395 : vector<1x1x16xf32> to vector<16xf32>
        %swap3A_397 = arith.index_cast %scan3A_161 : i32 to index
        %swap3A_398 = arith.constant 336 : index
        %swap3A_399 = tpu.vector_load %arg10[%swap3A_397, %swap3A_398] {strides = array<i32>} : memref<8x512xf32, #tpu.memory_space<vmem>>, vector<1x16xf32>,
        %swap3A_400 = vector.shape_cast %swap3A_399 : vector<1x16xf32> to vector<16xf32>
        %swap3A_401 = vector.shape_cast %get3A_396 : vector<16xf32> to vector<1x16xf32>
        tpu.vector_store %arg10[%swap3A_397, %swap3A_398], %swap3A_401 {strides = array<i32>} : memref<8x512xf32, #tpu.memory_space<vmem>>, vector<1x16xf32>,
        %get3A_402 = arith.constant 0 : i32
        %get3A_403 = arith.index_cast %scan3A_161 : i32 to index
        %get3A_404 = arith.index_cast %get3A_402 : i32 to index
        %get3A_405 = arith.constant 352 : index
        %get3A_406 = tpu.vector_load %arg9[%get3A_403, %get3A_404, %get3A_405] {strides = array<i32>} : memref<8x4x512xf32, #tpu.memory_space<vmem>>, vector<1x1x16xf32>,
        %get3A_407 = vector.shape_cast %get3A_406 : vector<1x1x16xf32> to vector<16xf32>
        %swap3A_408 = arith.index_cast %scan3A_161 : i32 to index
        %swap3A_409 = arith.constant 352 : index
        %swap3A_410 = tpu.vector_load %arg10[%swap3A_408, %swap3A_409] {strides = array<i32>} : memref<8x512xf32, #tpu.memory_space<vmem>>, vector<1x16xf32>,
        %swap3A_411 = vector.shape_cast %swap3A_410 : vector<1x16xf32> to vector<16xf32>
        %swap3A_412 = vector.shape_cast %get3A_407 : vector<16xf32> to vector<1x16xf32>
        tpu.vector_store %arg10[%swap3A_408, %swap3A_409], %swap3A_412 {strides = array<i32>} : memref<8x512xf32, #tpu.memory_space<vmem>>, vector<1x16xf32>,
        %get3A_413 = arith.constant 0 : i32
        %get3A_414 = arith.index_cast %scan3A_161 : i32 to index
        %get3A_415 = arith.index_cast %get3A_413 : i32 to index
        %get3A_416 = arith.constant 368 : index
        %get3A_417 = tpu.vector_load %arg9[%get3A_414, %get3A_415, %get3A_416] {strides = array<i32>} : memref<8x4x512xf32, #tpu.memory_space<vmem>>, vector<1x1x16xf32>,
        %get3A_418 = vector.shape_cast %get3A_417 : vector<1x1x16xf32> to vector<16xf32>
        %swap3A_419 = arith.index_cast %scan3A_161 : i32 to index
        %swap3A_420 = arith.constant 368 : index
        %swap3A_421 = tpu.vector_load %arg10[%swap3A_419, %swap3A_420] {strides = array<i32>} : memref<8x512xf32, #tpu.memory_space<vmem>>, vector<1x16xf32>,
        %swap3A_422 = vector.shape_cast %swap3A_421 : vector<1x16xf32> to vector<16xf32>
        %swap3A_423 = vector.shape_cast %get3A_418 : vector<16xf32> to vector<1x16xf32>
        tpu.vector_store %arg10[%swap3A_419, %swap3A_420], %swap3A_423 {strides = array<i32>} : memref<8x512xf32, #tpu.memory_space<vmem>>, vector<1x16xf32>,
        %get3A_424 = arith.constant 0 : i32
        %get3A_425 = arith.index_cast %scan3A_161 : i32 to index
        %get3A_426 = arith.index_cast %get3A_424 : i32 to index
        %get3A_427 = arith.constant 384 : index
        %get3A_428 = tpu.vector_load %arg9[%get3A_425, %get3A_426, %get3A_427] {strides = array<i32>} : memref<8x4x512xf32, #tpu.memory_space<vmem>>, vector<1x1x16xf32>,
        %get3A_429 = vector.shape_cast %get3A_428 : vector<1x1x16xf32> to vector<16xf32>
        %swap3A_430 = arith.index_cast %scan3A_161 : i32 to index
        %swap3A_431 = arith.constant 384 : index
        %swap3A_432 = tpu.vector_load %arg10[%swap3A_430, %swap3A_431] {strides = array<i32>} : memref<8x512xf32, #tpu.memory_space<vmem>>, vector<1x16xf32>,
        %swap3A_433 = vector.shape_cast %swap3A_432 : vector<1x16xf32> to vector<16xf32>
        %swap3A_434 = vector.shape_cast %get3A_429 : vector<16xf32> to vector<1x16xf32>
        tpu.vector_store %arg10[%swap3A_430, %swap3A_431], %swap3A_434 {strides = array<i32>} : memref<8x512xf32, #tpu.memory_space<vmem>>, vector<1x16xf32>,
        %get3A_435 = arith.constant 0 : i32
        %get3A_436 = arith.index_cast %scan3A_161 : i32 to index
        %get3A_437 = arith.index_cast %get3A_435 : i32 to index
        %get3A_438 = arith.constant 400 : index
        %get3A_439 = tpu.vector_load %arg9[%get3A_436, %get3A_437, %get3A_438] {strides = array<i32>} : memref<8x4x512xf32, #tpu.memory_space<vmem>>, vector<1x1x16xf32>,
        %get3A_440 = vector.shape_cast %get3A_439 : vector<1x1x16xf32> to vector<16xf32>
        %swap3A_441 = arith.index_cast %scan3A_161 : i32 to index
        %swap3A_442 = arith.constant 400 : index
        %swap3A_443 = tpu.vector_load %arg10[%swap3A_441, %swap3A_442] {strides = array<i32>} : memref<8x512xf32, #tpu.memory_space<vmem>>, vector<1x16xf32>,
        %swap3A_444 = vector.shape_cast %swap3A_443 : vector<1x16xf32> to vector<16xf32>
        %swap3A_445 = vector.shape_cast %get3A_440 : vector<16xf32> to vector<1x16xf32>
        tpu.vector_store %arg10[%swap3A_441, %swap3A_442], %swap3A_445 {strides = array<i32>} : memref<8x512xf32, #tpu.memory_space<vmem>>, vector<1x16xf32>,
        %get3A_446 = arith.constant 0 : i32
        %get3A_447 = arith.index_cast %scan3A_161 : i32 to index
        %get3A_448 = arith.index_cast %get3A_446 : i32 to index
        %get3A_449 = arith.constant 416 : index
        %get3A_450 = tpu.vector_load %arg9[%get3A_447, %get3A_448, %get3A_449] {strides = array<i32>} : memref<8x4x512xf32, #tpu.memory_space<vmem>>, vector<1x1x16xf32>,
        %get3A_451 = vector.shape_cast %get3A_450 : vector<1x1x16xf32> to vector<16xf32>
        %swap3A_452 = arith.index_cast %scan3A_161 : i32 to index
        %swap3A_453 = arith.constant 416 : index
        %swap3A_454 = tpu.vector_load %arg10[%swap3A_452, %swap3A_453] {strides = array<i32>} : memref<8x512xf32, #tpu.memory_space<vmem>>, vector<1x16xf32>,
        %swap3A_455 = vector.shape_cast %swap3A_454 : vector<1x16xf32> to vector<16xf32>
        %swap3A_456 = vector.shape_cast %get3A_451 : vector<16xf32> to vector<1x16xf32>
        tpu.vector_store %arg10[%swap3A_452, %swap3A_453], %swap3A_456 {strides = array<i32>} : memref<8x512xf32, #tpu.memory_space<vmem>>, vector<1x16xf32>,
        %get3A_457 = arith.constant 0 : i32
        %get3A_458 = arith.index_cast %scan3A_161 : i32 to index
        %get3A_459 = arith.index_cast %get3A_457 : i32 to index
        %get3A_460 = arith.constant 432 : index
        %get3A_461 = tpu.vector_load %arg9[%get3A_458, %get3A_459, %get3A_460] {strides = array<i32>} : memref<8x4x512xf32, #tpu.memory_space<vmem>>, vector<1x1x16xf32>,
        %get3A_462 = vector.shape_cast %get3A_461 : vector<1x1x16xf32> to vector<16xf32>
        %swap3A_463 = arith.index_cast %scan3A_161 : i32 to index
        %swap3A_464 = arith.constant 432 : index
        %swap3A_465 = tpu.vector_load %arg10[%swap3A_463, %swap3A_464] {strides = array<i32>} : memref<8x512xf32, #tpu.memory_space<vmem>>, vector<1x16xf32>,
        %swap3A_466 = vector.shape_cast %swap3A_465 : vector<1x16xf32> to vector<16xf32>
        %swap3A_467 = vector.shape_cast %get3A_462 : vector<16xf32> to vector<1x16xf32>
        tpu.vector_store %arg10[%swap3A_463, %swap3A_464], %swap3A_467 {strides = array<i32>} : memref<8x512xf32, #tpu.memory_space<vmem>>, vector<1x16xf32>,
        %get3A_468 = arith.constant 0 : i32
        %get3A_469 = arith.index_cast %scan3A_161 : i32 to index
        %get3A_470 = arith.index_cast %get3A_468 : i32 to index
        %get3A_471 = arith.constant 448 : index
        %get3A_472 = tpu.vector_load %arg9[%get3A_469, %get3A_470, %get3A_471] {strides = array<i32>} : memref<8x4x512xf32, #tpu.memory_space<vmem>>, vector<1x1x16xf32>,
        %get3A_473 = vector.shape_cast %get3A_472 : vector<1x1x16xf32> to vector<16xf32>
        %swap3A_474 = arith.index_cast %scan3A_161 : i32 to index
        %swap3A_475 = arith.constant 448 : index
        %swap3A_476 = tpu.vector_load %arg10[%swap3A_474, %swap3A_475] {strides = array<i32>} : memref<8x512xf32, #tpu.memory_space<vmem>>, vector<1x16xf32>,
        %swap3A_477 = vector.shape_cast %swap3A_476 : vector<1x16xf32> to vector<16xf32>
        %swap3A_478 = vector.shape_cast %get3A_473 : vector<16xf32> to vector<1x16xf32>
        tpu.vector_store %arg10[%swap3A_474, %swap3A_475], %swap3A_478 {strides = array<i32>} : memref<8x512xf32, #tpu.memory_space<vmem>>, vector<1x16xf32>,
        %get3A_479 = arith.constant 0 : i32
        %get3A_480 = arith.index_cast %scan3A_161 : i32 to index
        %get3A_481 = arith.index_cast %get3A_479 : i32 to index
        %get3A_482 = arith.constant 464 : index
        %get3A_483 = tpu.vector_load %arg9[%get3A_480, %get3A_481, %get3A_482] {strides = array<i32>} : memref<8x4x512xf32, #tpu.memory_space<vmem>>, vector<1x1x16xf32>,
        %get3A_484 = vector.shape_cast %get3A_483 : vector<1x1x16xf32> to vector<16xf32>
        %swap3A_485 = arith.index_cast %scan3A_161 : i32 to index
        %swap3A_486 = arith.constant 464 : index
        %swap3A_487 = tpu.vector_load %arg10[%swap3A_485, %swap3A_486] {strides = array<i32>} : memref<8x512xf32, #tpu.memory_space<vmem>>, vector<1x16xf32>,
        %swap3A_488 = vector.shape_cast %swap3A_487 : vector<1x16xf32> to vector<16xf32>
        %swap3A_489 = vector.shape_cast %get3A_484 : vector<16xf32> to vector<1x16xf32>
        tpu.vector_store %arg10[%swap3A_485, %swap3A_486], %swap3A_489 {strides = array<i32>} : memref<8x512xf32, #tpu.memory_space<vmem>>, vector<1x16xf32>,
        %get3A_490 = arith.constant 0 : i32
        %get3A_491 = arith.index_cast %scan3A_161 : i32 to index
        %get3A_492 = arith.index_cast %get3A_490 : i32 to index
        %get3A_493 = arith.constant 480 : index
        %get3A_494 = tpu.vector_load %arg9[%get3A_491, %get3A_492, %get3A_493] {strides = array<i32>} : memref<8x4x512xf32, #tpu.memory_space<vmem>>, vector<1x1x16xf32>,
        %get3A_495 = vector.shape_cast %get3A_494 : vector<1x1x16xf32> to vector<16xf32>
        %swap3A_496 = arith.index_cast %scan3A_161 : i32 to index
        %swap3A_497 = arith.constant 480 : index
        %swap3A_498 = tpu.vector_load %arg10[%swap3A_496, %swap3A_497] {strides = array<i32>} : memref<8x512xf32, #tpu.memory_space<vmem>>, vector<1x16xf32>,
        %swap3A_499 = vector.shape_cast %swap3A_498 : vector<1x16xf32> to vector<16xf32>
        %swap3A_500 = vector.shape_cast %get3A_495 : vector<16xf32> to vector<1x16xf32>
        tpu.vector_store %arg10[%swap3A_496, %swap3A_497], %swap3A_500 {strides = array<i32>} : memref<8x512xf32, #tpu.memory_space<vmem>>, vector<1x16xf32>,
        %get3A_501 = arith.constant 0 : i32
        %get3A_502 = arith.index_cast %scan3A_161 : i32 to index
        %get3A_503 = arith.index_cast %get3A_501 : i32 to index
        %get3A_504 = arith.constant 496 : index
        %get3A_505 = tpu.vector_load %arg9[%get3A_502, %get3A_503, %get3A_504] {strides = array<i32>} : memref<8x4x512xf32, #tpu.memory_space<vmem>>, vector<1x1x16xf32>,
        %get3A_506 = vector.shape_cast %get3A_505 : vector<1x1x16xf32> to vector<16xf32>
        %swap3A_507 = arith.index_cast %scan3A_161 : i32 to index
        %swap3A_508 = arith.constant 496 : index
        %swap3A_509 = tpu.vector_load %arg10[%swap3A_507, %swap3A_508] {strides = array<i32>} : memref<8x512xf32, #tpu.memory_space<vmem>>, vector<1x16xf32>,
        %swap3A_510 = vector.shape_cast %swap3A_509 : vector<1x16xf32> to vector<16xf32>
        %swap3A_511 = vector.shape_cast %get3A_506 : vector<16xf32> to vector<1x16xf32>
        tpu.vector_store %arg10[%swap3A_507, %swap3A_508], %swap3A_511 {strides = array<i32>} : memref<8x512xf32, #tpu.memory_space<vmem>>, vector<1x16xf32>,
      }
      %scan3A_91 = arith.constant 8 : i32
      %dma_start3A_92 = arith.constant 6 : i32
      %dma_start3A_93 = arith.constant 0 : i32
      %dma_start3A_94 = tpu.memref_slice %arg5[%dma_start3A_92, %multiple_of3A_83, %dma_start3A_93] : memref<77x1024x512xf32, #tpu.memory_space<hbm>> -> memref<1x8x512xf32, #tpu.memory_space<hbm>>
      %dma_start3A_95 = tpu.memref_squeeze %dma_start3A_94 : memref<1x8x512xf32, #tpu.memory_space<hbm>> -> memref<8x512xf32, #tpu.memory_space<hbm>>
      %dma_start3A_96 = arith.constant 0 : i32
      %dma_start3A_97 = tpu.memref_slice %arg5[%dma_start3A_92, %multiple_of3A_83, %dma_start3A_96] : memref<77x1024x512xf32, #tpu.memory_space<hbm>> -> memref<1x8x512xf32, #tpu.memory_space<hbm>>
      %dma_start3A_98 = tpu.memref_squeeze %dma_start3A_97 : memref<1x8x512xf32, #tpu.memory_space<hbm>> -> memref<8x512xf32, #tpu.memory_space<hbm>>
      tpu.enqueue_dma source(%arg10 : memref<8x512xf32, #tpu.memory_space<vmem>>) target(%dma_start3A_98 : memref<8x512xf32, #tpu.memory_space<hbm>>) target_semaphore(%arg14 : memref<!tpu.dma_semaphore, #tpu.memory_space<semaphore_mem>>)
      %gt3A_99 = arith.constant 0 : i32
      %gt3A_100 = arith.cmpi sgt, %scan3A_66, %gt3A_99 : i32
      %convert_element_type3A_101 = arith.extui %gt3A_100 : i1 to i32
      %cond3A_102 = arith.constant 0 : i32
      %cond3A_103 = arith.cmpi ne, %convert_element_type3A_101, %cond3A_102 : i32
      scf.if %cond3A_103 {
        %dma_wait3A_161 = arith.constant 0 : i32
        %dma_wait3A_162 = arith.constant 0 : i32
        %dma_wait3A_163 = arith.constant 0 : i32
        %dma_wait3A_164 = tpu.memref_slice %arg5[%dma_wait3A_161, %dma_wait3A_162, %dma_wait3A_163] : memref<77x1024x512xf32, #tpu.memory_space<hbm>> -> memref<1x8x512xf32, #tpu.memory_space<hbm>>
        %dma_wait3A_165 = tpu.memref_squeeze %dma_wait3A_164 : memref<1x8x512xf32, #tpu.memory_space<hbm>> -> memref<8x512xf32, #tpu.memory_space<hbm>>
        %dma_wait3A_166 = arith.constant 0 : i32
        %dma_wait3A_167 = arith.constant 0 : i32
        %dma_wait3A_168 = tpu.memref_slice %arg5[%dma_wait3A_161, %dma_wait3A_166, %dma_wait3A_167] : memref<77x1024x512xf32, #tpu.memory_space<hbm>> -> memref<1x8x512xf32, #tpu.memory_space<hbm>>
        %dma_wait3A_169 = tpu.memref_squeeze %dma_wait3A_168 : memref<1x8x512xf32, #tpu.memory_space<hbm>> -> memref<8x512xf32, #tpu.memory_space<hbm>>
        tpu.wait_dma2 semaphore(%arg15 : memref<!tpu.dma_semaphore, #tpu.memory_space<semaphore_mem>>) src(%dma_wait3A_169 : memref<8x512xf32, #tpu.memory_space<hbm>>) dst(%arg11 : memref<8x512xf32, #tpu.memory_space<vmem>>)
      } else {
      }
      %scan3A_104 = arith.constant 0 : i32
      %scan3A_105 = arith.constant 0 : i32
      %scan3A_106 = arith.constant 8 : i32
      %scan3A_107 = arith.addi %scan3A_105, %scan3A_106 : i32
      %scan3A_108 = arith.constant 1 : i32
      scf.for %scan3A_161 = %scan3A_105 to %scan3A_107 step %scan3A_108  : i32 {
        %get3A = arith.constant 1 : i32
        %get3A_162 = arith.index_cast %scan3A_161 : i32 to index
        %get3A_163 = arith.index_cast %get3A : i32 to index
        %get3A_164 = arith.constant 0 : index
        %get3A_165 = tpu.vector_load %arg9[%get3A_162, %get3A_163, %get3A_164] {strides = array<i32>} : memref<8x4x512xf32, #tpu.memory_space<vmem>>, vector<1x1x16xf32>,
        %get3A_166 = vector.shape_cast %get3A_165 : vector<1x1x16xf32> to vector<16xf32>
        %swap3A = arith.index_cast %scan3A_161 : i32 to index
        %swap3A_167 = arith.constant 0 : index
        %swap3A_168 = tpu.vector_load %arg11[%swap3A, %swap3A_167] {strides = array<i32>} : memref<8x512xf32, #tpu.memory_space<vmem>>, vector<1x16xf32>,
        %swap3A_169 = vector.shape_cast %swap3A_168 : vector<1x16xf32> to vector<16xf32>
        %swap3A_170 = vector.shape_cast %get3A_166 : vector<16xf32> to vector<1x16xf32>
        tpu.vector_store %arg11[%swap3A, %swap3A_167], %swap3A_170 {strides = array<i32>} : memref<8x512xf32, #tpu.memory_space<vmem>>, vector<1x16xf32>,
        %get3A_171 = arith.constant 1 : i32
        %get3A_172 = arith.index_cast %scan3A_161 : i32 to index
        %get3A_173 = arith.index_cast %get3A_171 : i32 to index
        %get3A_174 = arith.constant 16 : index
        %get3A_175 = tpu.vector_load %arg9[%get3A_172, %get3A_173, %get3A_174] {strides = array<i32>} : memref<8x4x512xf32, #tpu.memory_space<vmem>>, vector<1x1x16xf32>,
        %get3A_176 = vector.shape_cast %get3A_175 : vector<1x1x16xf32> to vector<16xf32>
        %swap3A_177 = arith.index_cast %scan3A_161 : i32 to index
        %swap3A_178 = arith.constant 16 : index
        %swap3A_179 = tpu.vector_load %arg11[%swap3A_177, %swap3A_178] {strides = array<i32>} : memref<8x512xf32, #tpu.memory_space<vmem>>, vector<1x16xf32>,
        %swap3A_180 = vector.shape_cast %swap3A_179 : vector<1x16xf32> to vector<16xf32>
        %swap3A_181 = vector.shape_cast %get3A_176 : vector<16xf32> to vector<1x16xf32>
        tpu.vector_store %arg11[%swap3A_177, %swap3A_178], %swap3A_181 {strides = array<i32>} : memref<8x512xf32, #tpu.memory_space<vmem>>, vector<1x16xf32>,
        %get3A_182 = arith.constant 1 : i32
        %get3A_183 = arith.index_cast %scan3A_161 : i32 to index
        %get3A_184 = arith.index_cast %get3A_182 : i32 to index
        %get3A_185 = arith.constant 32 : index
        %get3A_186 = tpu.vector_load %arg9[%get3A_183, %get3A_184, %get3A_185] {strides = array<i32>} : memref<8x4x512xf32, #tpu.memory_space<vmem>>, vector<1x1x16xf32>,
        %get3A_187 = vector.shape_cast %get3A_186 : vector<1x1x16xf32> to vector<16xf32>
        %swap3A_188 = arith.index_cast %scan3A_161 : i32 to index
        %swap3A_189 = arith.constant 32 : index
        %swap3A_190 = tpu.vector_load %arg11[%swap3A_188, %swap3A_189] {strides = array<i32>} : memref<8x512xf32, #tpu.memory_space<vmem>>, vector<1x16xf32>,
        %swap3A_191 = vector.shape_cast %swap3A_190 : vector<1x16xf32> to vector<16xf32>
        %swap3A_192 = vector.shape_cast %get3A_187 : vector<16xf32> to vector<1x16xf32>
        tpu.vector_store %arg11[%swap3A_188, %swap3A_189], %swap3A_192 {strides = array<i32>} : memref<8x512xf32, #tpu.memory_space<vmem>>, vector<1x16xf32>,
        %get3A_193 = arith.constant 1 : i32
        %get3A_194 = arith.index_cast %scan3A_161 : i32 to index
        %get3A_195 = arith.index_cast %get3A_193 : i32 to index
        %get3A_196 = arith.constant 48 : index
        %get3A_197 = tpu.vector_load %arg9[%get3A_194, %get3A_195, %get3A_196] {strides = array<i32>} : memref<8x4x512xf32, #tpu.memory_space<vmem>>, vector<1x1x16xf32>,
        %get3A_198 = vector.shape_cast %get3A_197 : vector<1x1x16xf32> to vector<16xf32>
        %swap3A_199 = arith.index_cast %scan3A_161 : i32 to index
        %swap3A_200 = arith.constant 48 : index
        %swap3A_201 = tpu.vector_load %arg11[%swap3A_199, %swap3A_200] {strides = array<i32>} : memref<8x512xf32, #tpu.memory_space<vmem>>, vector<1x16xf32>,
        %swap3A_202 = vector.shape_cast %swap3A_201 : vector<1x16xf32> to vector<16xf32>
        %swap3A_203 = vector.shape_cast %get3A_198 : vector<16xf32> to vector<1x16xf32>
        tpu.vector_store %arg11[%swap3A_199, %swap3A_200], %swap3A_203 {strides = array<i32>} : memref<8x512xf32, #tpu.memory_space<vmem>>, vector<1x16xf32>,
        %get3A_204 = arith.constant 1 : i32
        %get3A_205 = arith.index_cast %scan3A_161 : i32 to index
        %get3A_206 = arith.index_cast %get3A_204 : i32 to index
        %get3A_207 = arith.constant 64 : index
        %get3A_208 = tpu.vector_load %arg9[%get3A_205, %get3A_206, %get3A_207] {strides = array<i32>} : memref<8x4x512xf32, #tpu.memory_space<vmem>>, vector<1x1x16xf32>,
        %get3A_209 = vector.shape_cast %get3A_208 : vector<1x1x16xf32> to vector<16xf32>
        %swap3A_210 = arith.index_cast %scan3A_161 : i32 to index
        %swap3A_211 = arith.constant 64 : index
        %swap3A_212 = tpu.vector_load %arg11[%swap3A_210, %swap3A_211] {strides = array<i32>} : memref<8x512xf32, #tpu.memory_space<vmem>>, vector<1x16xf32>,
        %swap3A_213 = vector.shape_cast %swap3A_212 : vector<1x16xf32> to vector<16xf32>
        %swap3A_214 = vector.shape_cast %get3A_209 : vector<16xf32> to vector<1x16xf32>
        tpu.vector_store %arg11[%swap3A_210, %swap3A_211], %swap3A_214 {strides = array<i32>} : memref<8x512xf32, #tpu.memory_space<vmem>>, vector<1x16xf32>,
        %get3A_215 = arith.constant 1 : i32
        %get3A_216 = arith.index_cast %scan3A_161 : i32 to index
        %get3A_217 = arith.index_cast %get3A_215 : i32 to index
        %get3A_218 = arith.constant 80 : index
        %get3A_219 = tpu.vector_load %arg9[%get3A_216, %get3A_217, %get3A_218] {strides = array<i32>} : memref<8x4x512xf32, #tpu.memory_space<vmem>>, vector<1x1x16xf32>,
        %get3A_220 = vector.shape_cast %get3A_219 : vector<1x1x16xf32> to vector<16xf32>
        %swap3A_221 = arith.index_cast %scan3A_161 : i32 to index
        %swap3A_222 = arith.constant 80 : index
        %swap3A_223 = tpu.vector_load %arg11[%swap3A_221, %swap3A_222] {strides = array<i32>} : memref<8x512xf32, #tpu.memory_space<vmem>>, vector<1x16xf32>,
        %swap3A_224 = vector.shape_cast %swap3A_223 : vector<1x16xf32> to vector<16xf32>
        %swap3A_225 = vector.shape_cast %get3A_220 : vector<16xf32> to vector<1x16xf32>
        tpu.vector_store %arg11[%swap3A_221, %swap3A_222], %swap3A_225 {strides = array<i32>} : memref<8x512xf32, #tpu.memory_space<vmem>>, vector<1x16xf32>,
        %get3A_226 = arith.constant 1 : i32
        %get3A_227 = arith.index_cast %scan3A_161 : i32 to index
        %get3A_228 = arith.index_cast %get3A_226 : i32 to index
        %get3A_229 = arith.constant 96 : index
        %get3A_230 = tpu.vector_load %arg9[%get3A_227, %get3A_228, %get3A_229] {strides = array<i32>} : memref<8x4x512xf32, #tpu.memory_space<vmem>>, vector<1x1x16xf32>,
        %get3A_231 = vector.shape_cast %get3A_230 : vector<1x1x16xf32> to vector<16xf32>
        %swap3A_232 = arith.index_cast %scan3A_161 : i32 to index
        %swap3A_233 = arith.constant 96 : index
        %swap3A_234 = tpu.vector_load %arg11[%swap3A_232, %swap3A_233] {strides = array<i32>} : memref<8x512xf32, #tpu.memory_space<vmem>>, vector<1x16xf32>,
        %swap3A_235 = vector.shape_cast %swap3A_234 : vector<1x16xf32> to vector<16xf32>
        %swap3A_236 = vector.shape_cast %get3A_231 : vector<16xf32> to vector<1x16xf32>
        tpu.vector_store %arg11[%swap3A_232, %swap3A_233], %swap3A_236 {strides = array<i32>} : memref<8x512xf32, #tpu.memory_space<vmem>>, vector<1x16xf32>,
        %get3A_237 = arith.constant 1 : i32
        %get3A_238 = arith.index_cast %scan3A_161 : i32 to index
        %get3A_239 = arith.index_cast %get3A_237 : i32 to index
        %get3A_240 = arith.constant 112 : index
        %get3A_241 = tpu.vector_load %arg9[%get3A_238, %get3A_239, %get3A_240] {strides = array<i32>} : memref<8x4x512xf32, #tpu.memory_space<vmem>>, vector<1x1x16xf32>,
        %get3A_242 = vector.shape_cast %get3A_241 : vector<1x1x16xf32> to vector<16xf32>
        %swap3A_243 = arith.index_cast %scan3A_161 : i32 to index
        %swap3A_244 = arith.constant 112 : index
        %swap3A_245 = tpu.vector_load %arg11[%swap3A_243, %swap3A_244] {strides = array<i32>} : memref<8x512xf32, #tpu.memory_space<vmem>>, vector<1x16xf32>,
        %swap3A_246 = vector.shape_cast %swap3A_245 : vector<1x16xf32> to vector<16xf32>
        %swap3A_247 = vector.shape_cast %get3A_242 : vector<16xf32> to vector<1x16xf32>
        tpu.vector_store %arg11[%swap3A_243, %swap3A_244], %swap3A_247 {strides = array<i32>} : memref<8x512xf32, #tpu.memory_space<vmem>>, vector<1x16xf32>,
        %get3A_248 = arith.constant 1 : i32
        %get3A_249 = arith.index_cast %scan3A_161 : i32 to index
        %get3A_250 = arith.index_cast %get3A_248 : i32 to index
        %get3A_251 = arith.constant 128 : index
        %get3A_252 = tpu.vector_load %arg9[%get3A_249, %get3A_250, %get3A_251] {strides = array<i32>} : memref<8x4x512xf32, #tpu.memory_space<vmem>>, vector<1x1x16xf32>,
        %get3A_253 = vector.shape_cast %get3A_252 : vector<1x1x16xf32> to vector<16xf32>
        %swap3A_254 = arith.index_cast %scan3A_161 : i32 to index
        %swap3A_255 = arith.constant 128 : index
        %swap3A_256 = tpu.vector_load %arg11[%swap3A_254, %swap3A_255] {strides = array<i32>} : memref<8x512xf32, #tpu.memory_space<vmem>>, vector<1x16xf32>,
        %swap3A_257 = vector.shape_cast %swap3A_256 : vector<1x16xf32> to vector<16xf32>
        %swap3A_258 = vector.shape_cast %get3A_253 : vector<16xf32> to vector<1x16xf32>
        tpu.vector_store %arg11[%swap3A_254, %swap3A_255], %swap3A_258 {strides = array<i32>} : memref<8x512xf32, #tpu.memory_space<vmem>>, vector<1x16xf32>,
        %get3A_259 = arith.constant 1 : i32
        %get3A_260 = arith.index_cast %scan3A_161 : i32 to index
        %get3A_261 = arith.index_cast %get3A_259 : i32 to index
        %get3A_262 = arith.constant 144 : index
        %get3A_263 = tpu.vector_load %arg9[%get3A_260, %get3A_261, %get3A_262] {strides = array<i32>} : memref<8x4x512xf32, #tpu.memory_space<vmem>>, vector<1x1x16xf32>,
        %get3A_264 = vector.shape_cast %get3A_263 : vector<1x1x16xf32> to vector<16xf32>
        %swap3A_265 = arith.index_cast %scan3A_161 : i32 to index
        %swap3A_266 = arith.constant 144 : index
        %swap3A_267 = tpu.vector_load %arg11[%swap3A_265, %swap3A_266] {strides = array<i32>} : memref<8x512xf32, #tpu.memory_space<vmem>>, vector<1x16xf32>,
        %swap3A_268 = vector.shape_cast %swap3A_267 : vector<1x16xf32> to vector<16xf32>
        %swap3A_269 = vector.shape_cast %get3A_264 : vector<16xf32> to vector<1x16xf32>
        tpu.vector_store %arg11[%swap3A_265, %swap3A_266], %swap3A_269 {strides = array<i32>} : memref<8x512xf32, #tpu.memory_space<vmem>>, vector<1x16xf32>,
        %get3A_270 = arith.constant 1 : i32
        %get3A_271 = arith.index_cast %scan3A_161 : i32 to index
        %get3A_272 = arith.index_cast %get3A_270 : i32 to index
        %get3A_273 = arith.constant 160 : index
        %get3A_274 = tpu.vector_load %arg9[%get3A_271, %get3A_272, %get3A_273] {strides = array<i32>} : memref<8x4x512xf32, #tpu.memory_space<vmem>>, vector<1x1x16xf32>,
        %get3A_275 = vector.shape_cast %get3A_274 : vector<1x1x16xf32> to vector<16xf32>
        %swap3A_276 = arith.index_cast %scan3A_161 : i32 to index
        %swap3A_277 = arith.constant 160 : index
        %swap3A_278 = tpu.vector_load %arg11[%swap3A_276, %swap3A_277] {strides = array<i32>} : memref<8x512xf32, #tpu.memory_space<vmem>>, vector<1x16xf32>,
        %swap3A_279 = vector.shape_cast %swap3A_278 : vector<1x16xf32> to vector<16xf32>
        %swap3A_280 = vector.shape_cast %get3A_275 : vector<16xf32> to vector<1x16xf32>
        tpu.vector_store %arg11[%swap3A_276, %swap3A_277], %swap3A_280 {strides = array<i32>} : memref<8x512xf32, #tpu.memory_space<vmem>>, vector<1x16xf32>,
        %get3A_281 = arith.constant 1 : i32
        %get3A_282 = arith.index_cast %scan3A_161 : i32 to index
        %get3A_283 = arith.index_cast %get3A_281 : i32 to index
        %get3A_284 = arith.constant 176 : index
        %get3A_285 = tpu.vector_load %arg9[%get3A_282, %get3A_283, %get3A_284] {strides = array<i32>} : memref<8x4x512xf32, #tpu.memory_space<vmem>>, vector<1x1x16xf32>,
        %get3A_286 = vector.shape_cast %get3A_285 : vector<1x1x16xf32> to vector<16xf32>
        %swap3A_287 = arith.index_cast %scan3A_161 : i32 to index
        %swap3A_288 = arith.constant 176 : index
        %swap3A_289 = tpu.vector_load %arg11[%swap3A_287, %swap3A_288] {strides = array<i32>} : memref<8x512xf32, #tpu.memory_space<vmem>>, vector<1x16xf32>,
        %swap3A_290 = vector.shape_cast %swap3A_289 : vector<1x16xf32> to vector<16xf32>
        %swap3A_291 = vector.shape_cast %get3A_286 : vector<16xf32> to vector<1x16xf32>
        tpu.vector_store %arg11[%swap3A_287, %swap3A_288], %swap3A_291 {strides = array<i32>} : memref<8x512xf32, #tpu.memory_space<vmem>>, vector<1x16xf32>,
        %get3A_292 = arith.constant 1 : i32
        %get3A_293 = arith.index_cast %scan3A_161 : i32 to index
        %get3A_294 = arith.index_cast %get3A_292 : i32 to index
        %get3A_295 = arith.constant 192 : index
        %get3A_296 = tpu.vector_load %arg9[%get3A_293, %get3A_294, %get3A_295] {strides = array<i32>} : memref<8x4x512xf32, #tpu.memory_space<vmem>>, vector<1x1x16xf32>,
        %get3A_297 = vector.shape_cast %get3A_296 : vector<1x1x16xf32> to vector<16xf32>
        %swap3A_298 = arith.index_cast %scan3A_161 : i32 to index
        %swap3A_299 = arith.constant 192 : index
        %swap3A_300 = tpu.vector_load %arg11[%swap3A_298, %swap3A_299] {strides = array<i32>} : memref<8x512xf32, #tpu.memory_space<vmem>>, vector<1x16xf32>,
        %swap3A_301 = vector.shape_cast %swap3A_300 : vector<1x16xf32> to vector<16xf32>
        %swap3A_302 = vector.shape_cast %get3A_297 : vector<16xf32> to vector<1x16xf32>
        tpu.vector_store %arg11[%swap3A_298, %swap3A_299], %swap3A_302 {strides = array<i32>} : memref<8x512xf32, #tpu.memory_space<vmem>>, vector<1x16xf32>,
        %get3A_303 = arith.constant 1 : i32
        %get3A_304 = arith.index_cast %scan3A_161 : i32 to index
        %get3A_305 = arith.index_cast %get3A_303 : i32 to index
        %get3A_306 = arith.constant 208 : index
        %get3A_307 = tpu.vector_load %arg9[%get3A_304, %get3A_305, %get3A_306] {strides = array<i32>} : memref<8x4x512xf32, #tpu.memory_space<vmem>>, vector<1x1x16xf32>,
        %get3A_308 = vector.shape_cast %get3A_307 : vector<1x1x16xf32> to vector<16xf32>
        %swap3A_309 = arith.index_cast %scan3A_161 : i32 to index
        %swap3A_310 = arith.constant 208 : index
        %swap3A_311 = tpu.vector_load %arg11[%swap3A_309, %swap3A_310] {strides = array<i32>} : memref<8x512xf32, #tpu.memory_space<vmem>>, vector<1x16xf32>,
        %swap3A_312 = vector.shape_cast %swap3A_311 : vector<1x16xf32> to vector<16xf32>
        %swap3A_313 = vector.shape_cast %get3A_308 : vector<16xf32> to vector<1x16xf32>
        tpu.vector_store %arg11[%swap3A_309, %swap3A_310], %swap3A_313 {strides = array<i32>} : memref<8x512xf32, #tpu.memory_space<vmem>>, vector<1x16xf32>,
        %get3A_314 = arith.constant 1 : i32
        %get3A_315 = arith.index_cast %scan3A_161 : i32 to index
        %get3A_316 = arith.index_cast %get3A_314 : i32 to index
        %get3A_317 = arith.constant 224 : index
        %get3A_318 = tpu.vector_load %arg9[%get3A_315, %get3A_316, %get3A_317] {strides = array<i32>} : memref<8x4x512xf32, #tpu.memory_space<vmem>>, vector<1x1x16xf32>,
        %get3A_319 = vector.shape_cast %get3A_318 : vector<1x1x16xf32> to vector<16xf32>
        %swap3A_320 = arith.index_cast %scan3A_161 : i32 to index
        %swap3A_321 = arith.constant 224 : index
        %swap3A_322 = tpu.vector_load %arg11[%swap3A_320, %swap3A_321] {strides = array<i32>} : memref<8x512xf32, #tpu.memory_space<vmem>>, vector<1x16xf32>,
        %swap3A_323 = vector.shape_cast %swap3A_322 : vector<1x16xf32> to vector<16xf32>
        %swap3A_324 = vector.shape_cast %get3A_319 : vector<16xf32> to vector<1x16xf32>
        tpu.vector_store %arg11[%swap3A_320, %swap3A_321], %swap3A_324 {strides = array<i32>} : memref<8x512xf32, #tpu.memory_space<vmem>>, vector<1x16xf32>,
        %get3A_325 = arith.constant 1 : i32
        %get3A_326 = arith.index_cast %scan3A_161 : i32 to index
        %get3A_327 = arith.index_cast %get3A_325 : i32 to index
        %get3A_328 = arith.constant 240 : index
        %get3A_329 = tpu.vector_load %arg9[%get3A_326, %get3A_327, %get3A_328] {strides = array<i32>} : memref<8x4x512xf32, #tpu.memory_space<vmem>>, vector<1x1x16xf32>,
        %get3A_330 = vector.shape_cast %get3A_329 : vector<1x1x16xf32> to vector<16xf32>
        %swap3A_331 = arith.index_cast %scan3A_161 : i32 to index
        %swap3A_332 = arith.constant 240 : index
        %swap3A_333 = tpu.vector_load %arg11[%swap3A_331, %swap3A_332] {strides = array<i32>} : memref<8x512xf32, #tpu.memory_space<vmem>>, vector<1x16xf32>,
        %swap3A_334 = vector.shape_cast %swap3A_333 : vector<1x16xf32> to vector<16xf32>
        %swap3A_335 = vector.shape_cast %get3A_330 : vector<16xf32> to vector<1x16xf32>
        tpu.vector_store %arg11[%swap3A_331, %swap3A_332], %swap3A_335 {strides = array<i32>} : memref<8x512xf32, #tpu.memory_space<vmem>>, vector<1x16xf32>,
        %get3A_336 = arith.constant 1 : i32
        %get3A_337 = arith.index_cast %scan3A_161 : i32 to index
        %get3A_338 = arith.index_cast %get3A_336 : i32 to index
        %get3A_339 = arith.constant 256 : index
        %get3A_340 = tpu.vector_load %arg9[%get3A_337, %get3A_338, %get3A_339] {strides = array<i32>} : memref<8x4x512xf32, #tpu.memory_space<vmem>>, vector<1x1x16xf32>,
        %get3A_341 = vector.shape_cast %get3A_340 : vector<1x1x16xf32> to vector<16xf32>
        %swap3A_342 = arith.index_cast %scan3A_161 : i32 to index
        %swap3A_343 = arith.constant 256 : index
        %swap3A_344 = tpu.vector_load %arg11[%swap3A_342, %swap3A_343] {strides = array<i32>} : memref<8x512xf32, #tpu.memory_space<vmem>>, vector<1x16xf32>,
        %swap3A_345 = vector.shape_cast %swap3A_344 : vector<1x16xf32> to vector<16xf32>
        %swap3A_346 = vector.shape_cast %get3A_341 : vector<16xf32> to vector<1x16xf32>
        tpu.vector_store %arg11[%swap3A_342, %swap3A_343], %swap3A_346 {strides = array<i32>} : memref<8x512xf32, #tpu.memory_space<vmem>>, vector<1x16xf32>,
        %get3A_347 = arith.constant 1 : i32
        %get3A_348 = arith.index_cast %scan3A_161 : i32 to index
        %get3A_349 = arith.index_cast %get3A_347 : i32 to index
        %get3A_350 = arith.constant 272 : index
        %get3A_351 = tpu.vector_load %arg9[%get3A_348, %get3A_349, %get3A_350] {strides = array<i32>} : memref<8x4x512xf32, #tpu.memory_space<vmem>>, vector<1x1x16xf32>,
        %get3A_352 = vector.shape_cast %get3A_351 : vector<1x1x16xf32> to vector<16xf32>
        %swap3A_353 = arith.index_cast %scan3A_161 : i32 to index
        %swap3A_354 = arith.constant 272 : index
        %swap3A_355 = tpu.vector_load %arg11[%swap3A_353, %swap3A_354] {strides = array<i32>} : memref<8x512xf32, #tpu.memory_space<vmem>>, vector<1x16xf32>,
        %swap3A_356 = vector.shape_cast %swap3A_355 : vector<1x16xf32> to vector<16xf32>
        %swap3A_357 = vector.shape_cast %get3A_352 : vector<16xf32> to vector<1x16xf32>
        tpu.vector_store %arg11[%swap3A_353, %swap3A_354], %swap3A_357 {strides = array<i32>} : memref<8x512xf32, #tpu.memory_space<vmem>>, vector<1x16xf32>,
        %get3A_358 = arith.constant 1 : i32
        %get3A_359 = arith.index_cast %scan3A_161 : i32 to index
        %get3A_360 = arith.index_cast %get3A_358 : i32 to index
        %get3A_361 = arith.constant 288 : index
        %get3A_362 = tpu.vector_load %arg9[%get3A_359, %get3A_360, %get3A_361] {strides = array<i32>} : memref<8x4x512xf32, #tpu.memory_space<vmem>>, vector<1x1x16xf32>,
        %get3A_363 = vector.shape_cast %get3A_362 : vector<1x1x16xf32> to vector<16xf32>
        %swap3A_364 = arith.index_cast %scan3A_161 : i32 to index
        %swap3A_365 = arith.constant 288 : index
        %swap3A_366 = tpu.vector_load %arg11[%swap3A_364, %swap3A_365] {strides = array<i32>} : memref<8x512xf32, #tpu.memory_space<vmem>>, vector<1x16xf32>,
        %swap3A_367 = vector.shape_cast %swap3A_366 : vector<1x16xf32> to vector<16xf32>
        %swap3A_368 = vector.shape_cast %get3A_363 : vector<16xf32> to vector<1x16xf32>
        tpu.vector_store %arg11[%swap3A_364, %swap3A_365], %swap3A_368 {strides = array<i32>} : memref<8x512xf32, #tpu.memory_space<vmem>>, vector<1x16xf32>,
        %get3A_369 = arith.constant 1 : i32
        %get3A_370 = arith.index_cast %scan3A_161 : i32 to index
        %get3A_371 = arith.index_cast %get3A_369 : i32 to index
        %get3A_372 = arith.constant 304 : index
        %get3A_373 = tpu.vector_load %arg9[%get3A_370, %get3A_371, %get3A_372] {strides = array<i32>} : memref<8x4x512xf32, #tpu.memory_space<vmem>>, vector<1x1x16xf32>,
        %get3A_374 = vector.shape_cast %get3A_373 : vector<1x1x16xf32> to vector<16xf32>
        %swap3A_375 = arith.index_cast %scan3A_161 : i32 to index
        %swap3A_376 = arith.constant 304 : index
        %swap3A_377 = tpu.vector_load %arg11[%swap3A_375, %swap3A_376] {strides = array<i32>} : memref<8x512xf32, #tpu.memory_space<vmem>>, vector<1x16xf32>,
        %swap3A_378 = vector.shape_cast %swap3A_377 : vector<1x16xf32> to vector<16xf32>
        %swap3A_379 = vector.shape_cast %get3A_374 : vector<16xf32> to vector<1x16xf32>
        tpu.vector_store %arg11[%swap3A_375, %swap3A_376], %swap3A_379 {strides = array<i32>} : memref<8x512xf32, #tpu.memory_space<vmem>>, vector<1x16xf32>,
        %get3A_380 = arith.constant 1 : i32
        %get3A_381 = arith.index_cast %scan3A_161 : i32 to index
        %get3A_382 = arith.index_cast %get3A_380 : i32 to index
        %get3A_383 = arith.constant 320 : index
        %get3A_384 = tpu.vector_load %arg9[%get3A_381, %get3A_382, %get3A_383] {strides = array<i32>} : memref<8x4x512xf32, #tpu.memory_space<vmem>>, vector<1x1x16xf32>,
        %get3A_385 = vector.shape_cast %get3A_384 : vector<1x1x16xf32> to vector<16xf32>
        %swap3A_386 = arith.index_cast %scan3A_161 : i32 to index
        %swap3A_387 = arith.constant 320 : index
        %swap3A_388 = tpu.vector_load %arg11[%swap3A_386, %swap3A_387] {strides = array<i32>} : memref<8x512xf32, #tpu.memory_space<vmem>>, vector<1x16xf32>,
        %swap3A_389 = vector.shape_cast %swap3A_388 : vector<1x16xf32> to vector<16xf32>
        %swap3A_390 = vector.shape_cast %get3A_385 : vector<16xf32> to vector<1x16xf32>
        tpu.vector_store %arg11[%swap3A_386, %swap3A_387], %swap3A_390 {strides = array<i32>} : memref<8x512xf32, #tpu.memory_space<vmem>>, vector<1x16xf32>,
        %get3A_391 = arith.constant 1 : i32
        %get3A_392 = arith.index_cast %scan3A_161 : i32 to index
        %get3A_393 = arith.index_cast %get3A_391 : i32 to index
        %get3A_394 = arith.constant 336 : index
        %get3A_395 = tpu.vector_load %arg9[%get3A_392, %get3A_393, %get3A_394] {strides = array<i32>} : memref<8x4x512xf32, #tpu.memory_space<vmem>>, vector<1x1x16xf32>,
        %get3A_396 = vector.shape_cast %get3A_395 : vector<1x1x16xf32> to vector<16xf32>
        %swap3A_397 = arith.index_cast %scan3A_161 : i32 to index
        %swap3A_398 = arith.constant 336 : index
        %swap3A_399 = tpu.vector_load %arg11[%swap3A_397, %swap3A_398] {strides = array<i32>} : memref<8x512xf32, #tpu.memory_space<vmem>>, vector<1x16xf32>,
        %swap3A_400 = vector.shape_cast %swap3A_399 : vector<1x16xf32> to vector<16xf32>
        %swap3A_401 = vector.shape_cast %get3A_396 : vector<16xf32> to vector<1x16xf32>
        tpu.vector_store %arg11[%swap3A_397, %swap3A_398], %swap3A_401 {strides = array<i32>} : memref<8x512xf32, #tpu.memory_space<vmem>>, vector<1x16xf32>,
        %get3A_402 = arith.constant 1 : i32
        %get3A_403 = arith.index_cast %scan3A_161 : i32 to index
        %get3A_404 = arith.index_cast %get3A_402 : i32 to index
        %get3A_405 = arith.constant 352 : index
        %get3A_406 = tpu.vector_load %arg9[%get3A_403, %get3A_404, %get3A_405] {strides = array<i32>} : memref<8x4x512xf32, #tpu.memory_space<vmem>>, vector<1x1x16xf32>,
        %get3A_407 = vector.shape_cast %get3A_406 : vector<1x1x16xf32> to vector<16xf32>
        %swap3A_408 = arith.index_cast %scan3A_161 : i32 to index
        %swap3A_409 = arith.constant 352 : index
        %swap3A_410 = tpu.vector_load %arg11[%swap3A_408, %swap3A_409] {strides = array<i32>} : memref<8x512xf32, #tpu.memory_space<vmem>>, vector<1x16xf32>,
        %swap3A_411 = vector.shape_cast %swap3A_410 : vector<1x16xf32> to vector<16xf32>
        %swap3A_412 = vector.shape_cast %get3A_407 : vector<16xf32> to vector<1x16xf32>
        tpu.vector_store %arg11[%swap3A_408, %swap3A_409], %swap3A_412 {strides = array<i32>} : memref<8x512xf32, #tpu.memory_space<vmem>>, vector<1x16xf32>,
        %get3A_413 = arith.constant 1 : i32
        %get3A_414 = arith.index_cast %scan3A_161 : i32 to index
        %get3A_415 = arith.index_cast %get3A_413 : i32 to index
        %get3A_416 = arith.constant 368 : index
        %get3A_417 = tpu.vector_load %arg9[%get3A_414, %get3A_415, %get3A_416] {strides = array<i32>} : memref<8x4x512xf32, #tpu.memory_space<vmem>>, vector<1x1x16xf32>,
        %get3A_418 = vector.shape_cast %get3A_417 : vector<1x1x16xf32> to vector<16xf32>
        %swap3A_419 = arith.index_cast %scan3A_161 : i32 to index
        %swap3A_420 = arith.constant 368 : index
        %swap3A_421 = tpu.vector_load %arg11[%swap3A_419, %swap3A_420] {strides = array<i32>} : memref<8x512xf32, #tpu.memory_space<vmem>>, vector<1x16xf32>,
        %swap3A_422 = vector.shape_cast %swap3A_421 : vector<1x16xf32> to vector<16xf32>
        %swap3A_423 = vector.shape_cast %get3A_418 : vector<16xf32> to vector<1x16xf32>
        tpu.vector_store %arg11[%swap3A_419, %swap3A_420], %swap3A_423 {strides = array<i32>} : memref<8x512xf32, #tpu.memory_space<vmem>>, vector<1x16xf32>,
        %get3A_424 = arith.constant 1 : i32
        %get3A_425 = arith.index_cast %scan3A_161 : i32 to index
        %get3A_426 = arith.index_cast %get3A_424 : i32 to index
        %get3A_427 = arith.constant 384 : index
        %get3A_428 = tpu.vector_load %arg9[%get3A_425, %get3A_426, %get3A_427] {strides = array<i32>} : memref<8x4x512xf32, #tpu.memory_space<vmem>>, vector<1x1x16xf32>,
        %get3A_429 = vector.shape_cast %get3A_428 : vector<1x1x16xf32> to vector<16xf32>
        %swap3A_430 = arith.index_cast %scan3A_161 : i32 to index
        %swap3A_431 = arith.constant 384 : index
        %swap3A_432 = tpu.vector_load %arg11[%swap3A_430, %swap3A_431] {strides = array<i32>} : memref<8x512xf32, #tpu.memory_space<vmem>>, vector<1x16xf32>,
        %swap3A_433 = vector.shape_cast %swap3A_432 : vector<1x16xf32> to vector<16xf32>
        %swap3A_434 = vector.shape_cast %get3A_429 : vector<16xf32> to vector<1x16xf32>
        tpu.vector_store %arg11[%swap3A_430, %swap3A_431], %swap3A_434 {strides = array<i32>} : memref<8x512xf32, #tpu.memory_space<vmem>>, vector<1x16xf32>,
        %get3A_435 = arith.constant 1 : i32
        %get3A_436 = arith.index_cast %scan3A_161 : i32 to index
        %get3A_437 = arith.index_cast %get3A_435 : i32 to index
        %get3A_438 = arith.constant 400 : index
        %get3A_439 = tpu.vector_load %arg9[%get3A_436, %get3A_437, %get3A_438] {strides = array<i32>} : memref<8x4x512xf32, #tpu.memory_space<vmem>>, vector<1x1x16xf32>,
        %get3A_440 = vector.shape_cast %get3A_439 : vector<1x1x16xf32> to vector<16xf32>
        %swap3A_441 = arith.index_cast %scan3A_161 : i32 to index
        %swap3A_442 = arith.constant 400 : index
        %swap3A_443 = tpu.vector_load %arg11[%swap3A_441, %swap3A_442] {strides = array<i32>} : memref<8x512xf32, #tpu.memory_space<vmem>>, vector<1x16xf32>,
        %swap3A_444 = vector.shape_cast %swap3A_443 : vector<1x16xf32> to vector<16xf32>
        %swap3A_445 = vector.shape_cast %get3A_440 : vector<16xf32> to vector<1x16xf32>
        tpu.vector_store %arg11[%swap3A_441, %swap3A_442], %swap3A_445 {strides = array<i32>} : memref<8x512xf32, #tpu.memory_space<vmem>>, vector<1x16xf32>,
        %get3A_446 = arith.constant 1 : i32
        %get3A_447 = arith.index_cast %scan3A_161 : i32 to index
        %get3A_448 = arith.index_cast %get3A_446 : i32 to index
        %get3A_449 = arith.constant 416 : index
        %get3A_450 = tpu.vector_load %arg9[%get3A_447, %get3A_448, %get3A_449] {strides = array<i32>} : memref<8x4x512xf32, #tpu.memory_space<vmem>>, vector<1x1x16xf32>,
        %get3A_451 = vector.shape_cast %get3A_450 : vector<1x1x16xf32> to vector<16xf32>
        %swap3A_452 = arith.index_cast %scan3A_161 : i32 to index
        %swap3A_453 = arith.constant 416 : index
        %swap3A_454 = tpu.vector_load %arg11[%swap3A_452, %swap3A_453] {strides = array<i32>} : memref<8x512xf32, #tpu.memory_space<vmem>>, vector<1x16xf32>,
        %swap3A_455 = vector.shape_cast %swap3A_454 : vector<1x16xf32> to vector<16xf32>
        %swap3A_456 = vector.shape_cast %get3A_451 : vector<16xf32> to vector<1x16xf32>
        tpu.vector_store %arg11[%swap3A_452, %swap3A_453], %swap3A_456 {strides = array<i32>} : memref<8x512xf32, #tpu.memory_space<vmem>>, vector<1x16xf32>,
        %get3A_457 = arith.constant 1 : i32
        %get3A_458 = arith.index_cast %scan3A_161 : i32 to index
        %get3A_459 = arith.index_cast %get3A_457 : i32 to index
        %get3A_460 = arith.constant 432 : index
        %get3A_461 = tpu.vector_load %arg9[%get3A_458, %get3A_459, %get3A_460] {strides = array<i32>} : memref<8x4x512xf32, #tpu.memory_space<vmem>>, vector<1x1x16xf32>,
        %get3A_462 = vector.shape_cast %get3A_461 : vector<1x1x16xf32> to vector<16xf32>
        %swap3A_463 = arith.index_cast %scan3A_161 : i32 to index
        %swap3A_464 = arith.constant 432 : index
        %swap3A_465 = tpu.vector_load %arg11[%swap3A_463, %swap3A_464] {strides = array<i32>} : memref<8x512xf32, #tpu.memory_space<vmem>>, vector<1x16xf32>,
        %swap3A_466 = vector.shape_cast %swap3A_465 : vector<1x16xf32> to vector<16xf32>
        %swap3A_467 = vector.shape_cast %get3A_462 : vector<16xf32> to vector<1x16xf32>
        tpu.vector_store %arg11[%swap3A_463, %swap3A_464], %swap3A_467 {strides = array<i32>} : memref<8x512xf32, #tpu.memory_space<vmem>>, vector<1x16xf32>,
        %get3A_468 = arith.constant 1 : i32
        %get3A_469 = arith.index_cast %scan3A_161 : i32 to index
        %get3A_470 = arith.index_cast %get3A_468 : i32 to index
        %get3A_471 = arith.constant 448 : index
        %get3A_472 = tpu.vector_load %arg9[%get3A_469, %get3A_470, %get3A_471] {strides = array<i32>} : memref<8x4x512xf32, #tpu.memory_space<vmem>>, vector<1x1x16xf32>,
        %get3A_473 = vector.shape_cast %get3A_472 : vector<1x1x16xf32> to vector<16xf32>
        %swap3A_474 = arith.index_cast %scan3A_161 : i32 to index
        %swap3A_475 = arith.constant 448 : index
        %swap3A_476 = tpu.vector_load %arg11[%swap3A_474, %swap3A_475] {strides = array<i32>} : memref<8x512xf32, #tpu.memory_space<vmem>>, vector<1x16xf32>,
        %swap3A_477 = vector.shape_cast %swap3A_476 : vector<1x16xf32> to vector<16xf32>
        %swap3A_478 = vector.shape_cast %get3A_473 : vector<16xf32> to vector<1x16xf32>
        tpu.vector_store %arg11[%swap3A_474, %swap3A_475], %swap3A_478 {strides = array<i32>} : memref<8x512xf32, #tpu.memory_space<vmem>>, vector<1x16xf32>,
        %get3A_479 = arith.constant 1 : i32
        %get3A_480 = arith.index_cast %scan3A_161 : i32 to index
        %get3A_481 = arith.index_cast %get3A_479 : i32 to index
        %get3A_482 = arith.constant 464 : index
        %get3A_483 = tpu.vector_load %arg9[%get3A_480, %get3A_481, %get3A_482] {strides = array<i32>} : memref<8x4x512xf32, #tpu.memory_space<vmem>>, vector<1x1x16xf32>,
        %get3A_484 = vector.shape_cast %get3A_483 : vector<1x1x16xf32> to vector<16xf32>
        %swap3A_485 = arith.index_cast %scan3A_161 : i32 to index
        %swap3A_486 = arith.constant 464 : index
        %swap3A_487 = tpu.vector_load %arg11[%swap3A_485, %swap3A_486] {strides = array<i32>} : memref<8x512xf32, #tpu.memory_space<vmem>>, vector<1x16xf32>,
        %swap3A_488 = vector.shape_cast %swap3A_487 : vector<1x16xf32> to vector<16xf32>
        %swap3A_489 = vector.shape_cast %get3A_484 : vector<16xf32> to vector<1x16xf32>
        tpu.vector_store %arg11[%swap3A_485, %swap3A_486], %swap3A_489 {strides = array<i32>} : memref<8x512xf32, #tpu.memory_space<vmem>>, vector<1x16xf32>,
        %get3A_490 = arith.constant 1 : i32
        %get3A_491 = arith.index_cast %scan3A_161 : i32 to index
        %get3A_492 = arith.index_cast %get3A_490 : i32 to index
        %get3A_493 = arith.constant 480 : index
        %get3A_494 = tpu.vector_load %arg9[%get3A_491, %get3A_492, %get3A_493] {strides = array<i32>} : memref<8x4x512xf32, #tpu.memory_space<vmem>>, vector<1x1x16xf32>,
        %get3A_495 = vector.shape_cast %get3A_494 : vector<1x1x16xf32> to vector<16xf32>
        %swap3A_496 = arith.index_cast %scan3A_161 : i32 to index
        %swap3A_497 = arith.constant 480 : index
        %swap3A_498 = tpu.vector_load %arg11[%swap3A_496, %swap3A_497] {strides = array<i32>} : memref<8x512xf32, #tpu.memory_space<vmem>>, vector<1x16xf32>,
        %swap3A_499 = vector.shape_cast %swap3A_498 : vector<1x16xf32> to vector<16xf32>
        %swap3A_500 = vector.shape_cast %get3A_495 : vector<16xf32> to vector<1x16xf32>
        tpu.vector_store %arg11[%swap3A_496, %swap3A_497], %swap3A_500 {strides = array<i32>} : memref<8x512xf32, #tpu.memory_space<vmem>>, vector<1x16xf32>,
        %get3A_501 = arith.constant 1 : i32
        %get3A_502 = arith.index_cast %scan3A_161 : i32 to index
        %get3A_503 = arith.index_cast %get3A_501 : i32 to index
        %get3A_504 = arith.constant 496 : index
        %get3A_505 = tpu.vector_load %arg9[%get3A_502, %get3A_503, %get3A_504] {strides = array<i32>} : memref<8x4x512xf32, #tpu.memory_space<vmem>>, vector<1x1x16xf32>,
        %get3A_506 = vector.shape_cast %get3A_505 : vector<1x1x16xf32> to vector<16xf32>
        %swap3A_507 = arith.index_cast %scan3A_161 : i32 to index
        %swap3A_508 = arith.constant 496 : index
        %swap3A_509 = tpu.vector_load %arg11[%swap3A_507, %swap3A_508] {strides = array<i32>} : memref<8x512xf32, #tpu.memory_space<vmem>>, vector<1x16xf32>,
        %swap3A_510 = vector.shape_cast %swap3A_509 : vector<1x16xf32> to vector<16xf32>
        %swap3A_511 = vector.shape_cast %get3A_506 : vector<16xf32> to vector<1x16xf32>
        tpu.vector_store %arg11[%swap3A_507, %swap3A_508], %swap3A_511 {strides = array<i32>} : memref<8x512xf32, #tpu.memory_space<vmem>>, vector<1x16xf32>,
      }
      %scan3A_109 = arith.constant 8 : i32
      %dma_start3A_110 = arith.constant 7 : i32
      %dma_start3A_111 = arith.constant 0 : i32
      %dma_start3A_112 = tpu.memref_slice %arg5[%dma_start3A_110, %multiple_of3A_83, %dma_start3A_111] : memref<77x1024x512xf32, #tpu.memory_space<hbm>> -> memref<1x8x512xf32, #tpu.memory_space<hbm>>
      %dma_start3A_113 = tpu.memref_squeeze %dma_start3A_112 : memref<1x8x512xf32, #tpu.memory_space<hbm>> -> memref<8x512xf32, #tpu.memory_space<hbm>>
      %dma_start3A_114 = arith.constant 0 : i32
      %dma_start3A_115 = tpu.memref_slice %arg5[%dma_start3A_110, %multiple_of3A_83, %dma_start3A_114] : memref<77x1024x512xf32, #tpu.memory_space<hbm>> -> memref<1x8x512xf32, #tpu.memory_space<hbm>>
      %dma_start3A_116 = tpu.memref_squeeze %dma_start3A_115 : memref<1x8x512xf32, #tpu.memory_space<hbm>> -> memref<8x512xf32, #tpu.memory_space<hbm>>
      tpu.enqueue_dma source(%arg11 : memref<8x512xf32, #tpu.memory_space<vmem>>) target(%dma_start3A_116 : memref<8x512xf32, #tpu.memory_space<hbm>>) target_semaphore(%arg15 : memref<!tpu.dma_semaphore, #tpu.memory_space<semaphore_mem>>)
      %dma_wait3A_117 = arith.constant 0 : i32
      %dma_wait3A_118 = arith.constant 0 : i32
      %dma_wait3A_119 = arith.constant 0 : i32
      %dma_wait3A_120 = tpu.memref_slice %arg5[%dma_wait3A_117, %dma_wait3A_118, %dma_wait3A_119] : memref<77x1024x512xf32, #tpu.memory_space<hbm>> -> memref<1x8x512xf32, #tpu.memory_space<hbm>>
      %dma_wait3A_121 = tpu.memref_squeeze %dma_wait3A_120 : memref<1x8x512xf32, #tpu.memory_space<hbm>> -> memref<8x512xf32, #tpu.memory_space<hbm>>
      %dma_wait3A_122 = arith.constant 0 : i32
      %dma_wait3A_123 = arith.constant 0 : i32
      %dma_wait3A_124 = tpu.memref_slice %arg5[%dma_wait3A_117, %dma_wait3A_122, %dma_wait3A_123] : memref<77x1024x512xf32, #tpu.memory_space<hbm>> -> memref<1x8x512xf32, #tpu.memory_space<hbm>>
      %dma_wait3A_125 = tpu.memref_squeeze %dma_wait3A_124 : memref<1x8x512xf32, #tpu.memory_space<hbm>> -> memref<8x512xf32, #tpu.memory_space<hbm>>
      tpu.wait_dma2 semaphore(%arg14 : memref<!tpu.dma_semaphore, #tpu.memory_space<semaphore_mem>>) src(%dma_wait3A_125 : memref<8x512xf32, #tpu.memory_space<hbm>>) dst(%arg10 : memref<8x512xf32, #tpu.memory_space<vmem>>)
      %scan3A_126 = arith.constant 0 : i32
      %scan3A_127 = arith.constant 0 : i32
      %scan3A_128 = arith.constant 8 : i32
      %scan3A_129 = arith.addi %scan3A_127, %scan3A_128 : i32
      %scan3A_130 = arith.constant 1 : i32
      scf.for %scan3A_161 = %scan3A_127 to %scan3A_129 step %scan3A_130  : i32 {
        %get3A = arith.constant 2 : i32
        %get3A_162 = arith.index_cast %scan3A_161 : i32 to index
        %get3A_163 = arith.index_cast %get3A : i32 to index
        %get3A_164 = arith.constant 0 : index
        %get3A_165 = tpu.vector_load %arg9[%get3A_162, %get3A_163, %get3A_164] {strides = array<i32>} : memref<8x4x512xf32, #tpu.memory_space<vmem>>, vector<1x1x16xf32>,
        %get3A_166 = vector.shape_cast %get3A_165 : vector<1x1x16xf32> to vector<16xf32>
        %swap3A = arith.index_cast %scan3A_161 : i32 to index
        %swap3A_167 = arith.constant 0 : index
        %swap3A_168 = tpu.vector_load %arg10[%swap3A, %swap3A_167] {strides = array<i32>} : memref<8x512xf32, #tpu.memory_space<vmem>>, vector<1x16xf32>,
        %swap3A_169 = vector.shape_cast %swap3A_168 : vector<1x16xf32> to vector<16xf32>
        %swap3A_170 = vector.shape_cast %get3A_166 : vector<16xf32> to vector<1x16xf32>
        tpu.vector_store %arg10[%swap3A, %swap3A_167], %swap3A_170 {strides = array<i32>} : memref<8x512xf32, #tpu.memory_space<vmem>>, vector<1x16xf32>,
        %get3A_171 = arith.constant 2 : i32
        %get3A_172 = arith.index_cast %scan3A_161 : i32 to index
        %get3A_173 = arith.index_cast %get3A_171 : i32 to index
        %get3A_174 = arith.constant 16 : index
        %get3A_175 = tpu.vector_load %arg9[%get3A_172, %get3A_173, %get3A_174] {strides = array<i32>} : memref<8x4x512xf32, #tpu.memory_space<vmem>>, vector<1x1x16xf32>,
        %get3A_176 = vector.shape_cast %get3A_175 : vector<1x1x16xf32> to vector<16xf32>
        %swap3A_177 = arith.index_cast %scan3A_161 : i32 to index
        %swap3A_178 = arith.constant 16 : index
        %swap3A_179 = tpu.vector_load %arg10[%swap3A_177, %swap3A_178] {strides = array<i32>} : memref<8x512xf32, #tpu.memory_space<vmem>>, vector<1x16xf32>,
        %swap3A_180 = vector.shape_cast %swap3A_179 : vector<1x16xf32> to vector<16xf32>
        %swap3A_181 = vector.shape_cast %get3A_176 : vector<16xf32> to vector<1x16xf32>
        tpu.vector_store %arg10[%swap3A_177, %swap3A_178], %swap3A_181 {strides = array<i32>} : memref<8x512xf32, #tpu.memory_space<vmem>>, vector<1x16xf32>,
        %get3A_182 = arith.constant 2 : i32
        %get3A_183 = arith.index_cast %scan3A_161 : i32 to index
        %get3A_184 = arith.index_cast %get3A_182 : i32 to index
        %get3A_185 = arith.constant 32 : index
        %get3A_186 = tpu.vector_load %arg9[%get3A_183, %get3A_184, %get3A_185] {strides = array<i32>} : memref<8x4x512xf32, #tpu.memory_space<vmem>>, vector<1x1x16xf32>,
        %get3A_187 = vector.shape_cast %get3A_186 : vector<1x1x16xf32> to vector<16xf32>
        %swap3A_188 = arith.index_cast %scan3A_161 : i32 to index
        %swap3A_189 = arith.constant 32 : index
        %swap3A_190 = tpu.vector_load %arg10[%swap3A_188, %swap3A_189] {strides = array<i32>} : memref<8x512xf32, #tpu.memory_space<vmem>>, vector<1x16xf32>,
        %swap3A_191 = vector.shape_cast %swap3A_190 : vector<1x16xf32> to vector<16xf32>
        %swap3A_192 = vector.shape_cast %get3A_187 : vector<16xf32> to vector<1x16xf32>
        tpu.vector_store %arg10[%swap3A_188, %swap3A_189], %swap3A_192 {strides = array<i32>} : memref<8x512xf32, #tpu.memory_space<vmem>>, vector<1x16xf32>,
        %get3A_193 = arith.constant 2 : i32
        %get3A_194 = arith.index_cast %scan3A_161 : i32 to index
        %get3A_195 = arith.index_cast %get3A_193 : i32 to index
        %get3A_196 = arith.constant 48 : index
        %get3A_197 = tpu.vector_load %arg9[%get3A_194, %get3A_195, %get3A_196] {strides = array<i32>} : memref<8x4x512xf32, #tpu.memory_space<vmem>>, vector<1x1x16xf32>,
        %get3A_198 = vector.shape_cast %get3A_197 : vector<1x1x16xf32> to vector<16xf32>
        %swap3A_199 = arith.index_cast %scan3A_161 : i32 to index
        %swap3A_200 = arith.constant 48 : index
        %swap3A_201 = tpu.vector_load %arg10[%swap3A_199, %swap3A_200] {strides = array<i32>} : memref<8x512xf32, #tpu.memory_space<vmem>>, vector<1x16xf32>,
        %swap3A_202 = vector.shape_cast %swap3A_201 : vector<1x16xf32> to vector<16xf32>
        %swap3A_203 = vector.shape_cast %get3A_198 : vector<16xf32> to vector<1x16xf32>
        tpu.vector_store %arg10[%swap3A_199, %swap3A_200], %swap3A_203 {strides = array<i32>} : memref<8x512xf32, #tpu.memory_space<vmem>>, vector<1x16xf32>,
        %get3A_204 = arith.constant 2 : i32
        %get3A_205 = arith.index_cast %scan3A_161 : i32 to index
        %get3A_206 = arith.index_cast %get3A_204 : i32 to index
        %get3A_207 = arith.constant 64 : index
        %get3A_208 = tpu.vector_load %arg9[%get3A_205, %get3A_206, %get3A_207] {strides = array<i32>} : memref<8x4x512xf32, #tpu.memory_space<vmem>>, vector<1x1x16xf32>,
        %get3A_209 = vector.shape_cast %get3A_208 : vector<1x1x16xf32> to vector<16xf32>
        %swap3A_210 = arith.index_cast %scan3A_161 : i32 to index
        %swap3A_211 = arith.constant 64 : index
        %swap3A_212 = tpu.vector_load %arg10[%swap3A_210, %swap3A_211] {strides = array<i32>} : memref<8x512xf32, #tpu.memory_space<vmem>>, vector<1x16xf32>,
        %swap3A_213 = vector.shape_cast %swap3A_212 : vector<1x16xf32> to vector<16xf32>
        %swap3A_214 = vector.shape_cast %get3A_209 : vector<16xf32> to vector<1x16xf32>
        tpu.vector_store %arg10[%swap3A_210, %swap3A_211], %swap3A_214 {strides = array<i32>} : memref<8x512xf32, #tpu.memory_space<vmem>>, vector<1x16xf32>,
        %get3A_215 = arith.constant 2 : i32
        %get3A_216 = arith.index_cast %scan3A_161 : i32 to index
        %get3A_217 = arith.index_cast %get3A_215 : i32 to index
        %get3A_218 = arith.constant 80 : index
        %get3A_219 = tpu.vector_load %arg9[%get3A_216, %get3A_217, %get3A_218] {strides = array<i32>} : memref<8x4x512xf32, #tpu.memory_space<vmem>>, vector<1x1x16xf32>,
        %get3A_220 = vector.shape_cast %get3A_219 : vector<1x1x16xf32> to vector<16xf32>
        %swap3A_221 = arith.index_cast %scan3A_161 : i32 to index
        %swap3A_222 = arith.constant 80 : index
        %swap3A_223 = tpu.vector_load %arg10[%swap3A_221, %swap3A_222] {strides = array<i32>} : memref<8x512xf32, #tpu.memory_space<vmem>>, vector<1x16xf32>,
        %swap3A_224 = vector.shape_cast %swap3A_223 : vector<1x16xf32> to vector<16xf32>
        %swap3A_225 = vector.shape_cast %get3A_220 : vector<16xf32> to vector<1x16xf32>
        tpu.vector_store %arg10[%swap3A_221, %swap3A_222], %swap3A_225 {strides = array<i32>} : memref<8x512xf32, #tpu.memory_space<vmem>>, vector<1x16xf32>,
        %get3A_226 = arith.constant 2 : i32
        %get3A_227 = arith.index_cast %scan3A_161 : i32 to index
        %get3A_228 = arith.index_cast %get3A_226 : i32 to index
        %get3A_229 = arith.constant 96 : index
        %get3A_230 = tpu.vector_load %arg9[%get3A_227, %get3A_228, %get3A_229] {strides = array<i32>} : memref<8x4x512xf32, #tpu.memory_space<vmem>>, vector<1x1x16xf32>,
        %get3A_231 = vector.shape_cast %get3A_230 : vector<1x1x16xf32> to vector<16xf32>
        %swap3A_232 = arith.index_cast %scan3A_161 : i32 to index
        %swap3A_233 = arith.constant 96 : index
        %swap3A_234 = tpu.vector_load %arg10[%swap3A_232, %swap3A_233] {strides = array<i32>} : memref<8x512xf32, #tpu.memory_space<vmem>>, vector<1x16xf32>,
        %swap3A_235 = vector.shape_cast %swap3A_234 : vector<1x16xf32> to vector<16xf32>
        %swap3A_236 = vector.shape_cast %get3A_231 : vector<16xf32> to vector<1x16xf32>
        tpu.vector_store %arg10[%swap3A_232, %swap3A_233], %swap3A_236 {strides = array<i32>} : memref<8x512xf32, #tpu.memory_space<vmem>>, vector<1x16xf32>,
        %get3A_237 = arith.constant 2 : i32
        %get3A_238 = arith.index_cast %scan3A_161 : i32 to index
        %get3A_239 = arith.index_cast %get3A_237 : i32 to index
        %get3A_240 = arith.constant 112 : index
        %get3A_241 = tpu.vector_load %arg9[%get3A_238, %get3A_239, %get3A_240] {strides = array<i32>} : memref<8x4x512xf32, #tpu.memory_space<vmem>>, vector<1x1x16xf32>,
        %get3A_242 = vector.shape_cast %get3A_241 : vector<1x1x16xf32> to vector<16xf32>
        %swap3A_243 = arith.index_cast %scan3A_161 : i32 to index
        %swap3A_244 = arith.constant 112 : index
        %swap3A_245 = tpu.vector_load %arg10[%swap3A_243, %swap3A_244] {strides = array<i32>} : memref<8x512xf32, #tpu.memory_space<vmem>>, vector<1x16xf32>,
        %swap3A_246 = vector.shape_cast %swap3A_245 : vector<1x16xf32> to vector<16xf32>
        %swap3A_247 = vector.shape_cast %get3A_242 : vector<16xf32> to vector<1x16xf32>
        tpu.vector_store %arg10[%swap3A_243, %swap3A_244], %swap3A_247 {strides = array<i32>} : memref<8x512xf32, #tpu.memory_space<vmem>>, vector<1x16xf32>,
        %get3A_248 = arith.constant 2 : i32
        %get3A_249 = arith.index_cast %scan3A_161 : i32 to index
        %get3A_250 = arith.index_cast %get3A_248 : i32 to index
        %get3A_251 = arith.constant 128 : index
        %get3A_252 = tpu.vector_load %arg9[%get3A_249, %get3A_250, %get3A_251] {strides = array<i32>} : memref<8x4x512xf32, #tpu.memory_space<vmem>>, vector<1x1x16xf32>,
        %get3A_253 = vector.shape_cast %get3A_252 : vector<1x1x16xf32> to vector<16xf32>
        %swap3A_254 = arith.index_cast %scan3A_161 : i32 to index
        %swap3A_255 = arith.constant 128 : index
        %swap3A_256 = tpu.vector_load %arg10[%swap3A_254, %swap3A_255] {strides = array<i32>} : memref<8x512xf32, #tpu.memory_space<vmem>>, vector<1x16xf32>,
        %swap3A_257 = vector.shape_cast %swap3A_256 : vector<1x16xf32> to vector<16xf32>
        %swap3A_258 = vector.shape_cast %get3A_253 : vector<16xf32> to vector<1x16xf32>
        tpu.vector_store %arg10[%swap3A_254, %swap3A_255], %swap3A_258 {strides = array<i32>} : memref<8x512xf32, #tpu.memory_space<vmem>>, vector<1x16xf32>,
        %get3A_259 = arith.constant 2 : i32
        %get3A_260 = arith.index_cast %scan3A_161 : i32 to index
        %get3A_261 = arith.index_cast %get3A_259 : i32 to index
        %get3A_262 = arith.constant 144 : index
        %get3A_263 = tpu.vector_load %arg9[%get3A_260, %get3A_261, %get3A_262] {strides = array<i32>} : memref<8x4x512xf32, #tpu.memory_space<vmem>>, vector<1x1x16xf32>,
        %get3A_264 = vector.shape_cast %get3A_263 : vector<1x1x16xf32> to vector<16xf32>
        %swap3A_265 = arith.index_cast %scan3A_161 : i32 to index
        %swap3A_266 = arith.constant 144 : index
        %swap3A_267 = tpu.vector_load %arg10[%swap3A_265, %swap3A_266] {strides = array<i32>} : memref<8x512xf32, #tpu.memory_space<vmem>>, vector<1x16xf32>,
        %swap3A_268 = vector.shape_cast %swap3A_267 : vector<1x16xf32> to vector<16xf32>
        %swap3A_269 = vector.shape_cast %get3A_264 : vector<16xf32> to vector<1x16xf32>
        tpu.vector_store %arg10[%swap3A_265, %swap3A_266], %swap3A_269 {strides = array<i32>} : memref<8x512xf32, #tpu.memory_space<vmem>>, vector<1x16xf32>,
        %get3A_270 = arith.constant 2 : i32
        %get3A_271 = arith.index_cast %scan3A_161 : i32 to index
        %get3A_272 = arith.index_cast %get3A_270 : i32 to index
        %get3A_273 = arith.constant 160 : index
        %get3A_274 = tpu.vector_load %arg9[%get3A_271, %get3A_272, %get3A_273] {strides = array<i32>} : memref<8x4x512xf32, #tpu.memory_space<vmem>>, vector<1x1x16xf32>,
        %get3A_275 = vector.shape_cast %get3A_274 : vector<1x1x16xf32> to vector<16xf32>
        %swap3A_276 = arith.index_cast %scan3A_161 : i32 to index
        %swap3A_277 = arith.constant 160 : index
        %swap3A_278 = tpu.vector_load %arg10[%swap3A_276, %swap3A_277] {strides = array<i32>} : memref<8x512xf32, #tpu.memory_space<vmem>>, vector<1x16xf32>,
        %swap3A_279 = vector.shape_cast %swap3A_278 : vector<1x16xf32> to vector<16xf32>
        %swap3A_280 = vector.shape_cast %get3A_275 : vector<16xf32> to vector<1x16xf32>
        tpu.vector_store %arg10[%swap3A_276, %swap3A_277], %swap3A_280 {strides = array<i32>} : memref<8x512xf32, #tpu.memory_space<vmem>>, vector<1x16xf32>,
        %get3A_281 = arith.constant 2 : i32
        %get3A_282 = arith.index_cast %scan3A_161 : i32 to index
        %get3A_283 = arith.index_cast %get3A_281 : i32 to index
        %get3A_284 = arith.constant 176 : index
        %get3A_285 = tpu.vector_load %arg9[%get3A_282, %get3A_283, %get3A_284] {strides = array<i32>} : memref<8x4x512xf32, #tpu.memory_space<vmem>>, vector<1x1x16xf32>,
        %get3A_286 = vector.shape_cast %get3A_285 : vector<1x1x16xf32> to vector<16xf32>
        %swap3A_287 = arith.index_cast %scan3A_161 : i32 to index
        %swap3A_288 = arith.constant 176 : index
        %swap3A_289 = tpu.vector_load %arg10[%swap3A_287, %swap3A_288] {strides = array<i32>} : memref<8x512xf32, #tpu.memory_space<vmem>>, vector<1x16xf32>,
        %swap3A_290 = vector.shape_cast %swap3A_289 : vector<1x16xf32> to vector<16xf32>
        %swap3A_291 = vector.shape_cast %get3A_286 : vector<16xf32> to vector<1x16xf32>
        tpu.vector_store %arg10[%swap3A_287, %swap3A_288], %swap3A_291 {strides = array<i32>} : memref<8x512xf32, #tpu.memory_space<vmem>>, vector<1x16xf32>,
        %get3A_292 = arith.constant 2 : i32
        %get3A_293 = arith.index_cast %scan3A_161 : i32 to index
        %get3A_294 = arith.index_cast %get3A_292 : i32 to index
        %get3A_295 = arith.constant 192 : index
        %get3A_296 = tpu.vector_load %arg9[%get3A_293, %get3A_294, %get3A_295] {strides = array<i32>} : memref<8x4x512xf32, #tpu.memory_space<vmem>>, vector<1x1x16xf32>,
        %get3A_297 = vector.shape_cast %get3A_296 : vector<1x1x16xf32> to vector<16xf32>
        %swap3A_298 = arith.index_cast %scan3A_161 : i32 to index
        %swap3A_299 = arith.constant 192 : index
        %swap3A_300 = tpu.vector_load %arg10[%swap3A_298, %swap3A_299] {strides = array<i32>} : memref<8x512xf32, #tpu.memory_space<vmem>>, vector<1x16xf32>,
        %swap3A_301 = vector.shape_cast %swap3A_300 : vector<1x16xf32> to vector<16xf32>
        %swap3A_302 = vector.shape_cast %get3A_297 : vector<16xf32> to vector<1x16xf32>
        tpu.vector_store %arg10[%swap3A_298, %swap3A_299], %swap3A_302 {strides = array<i32>} : memref<8x512xf32, #tpu.memory_space<vmem>>, vector<1x16xf32>,
        %get3A_303 = arith.constant 2 : i32
        %get3A_304 = arith.index_cast %scan3A_161 : i32 to index
        %get3A_305 = arith.index_cast %get3A_303 : i32 to index
        %get3A_306 = arith.constant 208 : index
        %get3A_307 = tpu.vector_load %arg9[%get3A_304, %get3A_305, %get3A_306] {strides = array<i32>} : memref<8x4x512xf32, #tpu.memory_space<vmem>>, vector<1x1x16xf32>,
        %get3A_308 = vector.shape_cast %get3A_307 : vector<1x1x16xf32> to vector<16xf32>
        %swap3A_309 = arith.index_cast %scan3A_161 : i32 to index
        %swap3A_310 = arith.constant 208 : index
        %swap3A_311 = tpu.vector_load %arg10[%swap3A_309, %swap3A_310] {strides = array<i32>} : memref<8x512xf32, #tpu.memory_space<vmem>>, vector<1x16xf32>,
        %swap3A_312 = vector.shape_cast %swap3A_311 : vector<1x16xf32> to vector<16xf32>
        %swap3A_313 = vector.shape_cast %get3A_308 : vector<16xf32> to vector<1x16xf32>
        tpu.vector_store %arg10[%swap3A_309, %swap3A_310], %swap3A_313 {strides = array<i32>} : memref<8x512xf32, #tpu.memory_space<vmem>>, vector<1x16xf32>,
        %get3A_314 = arith.constant 2 : i32
        %get3A_315 = arith.index_cast %scan3A_161 : i32 to index
        %get3A_316 = arith.index_cast %get3A_314 : i32 to index
        %get3A_317 = arith.constant 224 : index
        %get3A_318 = tpu.vector_load %arg9[%get3A_315, %get3A_316, %get3A_317] {strides = array<i32>} : memref<8x4x512xf32, #tpu.memory_space<vmem>>, vector<1x1x16xf32>,
        %get3A_319 = vector.shape_cast %get3A_318 : vector<1x1x16xf32> to vector<16xf32>
        %swap3A_320 = arith.index_cast %scan3A_161 : i32 to index
        %swap3A_321 = arith.constant 224 : index
        %swap3A_322 = tpu.vector_load %arg10[%swap3A_320, %swap3A_321] {strides = array<i32>} : memref<8x512xf32, #tpu.memory_space<vmem>>, vector<1x16xf32>,
        %swap3A_323 = vector.shape_cast %swap3A_322 : vector<1x16xf32> to vector<16xf32>
        %swap3A_324 = vector.shape_cast %get3A_319 : vector<16xf32> to vector<1x16xf32>
        tpu.vector_store %arg10[%swap3A_320, %swap3A_321], %swap3A_324 {strides = array<i32>} : memref<8x512xf32, #tpu.memory_space<vmem>>, vector<1x16xf32>,
        %get3A_325 = arith.constant 2 : i32
        %get3A_326 = arith.index_cast %scan3A_161 : i32 to index
        %get3A_327 = arith.index_cast %get3A_325 : i32 to index
        %get3A_328 = arith.constant 240 : index
        %get3A_329 = tpu.vector_load %arg9[%get3A_326, %get3A_327, %get3A_328] {strides = array<i32>} : memref<8x4x512xf32, #tpu.memory_space<vmem>>, vector<1x1x16xf32>,
        %get3A_330 = vector.shape_cast %get3A_329 : vector<1x1x16xf32> to vector<16xf32>
        %swap3A_331 = arith.index_cast %scan3A_161 : i32 to index
        %swap3A_332 = arith.constant 240 : index
        %swap3A_333 = tpu.vector_load %arg10[%swap3A_331, %swap3A_332] {strides = array<i32>} : memref<8x512xf32, #tpu.memory_space<vmem>>, vector<1x16xf32>,
        %swap3A_334 = vector.shape_cast %swap3A_333 : vector<1x16xf32> to vector<16xf32>
        %swap3A_335 = vector.shape_cast %get3A_330 : vector<16xf32> to vector<1x16xf32>
        tpu.vector_store %arg10[%swap3A_331, %swap3A_332], %swap3A_335 {strides = array<i32>} : memref<8x512xf32, #tpu.memory_space<vmem>>, vector<1x16xf32>,
        %get3A_336 = arith.constant 2 : i32
        %get3A_337 = arith.index_cast %scan3A_161 : i32 to index
        %get3A_338 = arith.index_cast %get3A_336 : i32 to index
        %get3A_339 = arith.constant 256 : index
        %get3A_340 = tpu.vector_load %arg9[%get3A_337, %get3A_338, %get3A_339] {strides = array<i32>} : memref<8x4x512xf32, #tpu.memory_space<vmem>>, vector<1x1x16xf32>,
        %get3A_341 = vector.shape_cast %get3A_340 : vector<1x1x16xf32> to vector<16xf32>
        %swap3A_342 = arith.index_cast %scan3A_161 : i32 to index
        %swap3A_343 = arith.constant 256 : index
        %swap3A_344 = tpu.vector_load %arg10[%swap3A_342, %swap3A_343] {strides = array<i32>} : memref<8x512xf32, #tpu.memory_space<vmem>>, vector<1x16xf32>,
        %swap3A_345 = vector.shape_cast %swap3A_344 : vector<1x16xf32> to vector<16xf32>
        %swap3A_346 = vector.shape_cast %get3A_341 : vector<16xf32> to vector<1x16xf32>
        tpu.vector_store %arg10[%swap3A_342, %swap3A_343], %swap3A_346 {strides = array<i32>} : memref<8x512xf32, #tpu.memory_space<vmem>>, vector<1x16xf32>,
        %get3A_347 = arith.constant 2 : i32
        %get3A_348 = arith.index_cast %scan3A_161 : i32 to index
        %get3A_349 = arith.index_cast %get3A_347 : i32 to index
        %get3A_350 = arith.constant 272 : index
        %get3A_351 = tpu.vector_load %arg9[%get3A_348, %get3A_349, %get3A_350] {strides = array<i32>} : memref<8x4x512xf32, #tpu.memory_space<vmem>>, vector<1x1x16xf32>,
        %get3A_352 = vector.shape_cast %get3A_351 : vector<1x1x16xf32> to vector<16xf32>
        %swap3A_353 = arith.index_cast %scan3A_161 : i32 to index
        %swap3A_354 = arith.constant 272 : index
        %swap3A_355 = tpu.vector_load %arg10[%swap3A_353, %swap3A_354] {strides = array<i32>} : memref<8x512xf32, #tpu.memory_space<vmem>>, vector<1x16xf32>,
        %swap3A_356 = vector.shape_cast %swap3A_355 : vector<1x16xf32> to vector<16xf32>
        %swap3A_357 = vector.shape_cast %get3A_352 : vector<16xf32> to vector<1x16xf32>
        tpu.vector_store %arg10[%swap3A_353, %swap3A_354], %swap3A_357 {strides = array<i32>} : memref<8x512xf32, #tpu.memory_space<vmem>>, vector<1x16xf32>,
        %get3A_358 = arith.constant 2 : i32
        %get3A_359 = arith.index_cast %scan3A_161 : i32 to index
        %get3A_360 = arith.index_cast %get3A_358 : i32 to index
        %get3A_361 = arith.constant 288 : index
        %get3A_362 = tpu.vector_load %arg9[%get3A_359, %get3A_360, %get3A_361] {strides = array<i32>} : memref<8x4x512xf32, #tpu.memory_space<vmem>>, vector<1x1x16xf32>,
        %get3A_363 = vector.shape_cast %get3A_362 : vector<1x1x16xf32> to vector<16xf32>
        %swap3A_364 = arith.index_cast %scan3A_161 : i32 to index
        %swap3A_365 = arith.constant 288 : index
        %swap3A_366 = tpu.vector_load %arg10[%swap3A_364, %swap3A_365] {strides = array<i32>} : memref<8x512xf32, #tpu.memory_space<vmem>>, vector<1x16xf32>,
        %swap3A_367 = vector.shape_cast %swap3A_366 : vector<1x16xf32> to vector<16xf32>
        %swap3A_368 = vector.shape_cast %get3A_363 : vector<16xf32> to vector<1x16xf32>
        tpu.vector_store %arg10[%swap3A_364, %swap3A_365], %swap3A_368 {strides = array<i32>} : memref<8x512xf32, #tpu.memory_space<vmem>>, vector<1x16xf32>,
        %get3A_369 = arith.constant 2 : i32
        %get3A_370 = arith.index_cast %scan3A_161 : i32 to index
        %get3A_371 = arith.index_cast %get3A_369 : i32 to index
        %get3A_372 = arith.constant 304 : index
        %get3A_373 = tpu.vector_load %arg9[%get3A_370, %get3A_371, %get3A_372] {strides = array<i32>} : memref<8x4x512xf32, #tpu.memory_space<vmem>>, vector<1x1x16xf32>,
        %get3A_374 = vector.shape_cast %get3A_373 : vector<1x1x16xf32> to vector<16xf32>
        %swap3A_375 = arith.index_cast %scan3A_161 : i32 to index
        %swap3A_376 = arith.constant 304 : index
        %swap3A_377 = tpu.vector_load %arg10[%swap3A_375, %swap3A_376] {strides = array<i32>} : memref<8x512xf32, #tpu.memory_space<vmem>>, vector<1x16xf32>,
        %swap3A_378 = vector.shape_cast %swap3A_377 : vector<1x16xf32> to vector<16xf32>
        %swap3A_379 = vector.shape_cast %get3A_374 : vector<16xf32> to vector<1x16xf32>
        tpu.vector_store %arg10[%swap3A_375, %swap3A_376], %swap3A_379 {strides = array<i32>} : memref<8x512xf32, #tpu.memory_space<vmem>>, vector<1x16xf32>,
        %get3A_380 = arith.constant 2 : i32
        %get3A_381 = arith.index_cast %scan3A_161 : i32 to index
        %get3A_382 = arith.index_cast %get3A_380 : i32 to index
        %get3A_383 = arith.constant 320 : index
        %get3A_384 = tpu.vector_load %arg9[%get3A_381, %get3A_382, %get3A_383] {strides = array<i32>} : memref<8x4x512xf32, #tpu.memory_space<vmem>>, vector<1x1x16xf32>,
        %get3A_385 = vector.shape_cast %get3A_384 : vector<1x1x16xf32> to vector<16xf32>
        %swap3A_386 = arith.index_cast %scan3A_161 : i32 to index
        %swap3A_387 = arith.constant 320 : index
        %swap3A_388 = tpu.vector_load %arg10[%swap3A_386, %swap3A_387] {strides = array<i32>} : memref<8x512xf32, #tpu.memory_space<vmem>>, vector<1x16xf32>,
        %swap3A_389 = vector.shape_cast %swap3A_388 : vector<1x16xf32> to vector<16xf32>
        %swap3A_390 = vector.shape_cast %get3A_385 : vector<16xf32> to vector<1x16xf32>
        tpu.vector_store %arg10[%swap3A_386, %swap3A_387], %swap3A_390 {strides = array<i32>} : memref<8x512xf32, #tpu.memory_space<vmem>>, vector<1x16xf32>,
        %get3A_391 = arith.constant 2 : i32
        %get3A_392 = arith.index_cast %scan3A_161 : i32 to index
        %get3A_393 = arith.index_cast %get3A_391 : i32 to index
        %get3A_394 = arith.constant 336 : index
        %get3A_395 = tpu.vector_load %arg9[%get3A_392, %get3A_393, %get3A_394] {strides = array<i32>} : memref<8x4x512xf32, #tpu.memory_space<vmem>>, vector<1x1x16xf32>,
        %get3A_396 = vector.shape_cast %get3A_395 : vector<1x1x16xf32> to vector<16xf32>
        %swap3A_397 = arith.index_cast %scan3A_161 : i32 to index
        %swap3A_398 = arith.constant 336 : index
        %swap3A_399 = tpu.vector_load %arg10[%swap3A_397, %swap3A_398] {strides = array<i32>} : memref<8x512xf32, #tpu.memory_space<vmem>>, vector<1x16xf32>,
        %swap3A_400 = vector.shape_cast %swap3A_399 : vector<1x16xf32> to vector<16xf32>
        %swap3A_401 = vector.shape_cast %get3A_396 : vector<16xf32> to vector<1x16xf32>
        tpu.vector_store %arg10[%swap3A_397, %swap3A_398], %swap3A_401 {strides = array<i32>} : memref<8x512xf32, #tpu.memory_space<vmem>>, vector<1x16xf32>,
        %get3A_402 = arith.constant 2 : i32
        %get3A_403 = arith.index_cast %scan3A_161 : i32 to index
        %get3A_404 = arith.index_cast %get3A_402 : i32 to index
        %get3A_405 = arith.constant 352 : index
        %get3A_406 = tpu.vector_load %arg9[%get3A_403, %get3A_404, %get3A_405] {strides = array<i32>} : memref<8x4x512xf32, #tpu.memory_space<vmem>>, vector<1x1x16xf32>,
        %get3A_407 = vector.shape_cast %get3A_406 : vector<1x1x16xf32> to vector<16xf32>
        %swap3A_408 = arith.index_cast %scan3A_161 : i32 to index
        %swap3A_409 = arith.constant 352 : index
        %swap3A_410 = tpu.vector_load %arg10[%swap3A_408, %swap3A_409] {strides = array<i32>} : memref<8x512xf32, #tpu.memory_space<vmem>>, vector<1x16xf32>,
        %swap3A_411 = vector.shape_cast %swap3A_410 : vector<1x16xf32> to vector<16xf32>
        %swap3A_412 = vector.shape_cast %get3A_407 : vector<16xf32> to vector<1x16xf32>
        tpu.vector_store %arg10[%swap3A_408, %swap3A_409], %swap3A_412 {strides = array<i32>} : memref<8x512xf32, #tpu.memory_space<vmem>>, vector<1x16xf32>,
        %get3A_413 = arith.constant 2 : i32
        %get3A_414 = arith.index_cast %scan3A_161 : i32 to index
        %get3A_415 = arith.index_cast %get3A_413 : i32 to index
        %get3A_416 = arith.constant 368 : index
        %get3A_417 = tpu.vector_load %arg9[%get3A_414, %get3A_415, %get3A_416] {strides = array<i32>} : memref<8x4x512xf32, #tpu.memory_space<vmem>>, vector<1x1x16xf32>,
        %get3A_418 = vector.shape_cast %get3A_417 : vector<1x1x16xf32> to vector<16xf32>
        %swap3A_419 = arith.index_cast %scan3A_161 : i32 to index
        %swap3A_420 = arith.constant 368 : index
        %swap3A_421 = tpu.vector_load %arg10[%swap3A_419, %swap3A_420] {strides = array<i32>} : memref<8x512xf32, #tpu.memory_space<vmem>>, vector<1x16xf32>,
        %swap3A_422 = vector.shape_cast %swap3A_421 : vector<1x16xf32> to vector<16xf32>
        %swap3A_423 = vector.shape_cast %get3A_418 : vector<16xf32> to vector<1x16xf32>
        tpu.vector_store %arg10[%swap3A_419, %swap3A_420], %swap3A_423 {strides = array<i32>} : memref<8x512xf32, #tpu.memory_space<vmem>>, vector<1x16xf32>,
        %get3A_424 = arith.constant 2 : i32
        %get3A_425 = arith.index_cast %scan3A_161 : i32 to index
        %get3A_426 = arith.index_cast %get3A_424 : i32 to index
        %get3A_427 = arith.constant 384 : index
        %get3A_428 = tpu.vector_load %arg9[%get3A_425, %get3A_426, %get3A_427] {strides = array<i32>} : memref<8x4x512xf32, #tpu.memory_space<vmem>>, vector<1x1x16xf32>,
        %get3A_429 = vector.shape_cast %get3A_428 : vector<1x1x16xf32> to vector<16xf32>
        %swap3A_430 = arith.index_cast %scan3A_161 : i32 to index
        %swap3A_431 = arith.constant 384 : index
        %swap3A_432 = tpu.vector_load %arg10[%swap3A_430, %swap3A_431] {strides = array<i32>} : memref<8x512xf32, #tpu.memory_space<vmem>>, vector<1x16xf32>,
        %swap3A_433 = vector.shape_cast %swap3A_432 : vector<1x16xf32> to vector<16xf32>
        %swap3A_434 = vector.shape_cast %get3A_429 : vector<16xf32> to vector<1x16xf32>
        tpu.vector_store %arg10[%swap3A_430, %swap3A_431], %swap3A_434 {strides = array<i32>} : memref<8x512xf32, #tpu.memory_space<vmem>>, vector<1x16xf32>,
        %get3A_435 = arith.constant 2 : i32
        %get3A_436 = arith.index_cast %scan3A_161 : i32 to index
        %get3A_437 = arith.index_cast %get3A_435 : i32 to index
        %get3A_438 = arith.constant 400 : index
        %get3A_439 = tpu.vector_load %arg9[%get3A_436, %get3A_437, %get3A_438] {strides = array<i32>} : memref<8x4x512xf32, #tpu.memory_space<vmem>>, vector<1x1x16xf32>,
        %get3A_440 = vector.shape_cast %get3A_439 : vector<1x1x16xf32> to vector<16xf32>
        %swap3A_441 = arith.index_cast %scan3A_161 : i32 to index
        %swap3A_442 = arith.constant 400 : index
        %swap3A_443 = tpu.vector_load %arg10[%swap3A_441, %swap3A_442] {strides = array<i32>} : memref<8x512xf32, #tpu.memory_space<vmem>>, vector<1x16xf32>,
        %swap3A_444 = vector.shape_cast %swap3A_443 : vector<1x16xf32> to vector<16xf32>
        %swap3A_445 = vector.shape_cast %get3A_440 : vector<16xf32> to vector<1x16xf32>
        tpu.vector_store %arg10[%swap3A_441, %swap3A_442], %swap3A_445 {strides = array<i32>} : memref<8x512xf32, #tpu.memory_space<vmem>>, vector<1x16xf32>,
        %get3A_446 = arith.constant 2 : i32
        %get3A_447 = arith.index_cast %scan3A_161 : i32 to index
        %get3A_448 = arith.index_cast %get3A_446 : i32 to index
        %get3A_449 = arith.constant 416 : index
        %get3A_450 = tpu.vector_load %arg9[%get3A_447, %get3A_448, %get3A_449] {strides = array<i32>} : memref<8x4x512xf32, #tpu.memory_space<vmem>>, vector<1x1x16xf32>,
        %get3A_451 = vector.shape_cast %get3A_450 : vector<1x1x16xf32> to vector<16xf32>
        %swap3A_452 = arith.index_cast %scan3A_161 : i32 to index
        %swap3A_453 = arith.constant 416 : index
        %swap3A_454 = tpu.vector_load %arg10[%swap3A_452, %swap3A_453] {strides = array<i32>} : memref<8x512xf32, #tpu.memory_space<vmem>>, vector<1x16xf32>,
        %swap3A_455 = vector.shape_cast %swap3A_454 : vector<1x16xf32> to vector<16xf32>
        %swap3A_456 = vector.shape_cast %get3A_451 : vector<16xf32> to vector<1x16xf32>
        tpu.vector_store %arg10[%swap3A_452, %swap3A_453], %swap3A_456 {strides = array<i32>} : memref<8x512xf32, #tpu.memory_space<vmem>>, vector<1x16xf32>,
        %get3A_457 = arith.constant 2 : i32
        %get3A_458 = arith.index_cast %scan3A_161 : i32 to index
        %get3A_459 = arith.index_cast %get3A_457 : i32 to index
        %get3A_460 = arith.constant 432 : index
        %get3A_461 = tpu.vector_load %arg9[%get3A_458, %get3A_459, %get3A_460] {strides = array<i32>} : memref<8x4x512xf32, #tpu.memory_space<vmem>>, vector<1x1x16xf32>,
        %get3A_462 = vector.shape_cast %get3A_461 : vector<1x1x16xf32> to vector<16xf32>
        %swap3A_463 = arith.index_cast %scan3A_161 : i32 to index
        %swap3A_464 = arith.constant 432 : index
        %swap3A_465 = tpu.vector_load %arg10[%swap3A_463, %swap3A_464] {strides = array<i32>} : memref<8x512xf32, #tpu.memory_space<vmem>>, vector<1x16xf32>,
        %swap3A_466 = vector.shape_cast %swap3A_465 : vector<1x16xf32> to vector<16xf32>
        %swap3A_467 = vector.shape_cast %get3A_462 : vector<16xf32> to vector<1x16xf32>
        tpu.vector_store %arg10[%swap3A_463, %swap3A_464], %swap3A_467 {strides = array<i32>} : memref<8x512xf32, #tpu.memory_space<vmem>>, vector<1x16xf32>,
        %get3A_468 = arith.constant 2 : i32
        %get3A_469 = arith.index_cast %scan3A_161 : i32 to index
        %get3A_470 = arith.index_cast %get3A_468 : i32 to index
        %get3A_471 = arith.constant 448 : index
        %get3A_472 = tpu.vector_load %arg9[%get3A_469, %get3A_470, %get3A_471] {strides = array<i32>} : memref<8x4x512xf32, #tpu.memory_space<vmem>>, vector<1x1x16xf32>,
        %get3A_473 = vector.shape_cast %get3A_472 : vector<1x1x16xf32> to vector<16xf32>
        %swap3A_474 = arith.index_cast %scan3A_161 : i32 to index
        %swap3A_475 = arith.constant 448 : index
        %swap3A_476 = tpu.vector_load %arg10[%swap3A_474, %swap3A_475] {strides = array<i32>} : memref<8x512xf32, #tpu.memory_space<vmem>>, vector<1x16xf32>,
        %swap3A_477 = vector.shape_cast %swap3A_476 : vector<1x16xf32> to vector<16xf32>
        %swap3A_478 = vector.shape_cast %get3A_473 : vector<16xf32> to vector<1x16xf32>
        tpu.vector_store %arg10[%swap3A_474, %swap3A_475], %swap3A_478 {strides = array<i32>} : memref<8x512xf32, #tpu.memory_space<vmem>>, vector<1x16xf32>,
        %get3A_479 = arith.constant 2 : i32
        %get3A_480 = arith.index_cast %scan3A_161 : i32 to index
        %get3A_481 = arith.index_cast %get3A_479 : i32 to index
        %get3A_482 = arith.constant 464 : index
        %get3A_483 = tpu.vector_load %arg9[%get3A_480, %get3A_481, %get3A_482] {strides = array<i32>} : memref<8x4x512xf32, #tpu.memory_space<vmem>>, vector<1x1x16xf32>,
        %get3A_484 = vector.shape_cast %get3A_483 : vector<1x1x16xf32> to vector<16xf32>
        %swap3A_485 = arith.index_cast %scan3A_161 : i32 to index
        %swap3A_486 = arith.constant 464 : index
        %swap3A_487 = tpu.vector_load %arg10[%swap3A_485, %swap3A_486] {strides = array<i32>} : memref<8x512xf32, #tpu.memory_space<vmem>>, vector<1x16xf32>,
        %swap3A_488 = vector.shape_cast %swap3A_487 : vector<1x16xf32> to vector<16xf32>
        %swap3A_489 = vector.shape_cast %get3A_484 : vector<16xf32> to vector<1x16xf32>
        tpu.vector_store %arg10[%swap3A_485, %swap3A_486], %swap3A_489 {strides = array<i32>} : memref<8x512xf32, #tpu.memory_space<vmem>>, vector<1x16xf32>,
        %get3A_490 = arith.constant 2 : i32
        %get3A_491 = arith.index_cast %scan3A_161 : i32 to index
        %get3A_492 = arith.index_cast %get3A_490 : i32 to index
        %get3A_493 = arith.constant 480 : index
        %get3A_494 = tpu.vector_load %arg9[%get3A_491, %get3A_492, %get3A_493] {strides = array<i32>} : memref<8x4x512xf32, #tpu.memory_space<vmem>>, vector<1x1x16xf32>,
        %get3A_495 = vector.shape_cast %get3A_494 : vector<1x1x16xf32> to vector<16xf32>
        %swap3A_496 = arith.index_cast %scan3A_161 : i32 to index
        %swap3A_497 = arith.constant 480 : index
        %swap3A_498 = tpu.vector_load %arg10[%swap3A_496, %swap3A_497] {strides = array<i32>} : memref<8x512xf32, #tpu.memory_space<vmem>>, vector<1x16xf32>,
        %swap3A_499 = vector.shape_cast %swap3A_498 : vector<1x16xf32> to vector<16xf32>
        %swap3A_500 = vector.shape_cast %get3A_495 : vector<16xf32> to vector<1x16xf32>
        tpu.vector_store %arg10[%swap3A_496, %swap3A_497], %swap3A_500 {strides = array<i32>} : memref<8x512xf32, #tpu.memory_space<vmem>>, vector<1x16xf32>,
        %get3A_501 = arith.constant 2 : i32
        %get3A_502 = arith.index_cast %scan3A_161 : i32 to index
        %get3A_503 = arith.index_cast %get3A_501 : i32 to index
        %get3A_504 = arith.constant 496 : index
        %get3A_505 = tpu.vector_load %arg9[%get3A_502, %get3A_503, %get3A_504] {strides = array<i32>} : memref<8x4x512xf32, #tpu.memory_space<vmem>>, vector<1x1x16xf32>,
        %get3A_506 = vector.shape_cast %get3A_505 : vector<1x1x16xf32> to vector<16xf32>
        %swap3A_507 = arith.index_cast %scan3A_161 : i32 to index
        %swap3A_508 = arith.constant 496 : index
        %swap3A_509 = tpu.vector_load %arg10[%swap3A_507, %swap3A_508] {strides = array<i32>} : memref<8x512xf32, #tpu.memory_space<vmem>>, vector<1x16xf32>,
        %swap3A_510 = vector.shape_cast %swap3A_509 : vector<1x16xf32> to vector<16xf32>
        %swap3A_511 = vector.shape_cast %get3A_506 : vector<16xf32> to vector<1x16xf32>
        tpu.vector_store %arg10[%swap3A_507, %swap3A_508], %swap3A_511 {strides = array<i32>} : memref<8x512xf32, #tpu.memory_space<vmem>>, vector<1x16xf32>,
      }
      %scan3A_131 = arith.constant 8 : i32
      %dma_start3A_132 = arith.constant 8 : i32
      %dma_start3A_133 = arith.constant 0 : i32
      %dma_start3A_134 = tpu.memref_slice %arg5[%dma_start3A_132, %multiple_of3A_83, %dma_start3A_133] : memref<77x1024x512xf32, #tpu.memory_space<hbm>> -> memref<1x8x512xf32, #tpu.memory_space<hbm>>
      %dma_start3A_135 = tpu.memref_squeeze %dma_start3A_134 : memref<1x8x512xf32, #tpu.memory_space<hbm>> -> memref<8x512xf32, #tpu.memory_space<hbm>>
      %dma_start3A_136 = arith.constant 0 : i32
      %dma_start3A_137 = tpu.memref_slice %arg5[%dma_start3A_132, %multiple_of3A_83, %dma_start3A_136] : memref<77x1024x512xf32, #tpu.memory_space<hbm>> -> memref<1x8x512xf32, #tpu.memory_space<hbm>>
      %dma_start3A_138 = tpu.memref_squeeze %dma_start3A_137 : memref<1x8x512xf32, #tpu.memory_space<hbm>> -> memref<8x512xf32, #tpu.memory_space<hbm>>
      tpu.enqueue_dma source(%arg10 : memref<8x512xf32, #tpu.memory_space<vmem>>) target(%dma_start3A_138 : memref<8x512xf32, #tpu.memory_space<hbm>>) target_semaphore(%arg14 : memref<!tpu.dma_semaphore, #tpu.memory_space<semaphore_mem>>)
      %dma_wait3A_139 = arith.constant 0 : i32
      %dma_wait3A_140 = arith.constant 0 : i32
      %dma_wait3A_141 = arith.constant 0 : i32
      %dma_wait3A_142 = tpu.memref_slice %arg5[%dma_wait3A_139, %dma_wait3A_140, %dma_wait3A_141] : memref<77x1024x512xf32, #tpu.memory_space<hbm>> -> memref<1x8x512xf32, #tpu.memory_space<hbm>>
      %dma_wait3A_143 = tpu.memref_squeeze %dma_wait3A_142 : memref<1x8x512xf32, #tpu.memory_space<hbm>> -> memref<8x512xf32, #tpu.memory_space<hbm>>
      %dma_wait3A_144 = arith.constant 0 : i32
      %dma_wait3A_145 = arith.constant 0 : i32
      %dma_wait3A_146 = tpu.memref_slice %arg5[%dma_wait3A_139, %dma_wait3A_144, %dma_wait3A_145] : memref<77x1024x512xf32, #tpu.memory_space<hbm>> -> memref<1x8x512xf32, #tpu.memory_space<hbm>>
      %dma_wait3A_147 = tpu.memref_squeeze %dma_wait3A_146 : memref<1x8x512xf32, #tpu.memory_space<hbm>> -> memref<8x512xf32, #tpu.memory_space<hbm>>
      tpu.wait_dma2 semaphore(%arg15 : memref<!tpu.dma_semaphore, #tpu.memory_space<semaphore_mem>>) src(%dma_wait3A_147 : memref<8x512xf32, #tpu.memory_space<hbm>>) dst(%arg11 : memref<8x512xf32, #tpu.memory_space<vmem>>)
      %scan3A_148 = arith.constant 0 : i32
      %scan3A_149 = arith.constant 0 : i32
      %scan3A_150 = arith.constant 8 : i32
      %scan3A_151 = arith.addi %scan3A_149, %scan3A_150 : i32
      %scan3A_152 = arith.constant 1 : i32
      scf.for %scan3A_161 = %scan3A_149 to %scan3A_151 step %scan3A_152  : i32 {
        %get3A = arith.constant 3 : i32
        %get3A_162 = arith.index_cast %scan3A_161 : i32 to index
        %get3A_163 = arith.index_cast %get3A : i32 to index
        %get3A_164 = arith.constant 0 : index
        %get3A_165 = tpu.vector_load %arg9[%get3A_162, %get3A_163, %get3A_164] {strides = array<i32>} : memref<8x4x512xf32, #tpu.memory_space<vmem>>, vector<1x1x16xf32>,
        %get3A_166 = vector.shape_cast %get3A_165 : vector<1x1x16xf32> to vector<16xf32>
        %swap3A = arith.index_cast %scan3A_161 : i32 to index
        %swap3A_167 = arith.constant 0 : index
        %swap3A_168 = tpu.vector_load %arg11[%swap3A, %swap3A_167] {strides = array<i32>} : memref<8x512xf32, #tpu.memory_space<vmem>>, vector<1x16xf32>,
        %swap3A_169 = vector.shape_cast %swap3A_168 : vector<1x16xf32> to vector<16xf32>
        %swap3A_170 = vector.shape_cast %get3A_166 : vector<16xf32> to vector<1x16xf32>
        tpu.vector_store %arg11[%swap3A, %swap3A_167], %swap3A_170 {strides = array<i32>} : memref<8x512xf32, #tpu.memory_space<vmem>>, vector<1x16xf32>,
        %get3A_171 = arith.constant 3 : i32
        %get3A_172 = arith.index_cast %scan3A_161 : i32 to index
        %get3A_173 = arith.index_cast %get3A_171 : i32 to index
        %get3A_174 = arith.constant 16 : index
        %get3A_175 = tpu.vector_load %arg9[%get3A_172, %get3A_173, %get3A_174] {strides = array<i32>} : memref<8x4x512xf32, #tpu.memory_space<vmem>>, vector<1x1x16xf32>,
        %get3A_176 = vector.shape_cast %get3A_175 : vector<1x1x16xf32> to vector<16xf32>
        %swap3A_177 = arith.index_cast %scan3A_161 : i32 to index
        %swap3A_178 = arith.constant 16 : index
        %swap3A_179 = tpu.vector_load %arg11[%swap3A_177, %swap3A_178] {strides = array<i32>} : memref<8x512xf32, #tpu.memory_space<vmem>>, vector<1x16xf32>,
        %swap3A_180 = vector.shape_cast %swap3A_179 : vector<1x16xf32> to vector<16xf32>
        %swap3A_181 = vector.shape_cast %get3A_176 : vector<16xf32> to vector<1x16xf32>
        tpu.vector_store %arg11[%swap3A_177, %swap3A_178], %swap3A_181 {strides = array<i32>} : memref<8x512xf32, #tpu.memory_space<vmem>>, vector<1x16xf32>,
        %get3A_182 = arith.constant 3 : i32
        %get3A_183 = arith.index_cast %scan3A_161 : i32 to index
        %get3A_184 = arith.index_cast %get3A_182 : i32 to index
        %get3A_185 = arith.constant 32 : index
        %get3A_186 = tpu.vector_load %arg9[%get3A_183, %get3A_184, %get3A_185] {strides = array<i32>} : memref<8x4x512xf32, #tpu.memory_space<vmem>>, vector<1x1x16xf32>,
        %get3A_187 = vector.shape_cast %get3A_186 : vector<1x1x16xf32> to vector<16xf32>
        %swap3A_188 = arith.index_cast %scan3A_161 : i32 to index
        %swap3A_189 = arith.constant 32 : index
        %swap3A_190 = tpu.vector_load %arg11[%swap3A_188, %swap3A_189] {strides = array<i32>} : memref<8x512xf32, #tpu.memory_space<vmem>>, vector<1x16xf32>,
        %swap3A_191 = vector.shape_cast %swap3A_190 : vector<1x16xf32> to vector<16xf32>
        %swap3A_192 = vector.shape_cast %get3A_187 : vector<16xf32> to vector<1x16xf32>
        tpu.vector_store %arg11[%swap3A_188, %swap3A_189], %swap3A_192 {strides = array<i32>} : memref<8x512xf32, #tpu.memory_space<vmem>>, vector<1x16xf32>,
        %get3A_193 = arith.constant 3 : i32
        %get3A_194 = arith.index_cast %scan3A_161 : i32 to index
        %get3A_195 = arith.index_cast %get3A_193 : i32 to index
        %get3A_196 = arith.constant 48 : index
        %get3A_197 = tpu.vector_load %arg9[%get3A_194, %get3A_195, %get3A_196] {strides = array<i32>} : memref<8x4x512xf32, #tpu.memory_space<vmem>>, vector<1x1x16xf32>,
        %get3A_198 = vector.shape_cast %get3A_197 : vector<1x1x16xf32> to vector<16xf32>
        %swap3A_199 = arith.index_cast %scan3A_161 : i32 to index
        %swap3A_200 = arith.constant 48 : index
        %swap3A_201 = tpu.vector_load %arg11[%swap3A_199, %swap3A_200] {strides = array<i32>} : memref<8x512xf32, #tpu.memory_space<vmem>>, vector<1x16xf32>,
        %swap3A_202 = vector.shape_cast %swap3A_201 : vector<1x16xf32> to vector<16xf32>
        %swap3A_203 = vector.shape_cast %get3A_198 : vector<16xf32> to vector<1x16xf32>
        tpu.vector_store %arg11[%swap3A_199, %swap3A_200], %swap3A_203 {strides = array<i32>} : memref<8x512xf32, #tpu.memory_space<vmem>>, vector<1x16xf32>,
        %get3A_204 = arith.constant 3 : i32
        %get3A_205 = arith.index_cast %scan3A_161 : i32 to index
        %get3A_206 = arith.index_cast %get3A_204 : i32 to index
        %get3A_207 = arith.constant 64 : index
        %get3A_208 = tpu.vector_load %arg9[%get3A_205, %get3A_206, %get3A_207] {strides = array<i32>} : memref<8x4x512xf32, #tpu.memory_space<vmem>>, vector<1x1x16xf32>,
        %get3A_209 = vector.shape_cast %get3A_208 : vector<1x1x16xf32> to vector<16xf32>
        %swap3A_210 = arith.index_cast %scan3A_161 : i32 to index
        %swap3A_211 = arith.constant 64 : index
        %swap3A_212 = tpu.vector_load %arg11[%swap3A_210, %swap3A_211] {strides = array<i32>} : memref<8x512xf32, #tpu.memory_space<vmem>>, vector<1x16xf32>,
        %swap3A_213 = vector.shape_cast %swap3A_212 : vector<1x16xf32> to vector<16xf32>
        %swap3A_214 = vector.shape_cast %get3A_209 : vector<16xf32> to vector<1x16xf32>
        tpu.vector_store %arg11[%swap3A_210, %swap3A_211], %swap3A_214 {strides = array<i32>} : memref<8x512xf32, #tpu.memory_space<vmem>>, vector<1x16xf32>,
        %get3A_215 = arith.constant 3 : i32
        %get3A_216 = arith.index_cast %scan3A_161 : i32 to index
        %get3A_217 = arith.index_cast %get3A_215 : i32 to index
        %get3A_218 = arith.constant 80 : index
        %get3A_219 = tpu.vector_load %arg9[%get3A_216, %get3A_217, %get3A_218] {strides = array<i32>} : memref<8x4x512xf32, #tpu.memory_space<vmem>>, vector<1x1x16xf32>,
        %get3A_220 = vector.shape_cast %get3A_219 : vector<1x1x16xf32> to vector<16xf32>
        %swap3A_221 = arith.index_cast %scan3A_161 : i32 to index
        %swap3A_222 = arith.constant 80 : index
        %swap3A_223 = tpu.vector_load %arg11[%swap3A_221, %swap3A_222] {strides = array<i32>} : memref<8x512xf32, #tpu.memory_space<vmem>>, vector<1x16xf32>,
        %swap3A_224 = vector.shape_cast %swap3A_223 : vector<1x16xf32> to vector<16xf32>
        %swap3A_225 = vector.shape_cast %get3A_220 : vector<16xf32> to vector<1x16xf32>
        tpu.vector_store %arg11[%swap3A_221, %swap3A_222], %swap3A_225 {strides = array<i32>} : memref<8x512xf32, #tpu.memory_space<vmem>>, vector<1x16xf32>,
        %get3A_226 = arith.constant 3 : i32
        %get3A_227 = arith.index_cast %scan3A_161 : i32 to index
        %get3A_228 = arith.index_cast %get3A_226 : i32 to index
        %get3A_229 = arith.constant 96 : index
        %get3A_230 = tpu.vector_load %arg9[%get3A_227, %get3A_228, %get3A_229] {strides = array<i32>} : memref<8x4x512xf32, #tpu.memory_space<vmem>>, vector<1x1x16xf32>,
        %get3A_231 = vector.shape_cast %get3A_230 : vector<1x1x16xf32> to vector<16xf32>
        %swap3A_232 = arith.index_cast %scan3A_161 : i32 to index
        %swap3A_233 = arith.constant 96 : index
        %swap3A_234 = tpu.vector_load %arg11[%swap3A_232, %swap3A_233] {strides = array<i32>} : memref<8x512xf32, #tpu.memory_space<vmem>>, vector<1x16xf32>,
        %swap3A_235 = vector.shape_cast %swap3A_234 : vector<1x16xf32> to vector<16xf32>
        %swap3A_236 = vector.shape_cast %get3A_231 : vector<16xf32> to vector<1x16xf32>
        tpu.vector_store %arg11[%swap3A_232, %swap3A_233], %swap3A_236 {strides = array<i32>} : memref<8x512xf32, #tpu.memory_space<vmem>>, vector<1x16xf32>,
        %get3A_237 = arith.constant 3 : i32
        %get3A_238 = arith.index_cast %scan3A_161 : i32 to index
        %get3A_239 = arith.index_cast %get3A_237 : i32 to index
        %get3A_240 = arith.constant 112 : index
        %get3A_241 = tpu.vector_load %arg9[%get3A_238, %get3A_239, %get3A_240] {strides = array<i32>} : memref<8x4x512xf32, #tpu.memory_space<vmem>>, vector<1x1x16xf32>,
        %get3A_242 = vector.shape_cast %get3A_241 : vector<1x1x16xf32> to vector<16xf32>
        %swap3A_243 = arith.index_cast %scan3A_161 : i32 to index
        %swap3A_244 = arith.constant 112 : index
        %swap3A_245 = tpu.vector_load %arg11[%swap3A_243, %swap3A_244] {strides = array<i32>} : memref<8x512xf32, #tpu.memory_space<vmem>>, vector<1x16xf32>,
        %swap3A_246 = vector.shape_cast %swap3A_245 : vector<1x16xf32> to vector<16xf32>
        %swap3A_247 = vector.shape_cast %get3A_242 : vector<16xf32> to vector<1x16xf32>
        tpu.vector_store %arg11[%swap3A_243, %swap3A_244], %swap3A_247 {strides = array<i32>} : memref<8x512xf32, #tpu.memory_space<vmem>>, vector<1x16xf32>,
        %get3A_248 = arith.constant 3 : i32
        %get3A_249 = arith.index_cast %scan3A_161 : i32 to index
        %get3A_250 = arith.index_cast %get3A_248 : i32 to index
        %get3A_251 = arith.constant 128 : index
        %get3A_252 = tpu.vector_load %arg9[%get3A_249, %get3A_250, %get3A_251] {strides = array<i32>} : memref<8x4x512xf32, #tpu.memory_space<vmem>>, vector<1x1x16xf32>,
        %get3A_253 = vector.shape_cast %get3A_252 : vector<1x1x16xf32> to vector<16xf32>
        %swap3A_254 = arith.index_cast %scan3A_161 : i32 to index
        %swap3A_255 = arith.constant 128 : index
        %swap3A_256 = tpu.vector_load %arg11[%swap3A_254, %swap3A_255] {strides = array<i32>} : memref<8x512xf32, #tpu.memory_space<vmem>>, vector<1x16xf32>,
        %swap3A_257 = vector.shape_cast %swap3A_256 : vector<1x16xf32> to vector<16xf32>
        %swap3A_258 = vector.shape_cast %get3A_253 : vector<16xf32> to vector<1x16xf32>
        tpu.vector_store %arg11[%swap3A_254, %swap3A_255], %swap3A_258 {strides = array<i32>} : memref<8x512xf32, #tpu.memory_space<vmem>>, vector<1x16xf32>,
        %get3A_259 = arith.constant 3 : i32
        %get3A_260 = arith.index_cast %scan3A_161 : i32 to index
        %get3A_261 = arith.index_cast %get3A_259 : i32 to index
        %get3A_262 = arith.constant 144 : index
        %get3A_263 = tpu.vector_load %arg9[%get3A_260, %get3A_261, %get3A_262] {strides = array<i32>} : memref<8x4x512xf32, #tpu.memory_space<vmem>>, vector<1x1x16xf32>,
        %get3A_264 = vector.shape_cast %get3A_263 : vector<1x1x16xf32> to vector<16xf32>
        %swap3A_265 = arith.index_cast %scan3A_161 : i32 to index
        %swap3A_266 = arith.constant 144 : index
        %swap3A_267 = tpu.vector_load %arg11[%swap3A_265, %swap3A_266] {strides = array<i32>} : memref<8x512xf32, #tpu.memory_space<vmem>>, vector<1x16xf32>,
        %swap3A_268 = vector.shape_cast %swap3A_267 : vector<1x16xf32> to vector<16xf32>
        %swap3A_269 = vector.shape_cast %get3A_264 : vector<16xf32> to vector<1x16xf32>
        tpu.vector_store %arg11[%swap3A_265, %swap3A_266], %swap3A_269 {strides = array<i32>} : memref<8x512xf32, #tpu.memory_space<vmem>>, vector<1x16xf32>,
        %get3A_270 = arith.constant 3 : i32
        %get3A_271 = arith.index_cast %scan3A_161 : i32 to index
        %get3A_272 = arith.index_cast %get3A_270 : i32 to index
        %get3A_273 = arith.constant 160 : index
        %get3A_274 = tpu.vector_load %arg9[%get3A_271, %get3A_272, %get3A_273] {strides = array<i32>} : memref<8x4x512xf32, #tpu.memory_space<vmem>>, vector<1x1x16xf32>,
        %get3A_275 = vector.shape_cast %get3A_274 : vector<1x1x16xf32> to vector<16xf32>
        %swap3A_276 = arith.index_cast %scan3A_161 : i32 to index
        %swap3A_277 = arith.constant 160 : index
        %swap3A_278 = tpu.vector_load %arg11[%swap3A_276, %swap3A_277] {strides = array<i32>} : memref<8x512xf32, #tpu.memory_space<vmem>>, vector<1x16xf32>,
        %swap3A_279 = vector.shape_cast %swap3A_278 : vector<1x16xf32> to vector<16xf32>
        %swap3A_280 = vector.shape_cast %get3A_275 : vector<16xf32> to vector<1x16xf32>
        tpu.vector_store %arg11[%swap3A_276, %swap3A_277], %swap3A_280 {strides = array<i32>} : memref<8x512xf32, #tpu.memory_space<vmem>>, vector<1x16xf32>,
        %get3A_281 = arith.constant 3 : i32
        %get3A_282 = arith.index_cast %scan3A_161 : i32 to index
        %get3A_283 = arith.index_cast %get3A_281 : i32 to index
        %get3A_284 = arith.constant 176 : index
        %get3A_285 = tpu.vector_load %arg9[%get3A_282, %get3A_283, %get3A_284] {strides = array<i32>} : memref<8x4x512xf32, #tpu.memory_space<vmem>>, vector<1x1x16xf32>,
        %get3A_286 = vector.shape_cast %get3A_285 : vector<1x1x16xf32> to vector<16xf32>
        %swap3A_287 = arith.index_cast %scan3A_161 : i32 to index
        %swap3A_288 = arith.constant 176 : index
        %swap3A_289 = tpu.vector_load %arg11[%swap3A_287, %swap3A_288] {strides = array<i32>} : memref<8x512xf32, #tpu.memory_space<vmem>>, vector<1x16xf32>,
        %swap3A_290 = vector.shape_cast %swap3A_289 : vector<1x16xf32> to vector<16xf32>
        %swap3A_291 = vector.shape_cast %get3A_286 : vector<16xf32> to vector<1x16xf32>
        tpu.vector_store %arg11[%swap3A_287, %swap3A_288], %swap3A_291 {strides = array<i32>} : memref<8x512xf32, #tpu.memory_space<vmem>>, vector<1x16xf32>,
        %get3A_292 = arith.constant 3 : i32
        %get3A_293 = arith.index_cast %scan3A_161 : i32 to index
        %get3A_294 = arith.index_cast %get3A_292 : i32 to index
        %get3A_295 = arith.constant 192 : index
        %get3A_296 = tpu.vector_load %arg9[%get3A_293, %get3A_294, %get3A_295] {strides = array<i32>} : memref<8x4x512xf32, #tpu.memory_space<vmem>>, vector<1x1x16xf32>,
        %get3A_297 = vector.shape_cast %get3A_296 : vector<1x1x16xf32> to vector<16xf32>
        %swap3A_298 = arith.index_cast %scan3A_161 : i32 to index
        %swap3A_299 = arith.constant 192 : index
        %swap3A_300 = tpu.vector_load %arg11[%swap3A_298, %swap3A_299] {strides = array<i32>} : memref<8x512xf32, #tpu.memory_space<vmem>>, vector<1x16xf32>,
        %swap3A_301 = vector.shape_cast %swap3A_300 : vector<1x16xf32> to vector<16xf32>
        %swap3A_302 = vector.shape_cast %get3A_297 : vector<16xf32> to vector<1x16xf32>
        tpu.vector_store %arg11[%swap3A_298, %swap3A_299], %swap3A_302 {strides = array<i32>} : memref<8x512xf32, #tpu.memory_space<vmem>>, vector<1x16xf32>,
        %get3A_303 = arith.constant 3 : i32
        %get3A_304 = arith.index_cast %scan3A_161 : i32 to index
        %get3A_305 = arith.index_cast %get3A_303 : i32 to index
        %get3A_306 = arith.constant 208 : index
        %get3A_307 = tpu.vector_load %arg9[%get3A_304, %get3A_305, %get3A_306] {strides = array<i32>} : memref<8x4x512xf32, #tpu.memory_space<vmem>>, vector<1x1x16xf32>,
        %get3A_308 = vector.shape_cast %get3A_307 : vector<1x1x16xf32> to vector<16xf32>
        %swap3A_309 = arith.index_cast %scan3A_161 : i32 to index
        %swap3A_310 = arith.constant 208 : index
        %swap3A_311 = tpu.vector_load %arg11[%swap3A_309, %swap3A_310] {strides = array<i32>} : memref<8x512xf32, #tpu.memory_space<vmem>>, vector<1x16xf32>,
        %swap3A_312 = vector.shape_cast %swap3A_311 : vector<1x16xf32> to vector<16xf32>
        %swap3A_313 = vector.shape_cast %get3A_308 : vector<16xf32> to vector<1x16xf32>
        tpu.vector_store %arg11[%swap3A_309, %swap3A_310], %swap3A_313 {strides = array<i32>} : memref<8x512xf32, #tpu.memory_space<vmem>>, vector<1x16xf32>,
        %get3A_314 = arith.constant 3 : i32
        %get3A_315 = arith.index_cast %scan3A_161 : i32 to index
        %get3A_316 = arith.index_cast %get3A_314 : i32 to index
        %get3A_317 = arith.constant 224 : index
        %get3A_318 = tpu.vector_load %arg9[%get3A_315, %get3A_316, %get3A_317] {strides = array<i32>} : memref<8x4x512xf32, #tpu.memory_space<vmem>>, vector<1x1x16xf32>,
        %get3A_319 = vector.shape_cast %get3A_318 : vector<1x1x16xf32> to vector<16xf32>
        %swap3A_320 = arith.index_cast %scan3A_161 : i32 to index
        %swap3A_321 = arith.constant 224 : index
        %swap3A_322 = tpu.vector_load %arg11[%swap3A_320, %swap3A_321] {strides = array<i32>} : memref<8x512xf32, #tpu.memory_space<vmem>>, vector<1x16xf32>,
        %swap3A_323 = vector.shape_cast %swap3A_322 : vector<1x16xf32> to vector<16xf32>
        %swap3A_324 = vector.shape_cast %get3A_319 : vector<16xf32> to vector<1x16xf32>
        tpu.vector_store %arg11[%swap3A_320, %swap3A_321], %swap3A_324 {strides = array<i32>} : memref<8x512xf32, #tpu.memory_space<vmem>>, vector<1x16xf32>,
        %get3A_325 = arith.constant 3 : i32
        %get3A_326 = arith.index_cast %scan3A_161 : i32 to index
        %get3A_327 = arith.index_cast %get3A_325 : i32 to index
        %get3A_328 = arith.constant 240 : index
        %get3A_329 = tpu.vector_load %arg9[%get3A_326, %get3A_327, %get3A_328] {strides = array<i32>} : memref<8x4x512xf32, #tpu.memory_space<vmem>>, vector<1x1x16xf32>,
        %get3A_330 = vector.shape_cast %get3A_329 : vector<1x1x16xf32> to vector<16xf32>
        %swap3A_331 = arith.index_cast %scan3A_161 : i32 to index
        %swap3A_332 = arith.constant 240 : index
        %swap3A_333 = tpu.vector_load %arg11[%swap3A_331, %swap3A_332] {strides = array<i32>} : memref<8x512xf32, #tpu.memory_space<vmem>>, vector<1x16xf32>,
        %swap3A_334 = vector.shape_cast %swap3A_333 : vector<1x16xf32> to vector<16xf32>
        %swap3A_335 = vector.shape_cast %get3A_330 : vector<16xf32> to vector<1x16xf32>
        tpu.vector_store %arg11[%swap3A_331, %swap3A_332], %swap3A_335 {strides = array<i32>} : memref<8x512xf32, #tpu.memory_space<vmem>>, vector<1x16xf32>,
        %get3A_336 = arith.constant 3 : i32
        %get3A_337 = arith.index_cast %scan3A_161 : i32 to index
        %get3A_338 = arith.index_cast %get3A_336 : i32 to index
        %get3A_339 = arith.constant 256 : index
        %get3A_340 = tpu.vector_load %arg9[%get3A_337, %get3A_338, %get3A_339] {strides = array<i32>} : memref<8x4x512xf32, #tpu.memory_space<vmem>>, vector<1x1x16xf32>,
        %get3A_341 = vector.shape_cast %get3A_340 : vector<1x1x16xf32> to vector<16xf32>
        %swap3A_342 = arith.index_cast %scan3A_161 : i32 to index
        %swap3A_343 = arith.constant 256 : index
        %swap3A_344 = tpu.vector_load %arg11[%swap3A_342, %swap3A_343] {strides = array<i32>} : memref<8x512xf32, #tpu.memory_space<vmem>>, vector<1x16xf32>,
        %swap3A_345 = vector.shape_cast %swap3A_344 : vector<1x16xf32> to vector<16xf32>
        %swap3A_346 = vector.shape_cast %get3A_341 : vector<16xf32> to vector<1x16xf32>
        tpu.vector_store %arg11[%swap3A_342, %swap3A_343], %swap3A_346 {strides = array<i32>} : memref<8x512xf32, #tpu.memory_space<vmem>>, vector<1x16xf32>,
        %get3A_347 = arith.constant 3 : i32
        %get3A_348 = arith.index_cast %scan3A_161 : i32 to index
        %get3A_349 = arith.index_cast %get3A_347 : i32 to index
        %get3A_350 = arith.constant 272 : index
        %get3A_351 = tpu.vector_load %arg9[%get3A_348, %get3A_349, %get3A_350] {strides = array<i32>} : memref<8x4x512xf32, #tpu.memory_space<vmem>>, vector<1x1x16xf32>,
        %get3A_352 = vector.shape_cast %get3A_351 : vector<1x1x16xf32> to vector<16xf32>
        %swap3A_353 = arith.index_cast %scan3A_161 : i32 to index
        %swap3A_354 = arith.constant 272 : index
        %swap3A_355 = tpu.vector_load %arg11[%swap3A_353, %swap3A_354] {strides = array<i32>} : memref<8x512xf32, #tpu.memory_space<vmem>>, vector<1x16xf32>,
        %swap3A_356 = vector.shape_cast %swap3A_355 : vector<1x16xf32> to vector<16xf32>
        %swap3A_357 = vector.shape_cast %get3A_352 : vector<16xf32> to vector<1x16xf32>
        tpu.vector_store %arg11[%swap3A_353, %swap3A_354], %swap3A_357 {strides = array<i32>} : memref<8x512xf32, #tpu.memory_space<vmem>>, vector<1x16xf32>,
        %get3A_358 = arith.constant 3 : i32
        %get3A_359 = arith.index_cast %scan3A_161 : i32 to index
        %get3A_360 = arith.index_cast %get3A_358 : i32 to index
        %get3A_361 = arith.constant 288 : index
        %get3A_362 = tpu.vector_load %arg9[%get3A_359, %get3A_360, %get3A_361] {strides = array<i32>} : memref<8x4x512xf32, #tpu.memory_space<vmem>>, vector<1x1x16xf32>,
        %get3A_363 = vector.shape_cast %get3A_362 : vector<1x1x16xf32> to vector<16xf32>
        %swap3A_364 = arith.index_cast %scan3A_161 : i32 to index
        %swap3A_365 = arith.constant 288 : index
        %swap3A_366 = tpu.vector_load %arg11[%swap3A_364, %swap3A_365] {strides = array<i32>} : memref<8x512xf32, #tpu.memory_space<vmem>>, vector<1x16xf32>,
        %swap3A_367 = vector.shape_cast %swap3A_366 : vector<1x16xf32> to vector<16xf32>
        %swap3A_368 = vector.shape_cast %get3A_363 : vector<16xf32> to vector<1x16xf32>
        tpu.vector_store %arg11[%swap3A_364, %swap3A_365], %swap3A_368 {strides = array<i32>} : memref<8x512xf32, #tpu.memory_space<vmem>>, vector<1x16xf32>,
        %get3A_369 = arith.constant 3 : i32
        %get3A_370 = arith.index_cast %scan3A_161 : i32 to index
        %get3A_371 = arith.index_cast %get3A_369 : i32 to index
        %get3A_372 = arith.constant 304 : index
        %get3A_373 = tpu.vector_load %arg9[%get3A_370, %get3A_371, %get3A_372] {strides = array<i32>} : memref<8x4x512xf32, #tpu.memory_space<vmem>>, vector<1x1x16xf32>,
        %get3A_374 = vector.shape_cast %get3A_373 : vector<1x1x16xf32> to vector<16xf32>
        %swap3A_375 = arith.index_cast %scan3A_161 : i32 to index
        %swap3A_376 = arith.constant 304 : index
        %swap3A_377 = tpu.vector_load %arg11[%swap3A_375, %swap3A_376] {strides = array<i32>} : memref<8x512xf32, #tpu.memory_space<vmem>>, vector<1x16xf32>,
        %swap3A_378 = vector.shape_cast %swap3A_377 : vector<1x16xf32> to vector<16xf32>
        %swap3A_379 = vector.shape_cast %get3A_374 : vector<16xf32> to vector<1x16xf32>
        tpu.vector_store %arg11[%swap3A_375, %swap3A_376], %swap3A_379 {strides = array<i32>} : memref<8x512xf32, #tpu.memory_space<vmem>>, vector<1x16xf32>,
        %get3A_380 = arith.constant 3 : i32
        %get3A_381 = arith.index_cast %scan3A_161 : i32 to index
        %get3A_382 = arith.index_cast %get3A_380 : i32 to index
        %get3A_383 = arith.constant 320 : index
        %get3A_384 = tpu.vector_load %arg9[%get3A_381, %get3A_382, %get3A_383] {strides = array<i32>} : memref<8x4x512xf32, #tpu.memory_space<vmem>>, vector<1x1x16xf32>,
        %get3A_385 = vector.shape_cast %get3A_384 : vector<1x1x16xf32> to vector<16xf32>
        %swap3A_386 = arith.index_cast %scan3A_161 : i32 to index
        %swap3A_387 = arith.constant 320 : index
        %swap3A_388 = tpu.vector_load %arg11[%swap3A_386, %swap3A_387] {strides = array<i32>} : memref<8x512xf32, #tpu.memory_space<vmem>>, vector<1x16xf32>,
        %swap3A_389 = vector.shape_cast %swap3A_388 : vector<1x16xf32> to vector<16xf32>
        %swap3A_390 = vector.shape_cast %get3A_385 : vector<16xf32> to vector<1x16xf32>
        tpu.vector_store %arg11[%swap3A_386, %swap3A_387], %swap3A_390 {strides = array<i32>} : memref<8x512xf32, #tpu.memory_space<vmem>>, vector<1x16xf32>,
        %get3A_391 = arith.constant 3 : i32
        %get3A_392 = arith.index_cast %scan3A_161 : i32 to index
        %get3A_393 = arith.index_cast %get3A_391 : i32 to index
        %get3A_394 = arith.constant 336 : index
        %get3A_395 = tpu.vector_load %arg9[%get3A_392, %get3A_393, %get3A_394] {strides = array<i32>} : memref<8x4x512xf32, #tpu.memory_space<vmem>>, vector<1x1x16xf32>,
        %get3A_396 = vector.shape_cast %get3A_395 : vector<1x1x16xf32> to vector<16xf32>
        %swap3A_397 = arith.index_cast %scan3A_161 : i32 to index
        %swap3A_398 = arith.constant 336 : index
        %swap3A_399 = tpu.vector_load %arg11[%swap3A_397, %swap3A_398] {strides = array<i32>} : memref<8x512xf32, #tpu.memory_space<vmem>>, vector<1x16xf32>,
        %swap3A_400 = vector.shape_cast %swap3A_399 : vector<1x16xf32> to vector<16xf32>
        %swap3A_401 = vector.shape_cast %get3A_396 : vector<16xf32> to vector<1x16xf32>
        tpu.vector_store %arg11[%swap3A_397, %swap3A_398], %swap3A_401 {strides = array<i32>} : memref<8x512xf32, #tpu.memory_space<vmem>>, vector<1x16xf32>,
        %get3A_402 = arith.constant 3 : i32
        %get3A_403 = arith.index_cast %scan3A_161 : i32 to index
        %get3A_404 = arith.index_cast %get3A_402 : i32 to index
        %get3A_405 = arith.constant 352 : index
        %get3A_406 = tpu.vector_load %arg9[%get3A_403, %get3A_404, %get3A_405] {strides = array<i32>} : memref<8x4x512xf32, #tpu.memory_space<vmem>>, vector<1x1x16xf32>,
        %get3A_407 = vector.shape_cast %get3A_406 : vector<1x1x16xf32> to vector<16xf32>
        %swap3A_408 = arith.index_cast %scan3A_161 : i32 to index
        %swap3A_409 = arith.constant 352 : index
        %swap3A_410 = tpu.vector_load %arg11[%swap3A_408, %swap3A_409] {strides = array<i32>} : memref<8x512xf32, #tpu.memory_space<vmem>>, vector<1x16xf32>,
        %swap3A_411 = vector.shape_cast %swap3A_410 : vector<1x16xf32> to vector<16xf32>
        %swap3A_412 = vector.shape_cast %get3A_407 : vector<16xf32> to vector<1x16xf32>
        tpu.vector_store %arg11[%swap3A_408, %swap3A_409], %swap3A_412 {strides = array<i32>} : memref<8x512xf32, #tpu.memory_space<vmem>>, vector<1x16xf32>,
        %get3A_413 = arith.constant 3 : i32
        %get3A_414 = arith.index_cast %scan3A_161 : i32 to index
        %get3A_415 = arith.index_cast %get3A_413 : i32 to index
        %get3A_416 = arith.constant 368 : index
        %get3A_417 = tpu.vector_load %arg9[%get3A_414, %get3A_415, %get3A_416] {strides = array<i32>} : memref<8x4x512xf32, #tpu.memory_space<vmem>>, vector<1x1x16xf32>,
        %get3A_418 = vector.shape_cast %get3A_417 : vector<1x1x16xf32> to vector<16xf32>
        %swap3A_419 = arith.index_cast %scan3A_161 : i32 to index
        %swap3A_420 = arith.constant 368 : index
        %swap3A_421 = tpu.vector_load %arg11[%swap3A_419, %swap3A_420] {strides = array<i32>} : memref<8x512xf32, #tpu.memory_space<vmem>>, vector<1x16xf32>,
        %swap3A_422 = vector.shape_cast %swap3A_421 : vector<1x16xf32> to vector<16xf32>
        %swap3A_423 = vector.shape_cast %get3A_418 : vector<16xf32> to vector<1x16xf32>
        tpu.vector_store %arg11[%swap3A_419, %swap3A_420], %swap3A_423 {strides = array<i32>} : memref<8x512xf32, #tpu.memory_space<vmem>>, vector<1x16xf32>,
        %get3A_424 = arith.constant 3 : i32
        %get3A_425 = arith.index_cast %scan3A_161 : i32 to index
        %get3A_426 = arith.index_cast %get3A_424 : i32 to index
        %get3A_427 = arith.constant 384 : index
        %get3A_428 = tpu.vector_load %arg9[%get3A_425, %get3A_426, %get3A_427] {strides = array<i32>} : memref<8x4x512xf32, #tpu.memory_space<vmem>>, vector<1x1x16xf32>,
        %get3A_429 = vector.shape_cast %get3A_428 : vector<1x1x16xf32> to vector<16xf32>
        %swap3A_430 = arith.index_cast %scan3A_161 : i32 to index
        %swap3A_431 = arith.constant 384 : index
        %swap3A_432 = tpu.vector_load %arg11[%swap3A_430, %swap3A_431] {strides = array<i32>} : memref<8x512xf32, #tpu.memory_space<vmem>>, vector<1x16xf32>,
        %swap3A_433 = vector.shape_cast %swap3A_432 : vector<1x16xf32> to vector<16xf32>
        %swap3A_434 = vector.shape_cast %get3A_429 : vector<16xf32> to vector<1x16xf32>
        tpu.vector_store %arg11[%swap3A_430, %swap3A_431], %swap3A_434 {strides = array<i32>} : memref<8x512xf32, #tpu.memory_space<vmem>>, vector<1x16xf32>,
        %get3A_435 = arith.constant 3 : i32
        %get3A_436 = arith.index_cast %scan3A_161 : i32 to index
        %get3A_437 = arith.index_cast %get3A_435 : i32 to index
        %get3A_438 = arith.constant 400 : index
        %get3A_439 = tpu.vector_load %arg9[%get3A_436, %get3A_437, %get3A_438] {strides = array<i32>} : memref<8x4x512xf32, #tpu.memory_space<vmem>>, vector<1x1x16xf32>,
        %get3A_440 = vector.shape_cast %get3A_439 : vector<1x1x16xf32> to vector<16xf32>
        %swap3A_441 = arith.index_cast %scan3A_161 : i32 to index
        %swap3A_442 = arith.constant 400 : index
        %swap3A_443 = tpu.vector_load %arg11[%swap3A_441, %swap3A_442] {strides = array<i32>} : memref<8x512xf32, #tpu.memory_space<vmem>>, vector<1x16xf32>,
        %swap3A_444 = vector.shape_cast %swap3A_443 : vector<1x16xf32> to vector<16xf32>
        %swap3A_445 = vector.shape_cast %get3A_440 : vector<16xf32> to vector<1x16xf32>
        tpu.vector_store %arg11[%swap3A_441, %swap3A_442], %swap3A_445 {strides = array<i32>} : memref<8x512xf32, #tpu.memory_space<vmem>>, vector<1x16xf32>,
        %get3A_446 = arith.constant 3 : i32
        %get3A_447 = arith.index_cast %scan3A_161 : i32 to index
        %get3A_448 = arith.index_cast %get3A_446 : i32 to index
        %get3A_449 = arith.constant 416 : index
        %get3A_450 = tpu.vector_load %arg9[%get3A_447, %get3A_448, %get3A_449] {strides = array<i32>} : memref<8x4x512xf32, #tpu.memory_space<vmem>>, vector<1x1x16xf32>,
        %get3A_451 = vector.shape_cast %get3A_450 : vector<1x1x16xf32> to vector<16xf32>
        %swap3A_452 = arith.index_cast %scan3A_161 : i32 to index
        %swap3A_453 = arith.constant 416 : index
        %swap3A_454 = tpu.vector_load %arg11[%swap3A_452, %swap3A_453] {strides = array<i32>} : memref<8x512xf32, #tpu.memory_space<vmem>>, vector<1x16xf32>,
        %swap3A_455 = vector.shape_cast %swap3A_454 : vector<1x16xf32> to vector<16xf32>
        %swap3A_456 = vector.shape_cast %get3A_451 : vector<16xf32> to vector<1x16xf32>
        tpu.vector_store %arg11[%swap3A_452, %swap3A_453], %swap3A_456 {strides = array<i32>} : memref<8x512xf32, #tpu.memory_space<vmem>>, vector<1x16xf32>,
        %get3A_457 = arith.constant 3 : i32
        %get3A_458 = arith.index_cast %scan3A_161 : i32 to index
        %get3A_459 = arith.index_cast %get3A_457 : i32 to index
        %get3A_460 = arith.constant 432 : index
        %get3A_461 = tpu.vector_load %arg9[%get3A_458, %get3A_459, %get3A_460] {strides = array<i32>} : memref<8x4x512xf32, #tpu.memory_space<vmem>>, vector<1x1x16xf32>,
        %get3A_462 = vector.shape_cast %get3A_461 : vector<1x1x16xf32> to vector<16xf32>
        %swap3A_463 = arith.index_cast %scan3A_161 : i32 to index
        %swap3A_464 = arith.constant 432 : index
        %swap3A_465 = tpu.vector_load %arg11[%swap3A_463, %swap3A_464] {strides = array<i32>} : memref<8x512xf32, #tpu.memory_space<vmem>>, vector<1x16xf32>,
        %swap3A_466 = vector.shape_cast %swap3A_465 : vector<1x16xf32> to vector<16xf32>
        %swap3A_467 = vector.shape_cast %get3A_462 : vector<16xf32> to vector<1x16xf32>
        tpu.vector_store %arg11[%swap3A_463, %swap3A_464], %swap3A_467 {strides = array<i32>} : memref<8x512xf32, #tpu.memory_space<vmem>>, vector<1x16xf32>,
        %get3A_468 = arith.constant 3 : i32
        %get3A_469 = arith.index_cast %scan3A_161 : i32 to index
        %get3A_470 = arith.index_cast %get3A_468 : i32 to index
        %get3A_471 = arith.constant 448 : index
        %get3A_472 = tpu.vector_load %arg9[%get3A_469, %get3A_470, %get3A_471] {strides = array<i32>} : memref<8x4x512xf32, #tpu.memory_space<vmem>>, vector<1x1x16xf32>,
        %get3A_473 = vector.shape_cast %get3A_472 : vector<1x1x16xf32> to vector<16xf32>
        %swap3A_474 = arith.index_cast %scan3A_161 : i32 to index
        %swap3A_475 = arith.constant 448 : index
        %swap3A_476 = tpu.vector_load %arg11[%swap3A_474, %swap3A_475] {strides = array<i32>} : memref<8x512xf32, #tpu.memory_space<vmem>>, vector<1x16xf32>,
        %swap3A_477 = vector.shape_cast %swap3A_476 : vector<1x16xf32> to vector<16xf32>
        %swap3A_478 = vector.shape_cast %get3A_473 : vector<16xf32> to vector<1x16xf32>
        tpu.vector_store %arg11[%swap3A_474, %swap3A_475], %swap3A_478 {strides = array<i32>} : memref<8x512xf32, #tpu.memory_space<vmem>>, vector<1x16xf32>,
        %get3A_479 = arith.constant 3 : i32
        %get3A_480 = arith.index_cast %scan3A_161 : i32 to index
        %get3A_481 = arith.index_cast %get3A_479 : i32 to index
        %get3A_482 = arith.constant 464 : index
        %get3A_483 = tpu.vector_load %arg9[%get3A_480, %get3A_481, %get3A_482] {strides = array<i32>} : memref<8x4x512xf32, #tpu.memory_space<vmem>>, vector<1x1x16xf32>,
        %get3A_484 = vector.shape_cast %get3A_483 : vector<1x1x16xf32> to vector<16xf32>
        %swap3A_485 = arith.index_cast %scan3A_161 : i32 to index
        %swap3A_486 = arith.constant 464 : index
        %swap3A_487 = tpu.vector_load %arg11[%swap3A_485, %swap3A_486] {strides = array<i32>} : memref<8x512xf32, #tpu.memory_space<vmem>>, vector<1x16xf32>,
        %swap3A_488 = vector.shape_cast %swap3A_487 : vector<1x16xf32> to vector<16xf32>
        %swap3A_489 = vector.shape_cast %get3A_484 : vector<16xf32> to vector<1x16xf32>
        tpu.vector_store %arg11[%swap3A_485, %swap3A_486], %swap3A_489 {strides = array<i32>} : memref<8x512xf32, #tpu.memory_space<vmem>>, vector<1x16xf32>,
        %get3A_490 = arith.constant 3 : i32
        %get3A_491 = arith.index_cast %scan3A_161 : i32 to index
        %get3A_492 = arith.index_cast %get3A_490 : i32 to index
        %get3A_493 = arith.constant 480 : index
        %get3A_494 = tpu.vector_load %arg9[%get3A_491, %get3A_492, %get3A_493] {strides = array<i32>} : memref<8x4x512xf32, #tpu.memory_space<vmem>>, vector<1x1x16xf32>,
        %get3A_495 = vector.shape_cast %get3A_494 : vector<1x1x16xf32> to vector<16xf32>
        %swap3A_496 = arith.index_cast %scan3A_161 : i32 to index
        %swap3A_497 = arith.constant 480 : index
        %swap3A_498 = tpu.vector_load %arg11[%swap3A_496, %swap3A_497] {strides = array<i32>} : memref<8x512xf32, #tpu.memory_space<vmem>>, vector<1x16xf32>,
        %swap3A_499 = vector.shape_cast %swap3A_498 : vector<1x16xf32> to vector<16xf32>
        %swap3A_500 = vector.shape_cast %get3A_495 : vector<16xf32> to vector<1x16xf32>
        tpu.vector_store %arg11[%swap3A_496, %swap3A_497], %swap3A_500 {strides = array<i32>} : memref<8x512xf32, #tpu.memory_space<vmem>>, vector<1x16xf32>,
        %get3A_501 = arith.constant 3 : i32
        %get3A_502 = arith.index_cast %scan3A_161 : i32 to index
        %get3A_503 = arith.index_cast %get3A_501 : i32 to index
        %get3A_504 = arith.constant 496 : index
        %get3A_505 = tpu.vector_load %arg9[%get3A_502, %get3A_503, %get3A_504] {strides = array<i32>} : memref<8x4x512xf32, #tpu.memory_space<vmem>>, vector<1x1x16xf32>,
        %get3A_506 = vector.shape_cast %get3A_505 : vector<1x1x16xf32> to vector<16xf32>
        %swap3A_507 = arith.index_cast %scan3A_161 : i32 to index
        %swap3A_508 = arith.constant 496 : index
        %swap3A_509 = tpu.vector_load %arg11[%swap3A_507, %swap3A_508] {strides = array<i32>} : memref<8x512xf32, #tpu.memory_space<vmem>>, vector<1x16xf32>,
        %swap3A_510 = vector.shape_cast %swap3A_509 : vector<1x16xf32> to vector<16xf32>
        %swap3A_511 = vector.shape_cast %get3A_506 : vector<16xf32> to vector<1x16xf32>
        tpu.vector_store %arg11[%swap3A_507, %swap3A_508], %swap3A_511 {strides = array<i32>} : memref<8x512xf32, #tpu.memory_space<vmem>>, vector<1x16xf32>,
      }
      %scan3A_153 = arith.constant 8 : i32
      %dma_start3A_154 = arith.constant 9 : i32
      %dma_start3A_155 = arith.constant 0 : i32
      %dma_start3A_156 = tpu.memref_slice %arg5[%dma_start3A_154, %multiple_of3A_83, %dma_start3A_155] : memref<77x1024x512xf32, #tpu.memory_space<hbm>> -> memref<1x8x512xf32, #tpu.memory_space<hbm>>
      %dma_start3A_157 = tpu.memref_squeeze %dma_start3A_156 : memref<1x8x512xf32, #tpu.memory_space<hbm>> -> memref<8x512xf32, #tpu.memory_space<hbm>>
      %dma_start3A_158 = arith.constant 0 : i32
      %dma_start3A_159 = tpu.memref_slice %arg5[%dma_start3A_154, %multiple_of3A_83, %dma_start3A_158] : memref<77x1024x512xf32, #tpu.memory_space<hbm>> -> memref<1x8x512xf32, #tpu.memory_space<hbm>>
      %dma_start3A_160 = tpu.memref_squeeze %dma_start3A_159 : memref<1x8x512xf32, #tpu.memory_space<hbm>> -> memref<8x512xf32, #tpu.memory_space<hbm>>
      tpu.enqueue_dma source(%arg11 : memref<8x512xf32, #tpu.memory_space<vmem>>) target(%dma_start3A_160 : memref<8x512xf32, #tpu.memory_space<hbm>>) target_semaphore(%arg15 : memref<!tpu.dma_semaphore, #tpu.memory_space<semaphore_mem>>)
    }
    %scan3A_37 = arith.constant 4 : i32
    %sub3A = arith.subi %shift_right_arithmetic3A_11, %shift_right_arithmetic3A_5 : i32
    %while3A_38 = arith.constant 0 : i32
    %while3A_39 = arith.constant 0 : i32
    %while3A_40 = arith.subi %sub3A, %while3A_39 : i32
    %while3A_41 = arith.addi %while3A_39, %while3A_40 : i32
    %while3A_42 = arith.constant 1 : i32
    %while3A_43 = arith.divsi %while3A_40, %while3A_42 : i32
    %while3A_44 = arith.muli %while3A_43, %while3A_42 : i32
    %while3A_45 = arith.addi %while3A_39, %while3A_44 : i32
    %while3A_46 = arith.constant 1 : i32
    scf.for %while3A_66 = %while3A_39 to %while3A_45 step %while3A_46  : i32 {
      %dma_wait3A_67 = arith.constant 0 : i32
      %dma_wait3A_68 = arith.constant 0 : i32
      %dma_wait3A_69 = arith.constant 0 : i32
      %dma_wait3A_70 = arith.constant 0 : i32
      %dma_wait3A_71 = tpu.memref_slice %arg8[%dma_wait3A_68, %dma_wait3A_69, %dma_wait3A_70] : memref<4x32x512xf32, #tpu.memory_space<vmem>> -> memref<1x32x512xf32, #tpu.memory_space<vmem>>
      %dma_wait3A_72 = tpu.memref_squeeze %dma_wait3A_71 : memref<1x32x512xf32, #tpu.memory_space<vmem>> -> memref<32x512xf32, #tpu.memory_space<vmem>>
      %dma_wait3A_73 = arith.constant 0 : i32
      %dma_wait3A_74 = arith.constant 0 : i32
      %dma_wait3A_75 = tpu.memref_slice %arg5[%dma_wait3A_67, %dma_wait3A_73, %dma_wait3A_74] : memref<77x1024x512xf32, #tpu.memory_space<hbm>> -> memref<1x32x512xf32, #tpu.memory_space<hbm>>
      %dma_wait3A_76 = tpu.memref_squeeze %dma_wait3A_75 : memref<1x32x512xf32, #tpu.memory_space<hbm>> -> memref<32x512xf32, #tpu.memory_space<hbm>>
      %dma_wait3A_77 = arith.constant 0 : i32
      %dma_wait3A_78 = arith.constant 0 : i32
      %dma_wait3A_79 = tpu.memref_slice %arg8[%dma_wait3A_68, %dma_wait3A_77, %dma_wait3A_78] : memref<4x32x512xf32, #tpu.memory_space<vmem>> -> memref<1x32x512xf32, #tpu.memory_space<vmem>>
      %dma_wait3A_80 = tpu.memref_squeeze %dma_wait3A_79 : memref<1x32x512xf32, #tpu.memory_space<vmem>> -> memref<32x512xf32, #tpu.memory_space<vmem>>
      %dma_wait3A_81 = arith.constant 0 : i32
      %dma_wait3A_82 = arith.constant 0 : i32
      %dma_wait3A_83 = tpu.memref_slice %arg5[%dma_wait3A_67, %dma_wait3A_81, %dma_wait3A_82] : memref<77x1024x512xf32, #tpu.memory_space<hbm>> -> memref<1x32x512xf32, #tpu.memory_space<hbm>>
      %dma_wait3A_84 = tpu.memref_squeeze %dma_wait3A_83 : memref<1x32x512xf32, #tpu.memory_space<hbm>> -> memref<32x512xf32, #tpu.memory_space<hbm>>
      tpu.wait_dma2 semaphore(%arg13 : memref<!tpu.dma_semaphore, #tpu.memory_space<semaphore_mem>>) src(%dma_wait3A_84 : memref<32x512xf32, #tpu.memory_space<hbm>>) dst(%dma_wait3A_80 : memref<32x512xf32, #tpu.memory_space<vmem>>)
      %dma_wait3A_85 = arith.constant 0 : i32
      %dma_wait3A_86 = arith.constant 0 : i32
      %dma_wait3A_87 = arith.constant 0 : i32
      %dma_wait3A_88 = arith.constant 0 : i32
      %dma_wait3A_89 = tpu.memref_slice %arg8[%dma_wait3A_86, %dma_wait3A_87, %dma_wait3A_88] : memref<4x32x512xf32, #tpu.memory_space<vmem>> -> memref<1x32x512xf32, #tpu.memory_space<vmem>>
      %dma_wait3A_90 = tpu.memref_squeeze %dma_wait3A_89 : memref<1x32x512xf32, #tpu.memory_space<vmem>> -> memref<32x512xf32, #tpu.memory_space<vmem>>
      %dma_wait3A_91 = arith.constant 0 : i32
      %dma_wait3A_92 = arith.constant 0 : i32
      %dma_wait3A_93 = tpu.memref_slice %arg5[%dma_wait3A_85, %dma_wait3A_91, %dma_wait3A_92] : memref<77x1024x512xf32, #tpu.memory_space<hbm>> -> memref<1x32x512xf32, #tpu.memory_space<hbm>>
      %dma_wait3A_94 = tpu.memref_squeeze %dma_wait3A_93 : memref<1x32x512xf32, #tpu.memory_space<hbm>> -> memref<32x512xf32, #tpu.memory_space<hbm>>
      %dma_wait3A_95 = arith.constant 0 : i32
      %dma_wait3A_96 = arith.constant 0 : i32
      %dma_wait3A_97 = tpu.memref_slice %arg8[%dma_wait3A_86, %dma_wait3A_95, %dma_wait3A_96] : memref<4x32x512xf32, #tpu.memory_space<vmem>> -> memref<1x32x512xf32, #tpu.memory_space<vmem>>
      %dma_wait3A_98 = tpu.memref_squeeze %dma_wait3A_97 : memref<1x32x512xf32, #tpu.memory_space<vmem>> -> memref<32x512xf32, #tpu.memory_space<vmem>>
      %dma_wait3A_99 = arith.constant 0 : i32
      %dma_wait3A_100 = arith.constant 0 : i32
      %dma_wait3A_101 = tpu.memref_slice %arg5[%dma_wait3A_85, %dma_wait3A_99, %dma_wait3A_100] : memref<77x1024x512xf32, #tpu.memory_space<hbm>> -> memref<1x32x512xf32, #tpu.memory_space<hbm>>
      %dma_wait3A_102 = tpu.memref_squeeze %dma_wait3A_101 : memref<1x32x512xf32, #tpu.memory_space<hbm>> -> memref<32x512xf32, #tpu.memory_space<hbm>>
      tpu.wait_dma2 semaphore(%arg13 : memref<!tpu.dma_semaphore, #tpu.memory_space<semaphore_mem>>) src(%dma_wait3A_102 : memref<32x512xf32, #tpu.memory_space<hbm>>) dst(%dma_wait3A_98 : memref<32x512xf32, #tpu.memory_space<vmem>>)
    }
    %while3A_47 = arith.constant 1 : i32
    scf.for %while3A_66 = %while3A_45 to %while3A_41 step %while3A_47  : i32 {
      %dma_wait3A_67 = arith.constant 0 : i32
      %dma_wait3A_68 = arith.constant 0 : i32
      %dma_wait3A_69 = arith.constant 0 : i32
      %dma_wait3A_70 = arith.constant 0 : i32
      %dma_wait3A_71 = tpu.memref_slice %arg8[%dma_wait3A_68, %dma_wait3A_69, %dma_wait3A_70] : memref<4x32x512xf32, #tpu.memory_space<vmem>> -> memref<1x32x512xf32, #tpu.memory_space<vmem>>
      %dma_wait3A_72 = tpu.memref_squeeze %dma_wait3A_71 : memref<1x32x512xf32, #tpu.memory_space<vmem>> -> memref<32x512xf32, #tpu.memory_space<vmem>>
      %dma_wait3A_73 = arith.constant 0 : i32
      %dma_wait3A_74 = arith.constant 0 : i32
      %dma_wait3A_75 = tpu.memref_slice %arg5[%dma_wait3A_67, %dma_wait3A_73, %dma_wait3A_74] : memref<77x1024x512xf32, #tpu.memory_space<hbm>> -> memref<1x32x512xf32, #tpu.memory_space<hbm>>
      %dma_wait3A_76 = tpu.memref_squeeze %dma_wait3A_75 : memref<1x32x512xf32, #tpu.memory_space<hbm>> -> memref<32x512xf32, #tpu.memory_space<hbm>>
      %dma_wait3A_77 = arith.constant 0 : i32
      %dma_wait3A_78 = arith.constant 0 : i32
      %dma_wait3A_79 = tpu.memref_slice %arg8[%dma_wait3A_68, %dma_wait3A_77, %dma_wait3A_78] : memref<4x32x512xf32, #tpu.memory_space<vmem>> -> memref<1x32x512xf32, #tpu.memory_space<vmem>>
      %dma_wait3A_80 = tpu.memref_squeeze %dma_wait3A_79 : memref<1x32x512xf32, #tpu.memory_space<vmem>> -> memref<32x512xf32, #tpu.memory_space<vmem>>
      %dma_wait3A_81 = arith.constant 0 : i32
      %dma_wait3A_82 = arith.constant 0 : i32
      %dma_wait3A_83 = tpu.memref_slice %arg5[%dma_wait3A_67, %dma_wait3A_81, %dma_wait3A_82] : memref<77x1024x512xf32, #tpu.memory_space<hbm>> -> memref<1x32x512xf32, #tpu.memory_space<hbm>>
      %dma_wait3A_84 = tpu.memref_squeeze %dma_wait3A_83 : memref<1x32x512xf32, #tpu.memory_space<hbm>> -> memref<32x512xf32, #tpu.memory_space<hbm>>
      tpu.wait_dma2 semaphore(%arg13 : memref<!tpu.dma_semaphore, #tpu.memory_space<semaphore_mem>>) src(%dma_wait3A_84 : memref<32x512xf32, #tpu.memory_space<hbm>>) dst(%dma_wait3A_80 : memref<32x512xf32, #tpu.memory_space<vmem>>)
      %dma_wait3A_85 = arith.constant 0 : i32
      %dma_wait3A_86 = arith.constant 0 : i32
      %dma_wait3A_87 = arith.constant 0 : i32
      %dma_wait3A_88 = arith.constant 0 : i32
      %dma_wait3A_89 = tpu.memref_slice %arg8[%dma_wait3A_86, %dma_wait3A_87, %dma_wait3A_88] : memref<4x32x512xf32, #tpu.memory_space<vmem>> -> memref<1x32x512xf32, #tpu.memory_space<vmem>>
      %dma_wait3A_90 = tpu.memref_squeeze %dma_wait3A_89 : memref<1x32x512xf32, #tpu.memory_space<vmem>> -> memref<32x512xf32, #tpu.memory_space<vmem>>
      %dma_wait3A_91 = arith.constant 0 : i32
      %dma_wait3A_92 = arith.constant 0 : i32
      %dma_wait3A_93 = tpu.memref_slice %arg5[%dma_wait3A_85, %dma_wait3A_91, %dma_wait3A_92] : memref<77x1024x512xf32, #tpu.memory_space<hbm>> -> memref<1x32x512xf32, #tpu.memory_space<hbm>>
      %dma_wait3A_94 = tpu.memref_squeeze %dma_wait3A_93 : memref<1x32x512xf32, #tpu.memory_space<hbm>> -> memref<32x512xf32, #tpu.memory_space<hbm>>
      %dma_wait3A_95 = arith.constant 0 : i32
      %dma_wait3A_96 = arith.constant 0 : i32
      %dma_wait3A_97 = tpu.memref_slice %arg8[%dma_wait3A_86, %dma_wait3A_95, %dma_wait3A_96] : memref<4x32x512xf32, #tpu.memory_space<vmem>> -> memref<1x32x512xf32, #tpu.memory_space<vmem>>
      %dma_wait3A_98 = tpu.memref_squeeze %dma_wait3A_97 : memref<1x32x512xf32, #tpu.memory_space<vmem>> -> memref<32x512xf32, #tpu.memory_space<vmem>>
      %dma_wait3A_99 = arith.constant 0 : i32
      %dma_wait3A_100 = arith.constant 0 : i32
      %dma_wait3A_101 = tpu.memref_slice %arg5[%dma_wait3A_85, %dma_wait3A_99, %dma_wait3A_100] : memref<77x1024x512xf32, #tpu.memory_space<hbm>> -> memref<1x32x512xf32, #tpu.memory_space<hbm>>
      %dma_wait3A_102 = tpu.memref_squeeze %dma_wait3A_101 : memref<1x32x512xf32, #tpu.memory_space<hbm>> -> memref<32x512xf32, #tpu.memory_space<hbm>>
      tpu.wait_dma2 semaphore(%arg13 : memref<!tpu.dma_semaphore, #tpu.memory_space<semaphore_mem>>) src(%dma_wait3A_102 : memref<32x512xf32, #tpu.memory_space<hbm>>) dst(%dma_wait3A_98 : memref<32x512xf32, #tpu.memory_space<vmem>>)
    }
    %dma_wait3A_48 = arith.constant 0 : i32
    %dma_wait3A_49 = arith.constant 0 : i32
    %dma_wait3A_50 = arith.constant 0 : i32
    %dma_wait3A_51 = tpu.memref_slice %arg5[%dma_wait3A_48, %dma_wait3A_49, %dma_wait3A_50] : memref<77x1024x512xf32, #tpu.memory_space<hbm>> -> memref<1x8x512xf32, #tpu.memory_space<hbm>>
    %dma_wait3A_52 = tpu.memref_squeeze %dma_wait3A_51 : memref<1x8x512xf32, #tpu.memory_space<hbm>> -> memref<8x512xf32, #tpu.memory_space<hbm>>
    %dma_wait3A_53 = arith.constant 0 : i32
    %dma_wait3A_54 = arith.constant 0 : i32
    %dma_wait3A_55 = tpu.memref_slice %arg5[%dma_wait3A_48, %dma_wait3A_53, %dma_wait3A_54] : memref<77x1024x512xf32, #tpu.memory_space<hbm>> -> memref<1x8x512xf32, #tpu.memory_space<hbm>>
    %dma_wait3A_56 = tpu.memref_squeeze %dma_wait3A_55 : memref<1x8x512xf32, #tpu.memory_space<hbm>> -> memref<8x512xf32, #tpu.memory_space<hbm>>
    tpu.wait_dma2 semaphore(%arg14 : memref<!tpu.dma_semaphore, #tpu.memory_space<semaphore_mem>>) src(%dma_wait3A_56 : memref<8x512xf32, #tpu.memory_space<hbm>>) dst(%arg10 : memref<8x512xf32, #tpu.memory_space<vmem>>)
    %dma_wait3A_57 = arith.constant 0 : i32
    %dma_wait3A_58 = arith.constant 0 : i32
    %dma_wait3A_59 = arith.constant 0 : i32
    %dma_wait3A_60 = tpu.memref_slice %arg5[%dma_wait3A_57, %dma_wait3A_58, %dma_wait3A_59] : memref<77x1024x512xf32, #tpu.memory_space<hbm>> -> memref<1x8x512xf32, #tpu.memory_space<hbm>>
    %dma_wait3A_61 = tpu.memref_squeeze %dma_wait3A_60 : memref<1x8x512xf32, #tpu.memory_space<hbm>> -> memref<8x512xf32, #tpu.memory_space<hbm>>
    %dma_wait3A_62 = arith.constant 0 : i32
    %dma_wait3A_63 = arith.constant 0 : i32
    %dma_wait3A_64 = tpu.memref_slice %arg5[%dma_wait3A_57, %dma_wait3A_62, %dma_wait3A_63] : memref<77x1024x512xf32, #tpu.memory_space<hbm>> -> memref<1x8x512xf32, #tpu.memory_space<hbm>>
    %dma_wait3A_65 = tpu.memref_squeeze %dma_wait3A_64 : memref<1x8x512xf32, #tpu.memory_space<hbm>> -> memref<8x512xf32, #tpu.memory_space<hbm>>
    tpu.wait_dma2 semaphore(%arg15 : memref<!tpu.dma_semaphore, #tpu.memory_space<semaphore_mem>>) src(%dma_wait3A_65 : memref<8x512xf32, #tpu.memory_space<hbm>>) dst(%arg11 : memref<8x512xf32, #tpu.memory_space<vmem>>)
    return
  }
}

</mosaic_0001>

<sc_bundles>
// kernel: _prompt_learner.3.cloned.1.call-start
scs
__scs_entry_jumppad:
0x0: {  	(pc) =	sbr.rel $0x88, $3  }
0x1: {  	(tag) =	ssettag $0x0;
	lr =	simm.s32 $0x1  }
0x2: {  	[smem:$0x3F9E] =	sst lr;
	_ =	strace $0xD0000000  }
0x3: {  	_ = 	snop  }
0x4: {  	_ = 	snop  }
0x5: {  	_ = 	snop  }
0x6: {  	_ = 	snop  }
0x7: {  	_ = 	snop  }
__scs_overlays_trampoline_lowered:
0x8: {  	[smem:$0x3FAD] =	sst s0  }
0x9: {  	[smem:$0x3FAE] =	sst s1  }
0xa: {  	[smem:$0x3FAF] =	sst s2  }
0xb: {  	[smem:$0x3FB0] =	sst s3  }
0xc: {  	[smem:$0x3FB1] =	sst s4  }
0xd: {  	[smem:$0x3FB2] =	sst s5  }
0xe: {  	[smem:$0x3FB3] =	sst s6  }
0xf: {  	[smem:$0x3FB4] =	sst s7  }
0x10: {  	[smem:$0x3FB5] =	sst s8  }
0x11: {  	[smem:$0x3FB6] =	sst s9;
	s0 =	simm.s32 @!p0 $0x0  }
0x12: {  	s1 =	sld [smem:$0x3F9C];
	s0 =	simm.s32 @p0 $0x1  }
0x13: {  	[smem:$0x3FB7] =	sst s0;
	s0 =	simm.s32 @!p1 $0x0  }
0x14: {  	s2 =	sld [smem:$0x3F9B];
	s0 =	simm.s32 @p1 $0x1  }
0x15: {  	[smem:$0x3FB8] =	sst s0;
	s0 =	simm.s32 @!p2 $0x0  }
0x16: {  	s3 =	sld [smem:$0x3FDB];
	s0 =	simm.s32 @p2 $0x1  }
0x17: {  	s4 =	simm.s32 $0x1BF5;
	[smem:$0x3FBA] =	sst s0  }
0x18: {  	s0 =	sld [smem:$0x3F9D];
	_ =	swait.ge [sflag:s4], $0x0  }
0x19: {  	s7 =	sld [smem:$0x3F9E]  }
0x1a: {  	s8 =	sadd.s32 $0xFFFFE003, lr  }
0x1b: {  	s9 =	sadd.s32 $0xFFFFFEF7, lr;
	s5 =	simm.s32 $0xFFFFFFFF;
	p2 =	slt.u32 s8, $0xFFFFF086  }
0x1c: {  	p1 =	slt.u32 s9, $0xF7A;
	s5 =	simm.s32 @!p2 $0x0  }
0x1d: {  	s5 =	simm.s32 @p1 $0x1;
	p0 =	seq.s32 s7, s2  }
0x1e: {  	s7 =	smul.u32 @!p0 $0xF7A, s2;
	p2 =	seq.s32 @!p0 s5, $0x0  }
0x1f: {  	s9 =	smul.u32 $0xF7A, s1;
	s8 =	simm.s32 @!p0 $0x1BF5;
	p2 =	por !p2, p0  }
0x20: {  	[sflag:s8] =	ssyncset.s32 @!p0 $0xFFFFF086;
	s6 =	sadd.s32 @!p0 s3, s7;
	s7 =	simm.s32 @!p0 $0x108  }
0x21: {  	s3 =	sadd.s32 s3, s9;
	s6 =	sadd.s32 @!p0 $0x88, s6;
	s7 =	simm.s32 @p2 $0x1082  }
0x22: {  	[simem:s7], [sflag:s8] =	dma.local @!p0 [hbm:s6], $0xF7A  }
0x23: {  	s9 =	sor.u32 $0xD0000000, s2;
	s6 =	simm.s32 $0x108;
	_ =	swait.ge @!p0 [sflag:s8], $0x0  }
0x24: {  	s3 =	sadd.s32 $0x88, s3;
	s6 =	simm.s32 @!p1 $0x1082;
	[sflag:s4] =	ssyncset.s32 $0xFFFFF086  }
0x25: {  	[simem:s6], [sflag:s4] =	dma.local [hbm:s3], $0xF7A  }
0x26: {  	[smem:$0x3F9E] =	sst s1;
	(tag) =	ssettag s2;
	_ =	strace s9  }
0x27: {  	s1 =	sld [smem:$0x3FAE]  }
0x28: {  	s2 =	sld [smem:$0x3FAF]  }
0x29: {  	s4 =	sld [smem:$0x3FB1]  }
0x2a: {  	p0 =	seq.s32 s5, $0x0;
	s5 =	sld [smem:$0x3FB2]  }
0x2b: {  	s6 =	sld [smem:$0x3FB3]  }
0x2c: {  	s7 =	sld [smem:$0x3FB4]  }
0x2d: {  	s3 =	simm.s32 $0x108;
	s8 =	sld [smem:$0x3FB5]  }
0x2e: {  	s3 =	simm.s32 @!p0 $0x1082;
	s9 =	sld [smem:$0x3FB6]  }
0x2f: {  	lr =	sadd.s32 s0, s3;
	s0 =	sld [smem:$0x3FAD]  }
0x30: {  	s3 =	sld [smem:$0x3FB0]  }
0x31: {  	[smem:$0x3FB9] =	sst s10  }
0x32: {  	s10 =	sld [smem:$0x3FB7];
	_ =	sdelay $0x3  }
0x33: {  	p0 =	seq.s32 s10, $0x1;
	s10 =	sld [smem:$0x3FB9];
	_ =	sdelay $0x3  }
0x34: {  	[smem:$0x3FB9] =	sst s10  }
0x35: {  	s10 =	sld [smem:$0x3FB8];
	_ =	sdelay $0x3  }
0x36: {  	p1 =	seq.s32 s10, $0x1;
	s10 =	sld [smem:$0x3FB9];
	_ =	sdelay $0x3  }
0x37: {  	[smem:$0x3FB9] =	sst s10  }
0x38: {  	s10 =	sld [smem:$0x3FBA]  }
0x39: {  	_ = 	snop;
	(pc) =	sbr.ind lr, $3  }
0x3a: {  	_ = 	snop  }
0x3b: {  	_ = 	snop  }
0x3c: {  	p2 =	seq.s32 s10, $0x1;
	s10 =	sld [smem:$0x3FB9]  }
0x3d: {  	_ =	shalt  }
0x3e: {  	_ =	shalt  }
0x3f: {  	_ =	shalt  }
0x40: {  	_ =	shalt  }
0x41: {  	_ =	shalt  }
0x42: {  	_ =	shalt  }
0x43: {  	_ =	shalt  }
0x44: {  	_ =	shalt  }
0x45: {  	_ =	shalt  }
0x46: {  	_ =	shalt  }
0x47: {  	_ =	shalt  }
0x48: {  	_ =	shalt  }
0x49: {  	_ =	shalt  }
0x4a: {  	_ =	shalt  }
0x4b: {  	_ =	shalt  }
0x4c: {  	_ =	shalt  }
0x4d: {  	_ =	shalt  }
0x4e: {  	_ =	shalt  }
0x4f: {  	_ =	shalt  }
0x50: {  	_ =	shalt  }
0x51: {  	_ =	shalt  }
0x52: {  	_ =	shalt  }
0x53: {  	_ =	shalt  }
0x54: {  	_ =	shalt  }
0x55: {  	_ =	shalt  }
0x56: {  	_ =	shalt  }
0x57: {  	_ =	shalt  }
0x58: {  	_ =	shalt  }
0x59: {  	_ =	shalt  }
0x5a: {  	_ =	shalt  }
0x5b: {  	_ =	shalt  }
0x5c: {  	_ =	shalt  }
0x5d: {  	_ =	shalt  }
0x5e: {  	_ =	shalt  }
0x5f: {  	_ =	shalt  }
0x60: {  	_ =	shalt  }
0x61: {  	_ =	shalt  }
0x62: {  	_ =	shalt  }
0x63: {  	_ =	shalt  }
0x64: {  	_ =	shalt  }
0x65: {  	_ =	shalt  }
0x66: {  	_ =	shalt  }
0x67: {  	_ =	shalt  }
0x68: {  	_ =	shalt  }
0x69: {  	_ =	shalt  }
0x6a: {  	_ =	shalt  }
0x6b: {  	_ =	shalt  }
0x6c: {  	_ =	shalt  }
0x6d: {  	_ =	shalt  }
0x6e: {  	_ =	shalt  }
0x6f: {  	_ =	shalt  }
0x70: {  	_ =	shalt  }
0x71: {  	_ =	shalt  }
0x72: {  	_ =	shalt  }
0x73: {  	_ =	shalt  }
0x74: {  	_ =	shalt  }
0x75: {  	_ =	shalt  }
0x76: {  	_ =	shalt  }
0x77: {  	_ =	shalt  }
0x78: {  	_ =	shalt  }
0x79: {  	_ =	shalt  }
0x7a: {  	_ =	shalt  }
0x7b: {  	_ =	shalt  }
0x7c: {  	_ =	shalt  }
0x7d: {  	_ =	shalt  }
0x7e: {  	_ =	shalt  }
0x7f: {  	_ =	shalt  }
0x80: {  	_ =	shalt  }
0x81: {  	_ =	shalt  }
0x82: {  	_ =	shalt  }
0x83: {  	_ =	shalt  }
0x84: {  	_ =	shalt  }
0x85: {  	_ =	shalt  }
0x86: {  	_ =	shalt  }
0x87: {  	_ =	shalt  }
.Lfunc_end0:
.L_simem_size_0:
called_computation_lowered:
.L_overlay_start_0:
0x88: {  	s2 =	sld [smem:$0x3FD9]  }
0x89: {  	s3 =	sld [smem:$0x3FFE];
	_ =	sdelay $0x1  }
0x8a: {  	s1 =	srdreg.scid  }
0x8b: {  	s0 =	sand.u32 $0x1, s1  }
0x8c: {  	s18 =	sshll.u32 s0, $0xA;
	s2 =	sadd.s32 s3, s2  }
0x8d: {  	s2 =	sadd.s32 s2, s18  }
0x8e: {  	[smem:$0x3FC5] =	sst s2  }
0x8f: {  	_ = 	snop  }
0x90: {  	s2 =	sld [smem:$0x3FC9]  }
0x91: {  	s19 =	sld [smem:$0x3FC8]  }
0x92: {  	s4 =	sld [smem:$0x3FC7]  }
0x93: {  	s5 =	sld [smem:$0x3FD0];
	(tm) =	ssettm $0x1  }
0x94: {  	s6 =	sld [smem:$0x3FFB];
	_ =	sdelay $0x3  }
0x95: {  	_ =	strace s6  }
0x96: {  	s6 =	sld [smem:$0x3FFC];
	_ =	sdelay $0x3  }
0x97: {  	_ =	strace s6  }
0x98: {  	s6 =	sld [smem:$0x3FFD];
	_ =	sdelay $0x3  }
0x99: {  	_ =	strace s6  }
0x9a: {  	_ =	strace $0x8FFFFFFF  }
0x9b: {  	s20 =	sld [smem:$0x3FDB];
	_ =	sdelay $0x1  }
0x9c: {  	s7 =	simm.s32 $_scs_section_size  }
0x9d: {  	s8 =	simm.s32 $_size__tile_overlayer_lowered;
	s9 =	simm.s32 $_tile_overlayer_lowered  }
0x9e: {  	s23 =	simm.s32 $0x1BFF;
	s22 =	sshll.u32 s9, $0x1;
	s6 =	sadd.s32 s7, s20  }
0x9f: {  	s10 =	simm.s32 $0x0;
	s21 =	sshll.u32 s8, $0x1;
	s8 =	sadd.s32 s22, s6  }
0xa0: {  	[timem:s10], [sflag:s23] =	dma.local [hbm:s8], s21  }
0xa1: {  	_ =	swait.ge [sflag:s23], s21  }
0xa2: {  	s7 =	ssub.s32 $0x0, s21;
	[sflag:s23] =	ssyncset.done $0x0  }
0xa3: {  	[sflag:s23] =	ssyncadd.s32 s7;
	_ =	sdelay $0x1  }
0xa4: {  	s24 =	simm.s32 $0x1B8B  }
0xa5: {  	_ =	swait.ge [sflag:s24], $0x1  }
0xa6: {  	[sflag:s24] =	ssyncset.done $0x0  }
0xa7: {  	s25 =	simm.s32 $0x1B8E;
	[sflag:s24] =	ssyncadd.s32 $0xFFFFFFFF  }
0xa8: {  	s26 =	simm.s32 $execute0_lowered;
	[smem:$0x3FD2] =	sst s25  }
0xa9: {  	s7 =	sshll.u32 s26, $0x1;
	_ =	strace $0x80000046;
	[dreg:$0x1] =	wrdreg $0xFFFFFFFF  }
0xaa: {  	s28 =	simm.s32 $_size_execute0_lowered;
	s6 =	sadd.s32 s6, s7;
	[dreg:$0x0] =	wrdreg $0x0  }
0xab: {  	s7 =	sshll.u32 s28, $0x1;
	[dreg:$0x2] =	wrdreg s6  }
0xac: {  	[dreg:$0x3] =	wrdreg s7  }
0xad: {  	[dreg:$0x4] =	wrdreg $0xC0  }
0xae: {  	_ =	task [dreg:s10], $0x5FFFF  }
0xaf: {  	[dreg:$0x1] =	wrdreg $0xFFFFFFFF  }
0xb0: {  	[dreg:$0x0] =	wrdreg $0x60  }
0xb1: {  	[dreg:$0x2] =	wrdreg s19  }
0xb2: {  	[dreg:$0x3] =	wrdreg s2  }
0xb3: {  	[dreg:$0x4] =	wrdreg s4  }
0xb4: {  	[dreg:$0x5] =	wrdreg s5  }
0xb5: {  	[dreg:$0x6] =	wrdreg $0x9  }
0xb6: {  	_ =	task.clear_ibuf [dreg:s10], $0x7FFFF;
	_ =	strace $0x90000046  }
0xb7: {  	s29 =	simm.s32 $0x9;
	_ =	strace $0x80000048  }
0xb8: {  	_ =	swait.ge [sflag:s29], $0x1  }
0xb9: {  	[sflag:s29] =	ssyncadd.s32 $0xFFFFFFFF  }
0xba: {  	_ =	strace $0x90000048  }
0xbb: {  	_ =	sfence  }
0xbc: {  	s30 =	sld [smem:$0x0];
	_ =	sdelay $0x2  }
0xbd: {  	s31 =	sshll.u32 s1, $0xD;
	s1 =	sshrl.u32 s1, $0x2  }
0xbe: {  	s3 =	sand.u32 $0x4000, s31;
	s1 =	sadd.s32 s1, s30  }
0xbf: {  	s0 =	sor.u32 s3, s0;
	s1 =	sshll.u32 s1, $0x11  }
0xc0: {  	s0 =	sor.u32 s1, s0  }
0xc1: {  	s0 =	sadd.s32 $0x8F2B, s0  }
0xc2: {  	[sflag:s0] =	ssyncadd.remote.s32 $0x1  }
0xc3: {  	_ =	sfence.sel $0xFFFF  }
0xc4: {  	[dreg:$0x0] =	wrdreg $0xFFFFFFFF;
	(pc) =	sbr.abs _section_cstart, $3  }
0xc5: {  	[dreg:$0x1] =	wrdreg $0xFFFFFFFF  }
0xc6: {  	_ =	task.clear_ibuf [dreg:s10], $0x2FFFF;
	_ =	strace $0x9FFFFFFF  }
0xc7: {  	(tm) =	ssettm $0x7FFFFFFF  }
tec
execute0_lowered:
.L_overlay_start_1:
0x0: {  	(tag) =	ssettag $0x1  }
0x1: {  	s1 =	rddreg [dreg:$0x0]  }
0x2: {  	s0 =	rddreg [dreg:$0x1]  }
0x3: {  	s2 =	srdreg.scid;
	s3 =	stileid.u32  }
0x4: {  	s9 =	rddreg [dreg:$0x2];
	s20 =	simm.s32 $0x11080;
	s21 =	simm.s32 $0x1  }
0x5: {  	s22 =	simm.s32 $0x15080;
	s23 =	simm.s32 $0x16080;
	s24 =	simm.s32 $0x3  }
0x6: {  	s25 =	simm.s32 $0x4;
	s26 =	simm.s32 $0x2;
	s28 =	simm.s32 $0x0  }
0x7: {  	s2 =	sand.u32 $0x1, s2;
	s4 =	sshll.u32 s3, $0x1;
	s3 =	rddreg [dreg:$0x3]  }
0x8: {  	s10 =	sor.u32 s2, s4;
	s4 =	simm.s32 $0x0;
	s2 =	ssub.s32 $0x2, s2  }
0x9: {  	s13 =	sadd.s32 $0x70000, s3;
	s14 =	sadd.s32 $0x80000, s3;
	s15 =	sadd.s32 $0x90000, s3  }
0xa: {  	s8 =	smul.u32 $0x490, s10;
	[smem:$0x7FF] =	sst s4;
	s6 =	sshrl.u32 s2, $0x1  }
0xb: {  	p0 =	sgt.u32 s10, $0x2;
	s29 =	sshll.u32 s10, $0x2;
	_ =	strace $0x80000047  }
0xc: {  	s2 =	ssub.s32 s2, s6;
	s0 =	sadd.s32 s0, s29;
	s5 =	sshrl.u32 s8, $0x9  }
0xd: {  	s7 =	sshrl.u32 s8, $0x5;
	s8 =	sadd.s32 $0x490, s8;
	[dreg:$0x5] =	wrdreg s0  }
.Ltmp0:
0xe: {  	s11 =	sadd.s32 $0x4, s5;
	s6 =	smov.u32 s5;
	(pc) =	sbr.rel .LBB2_1-.Ltmp0, $4  }
0xf: {  	s31 =	smax.u32 s2, $0x1;
	s8 =	sshrl.u32 s8, $0x5;
	s6 =	smov.u32 @p0 s11  }
0x10: {  	[dreg:$0x7] =	wrdreg s31;
	s11 =	sshll.u32 s10, $0xB;
	s12 =	sshll.u32 s6, $0x6  }
0x11: {  	s16 =	ssub.s32 s8, s7;
	p0 =	sle.u32 s8, s7;
	s30 =	sadd.s32 s9, s12  }
0x12: {  	vm0 =	vmmov $0xff;
	v0 =	vlaneseq.u32;
	p1 =	slt.s32 s16, $0x1;
	s12 =	sadd.s32 $0x60000, s3;
	[dreg:$0x6] =	wrdreg s30  }
.LBB2_21:
0x13: {  	[sflag:s26] =	ssyncadd.s32 $0xFFFFC000  }
.LBB2_22:
0x14: {  	_ =	swait.ge [sflag:s24], $0x1000  }
0x15: {  	[sflag:s24] =	ssyncset.done $0x0  }
0x16: {  	[sflag:s24] =	ssyncadd.s32 $0xFFFFF000  }
0x17: {  	_ =	swait.ge [sflag:s25], $0x1000  }
0x18: {  	s28 =	sadd.s32 $0x1, s28;
	s0 =	rddreg [dreg:$0x7]  }
0x19: {  	p2 =	sne.s32 s28, s0  }
.Ltmp1:
0x1a: {  	_ = 	snop;
	(pc) =	sbr.rel @!p2 .LBB2_23-.Ltmp1, $3  }
0x1b: {  	_ =	sdelay $0x1  }
0x1c: {  	[sflag:s25] =	ssyncset.done $0x0  }
0x1d: {  	[sflag:s25] =	ssyncadd.s32 $0xFFFFF000  }
.LBB2_1:
0x1e: {  	s0 =	rddreg [dreg:$0x5]  }
0x1f: {  	[tilespmem:s4], [sflag:$0x5] =	stream.linear.gather [hbm4b:s0+s4], $0x20, $0x38;
	[tilespmem:$0x17080] =	vst v63  }
0x20: {  	s30 =	rddreg [dreg:$0x6];
	s2 =	simm.s32 $0x80;
	s31 =	simm.s32 $0x5  }
0x21: {  	[tilespmem:s2], [sflag:$0x5] =	stream.linear.gather [hbm4b:s30+s4], $0x1000, $0x38;
	[tilespmem:$0x17080] =	vst v63  }
0x22: {  	_ =	swait.ge [sflag:s31], $0x20  }
.Ltmp2:
0x23: {  	[sflag:s31] =	ssyncset.done $0x0;
	(pc) =	sbr.rel @!p0 .LBB2_2-.Ltmp2, $4  }
0x24: {  	[sflag:s31] =	ssyncadd.s32 $0xFFFFFFE0  }
0x25: {  	_ =	swait.ge [sflag:s31], $0x1000  }
0x26: {  	[sflag:s31] =	ssyncset.done $0x0  }
0x27: {  	s0 =	smov.u32 s7;
	[sflag:s31] =	ssyncadd.s32 $0xFFFFF000  }
.LBB2_8:
0x28: {  	s29 =	simm.s32 $0x0  }
.LBB2_9:
0x29: {  	s0 =	sshll.u32 s29, $0x3  }
0x2a: {  	s0 =	sand.u32 $0x3FFFFFF8, s0  }
0x2b: {  	v1 =	vld.msk [tilespmem:s0+$0x0], $0xff;
	_ =	sdelay $0x4  }
0x2c: {  	v1 =	vshll.u32 v1, $0xB  }
0x2d: {  	v1 =	vperm.xlane v1, v0;
	_ =	sdelay $0x5  }
0x2e: {  	[tilespmem:s20], [sflag:$0x1] =	stream.indirect_vreg.gather [hbm4b:s1+s4], $0x800, v1, vm0, $0x38;
	[tilespmem:$0x17080] =	vst v63  }
0x2f: {  	_ =	swait.ge [sflag:s21], $0x4000  }
0x30: {  	p2 =	seq.s32 s29, $0x0;
	[sflag:s21] =	ssyncset.done $0x0  }
0x31: {  	s0 =	simm.s32 @!p2 $0x3;
	[sflag:s21] =	ssyncadd.s32 $0xFFFFC000  }
0x32: {  	_ =	swait.ge @!p2 [sflag:s0], $0x1000  }
0x33: {  	[sflag:s0] =	ssyncset.done @!p2 $0x0  }
0x34: {  	s30 =	simm.s32 $0x11480;
	[sflag:s0] =	ssyncadd.s32 @!p2 $0xFFFFF000  }
0x35: {  	s31 =	simm.s32 $0x1100;
	s2 =	simm.s32 $0x1300;
	v1 =	vld [tilespmem:s30+$0xFFFFFC00]  }
.LBB2_10:
0x36: {  	p3 =	sne.s32 s2, $0x1F00;
	_ =	sdelay $0x2  }
0x37: {  	s0 =	sshra.s32 s31, $0x2;
	s31 =	smov.u32 s2  }
0x38: {  	[tilespmem:s0+$0x14C40] =	vst v1  }
0x39: {  	v1 =	vld [tilespmem:s30+$0xFFFFFC10];
	_ =	sdelay $0x4  }
0x3a: {  	[tilespmem:s0+$0x14C50] =	vst v1  }
0x3b: {  	v1 =	vld [tilespmem:s30+$0xFFFFFC20];
	_ =	sdelay $0x4  }
0x3c: {  	[tilespmem:s0+$0x14C60] =	vst v1  }
0x3d: {  	v1 =	vld [tilespmem:s30+$0xFFFFFC30];
	_ =	sdelay $0x4  }
0x3e: {  	[tilespmem:s0+$0x14C70] =	vst v1  }
0x3f: {  	v1 =	vld [tilespmem:s30+$0xFFFFFC40];
	_ =	sdelay $0x4  }
0x40: {  	[tilespmem:s0+$0x14C80] =	vst v1  }
0x41: {  	v1 =	vld [tilespmem:s30+$0xFFFFFC50];
	_ =	sdelay $0x4  }
0x42: {  	[tilespmem:s0+$0x14C90] =	vst v1  }
0x43: {  	v1 =	vld [tilespmem:s30+$0xFFFFFC60];
	_ =	sdelay $0x4  }
0x44: {  	[tilespmem:s0+$0x14CA0] =	vst v1  }
0x45: {  	v1 =	vld [tilespmem:s30+$0xFFFFFC70];
	_ =	sdelay $0x4  }
0x46: {  	[tilespmem:s0+$0x14CB0] =	vst v1  }
0x47: {  	v1 =	vld [tilespmem:s30+$0xFFFFFE00];
	_ =	sdelay $0x4  }
0x48: {  	[tilespmem:s0+$0x15040] =	vst v1  }
0x49: {  	v1 =	vld [tilespmem:s30+$0xFFFFFE10];
	_ =	sdelay $0x4  }
0x4a: {  	[tilespmem:s0+$0x15050] =	vst v1  }
0x4b: {  	v1 =	vld [tilespmem:s30+$0xFFFFFE20];
	_ =	sdelay $0x4  }
0x4c: {  	[tilespmem:s0+$0x15060] =	vst v1  }
0x4d: {  	v1 =	vld [tilespmem:s30+$0xFFFFFE30];
	_ =	sdelay $0x4  }
0x4e: {  	[tilespmem:s0+$0x15070] =	vst v1  }
0x4f: {  	v1 =	vld [tilespmem:s30+$0xFFFFFE40];
	_ =	sdelay $0x4  }
0x50: {  	[tilespmem:s0+$0x15080] =	vst v1  }
0x51: {  	v1 =	vld [tilespmem:s30+$0xFFFFFE50];
	_ =	sdelay $0x4  }
0x52: {  	[tilespmem:s0+$0x15090] =	vst v1  }
0x53: {  	v1 =	vld [tilespmem:s30+$0xFFFFFE60];
	_ =	sdelay $0x4  }
0x54: {  	[tilespmem:s0+$0x150A0] =	vst v1  }
0x55: {  	v1 =	vld [tilespmem:s30+$0xFFFFFE70];
	_ =	sdelay $0x4  }
0x56: {  	[tilespmem:s0+$0x150B0] =	vst v1  }
0x57: {  	v1 =	vld [tilespmem:s30+$0x0];
	_ =	sdelay $0x4  }
0x58: {  	[tilespmem:s0+$0x15440] =	vst v1  }
0x59: {  	v1 =	vld [tilespmem:s30+$0x10];
	_ =	sdelay $0x4  }
0x5a: {  	[tilespmem:s0+$0x15450] =	vst v1  }
0x5b: {  	v1 =	vld [tilespmem:s30+$0x20];
	_ =	sdelay $0x4  }
0x5c: {  	[tilespmem:s0+$0x15460] =	vst v1  }
0x5d: {  	v1 =	vld [tilespmem:s30+$0x30];
	_ =	sdelay $0x4  }
0x5e: {  	[tilespmem:s0+$0x15470] =	vst v1  }
0x5f: {  	v1 =	vld [tilespmem:s30+$0x40];
	_ =	sdelay $0x4  }
0x60: {  	[tilespmem:s0+$0x15480] =	vst v1  }
0x61: {  	v1 =	vld [tilespmem:s30+$0x50];
	_ =	sdelay $0x4  }
0x62: {  	[tilespmem:s0+$0x15490] =	vst v1  }
0x63: {  	v1 =	vld [tilespmem:s30+$0x60];
	_ =	sdelay $0x4  }
0x64: {  	[tilespmem:s0+$0x154A0] =	vst v1  }
0x65: {  	v1 =	vld [tilespmem:s30+$0x70];
	_ =	sdelay $0x4  }
0x66: {  	[tilespmem:s0+$0x154B0] =	vst v1  }
0x67: {  	v1 =	vld [tilespmem:s30+$0x200];
	_ =	sdelay $0x4  }
0x68: {  	[tilespmem:s0+$0x15840] =	vst v1  }
0x69: {  	v1 =	vld [tilespmem:s30+$0x210];
	_ =	sdelay $0x4  }
0x6a: {  	[tilespmem:s0+$0x15850] =	vst v1  }
0x6b: {  	v1 =	vld [tilespmem:s30+$0x220];
	_ =	sdelay $0x4  }
0x6c: {  	[tilespmem:s0+$0x15860] =	vst v1  }
0x6d: {  	v1 =	vld [tilespmem:s30+$0x230];
	_ =	sdelay $0x4  }
0x6e: {  	[tilespmem:s0+$0x15870] =	vst v1  }
0x6f: {  	v1 =	vld [tilespmem:s30+$0x240];
	_ =	sdelay $0x4  }
0x70: {  	[tilespmem:s0+$0x15880] =	vst v1  }
0x71: {  	v1 =	vld [tilespmem:s30+$0x250];
	_ =	sdelay $0x4  }
0x72: {  	[tilespmem:s0+$0x15890] =	vst v1  }
0x73: {  	v1 =	vld [tilespmem:s30+$0x260];
	_ =	sdelay $0x4  }
0x74: {  	[tilespmem:s0+$0x158A0] =	vst v1  }
0x75: {  	v1 =	vld [tilespmem:s30+$0x270];
	_ =	sdelay $0x1  }
.Ltmp3:
0x76: {  	(pc) =	sbr.rel @p3 .LBB2_10-.Ltmp3, $3  }
0x77: {  	_ =	sdelay $0x1  }
0x78: {  	s30 =	sadd.s32 $0x800, s30;
	[tilespmem:s0+$0x158B0] =	vst v1  }
0x79: {  	s2 =	sadd.s32 $0x200, s2;
	v1 =	vld [tilespmem:s30+$0xFFFFFC00]  }
0x7a: {  	_ =	sdelay $0x2  }
0x7b: {  	s0 =	sshra.s32 s31, $0x2  }
0x7c: {  	[tilespmem:s0+$0x14C40] =	vst v1  }
0x7d: {  	v1 =	vld [tilespmem:s30+$0xFFFFFC10];
	_ =	sdelay $0x4  }
0x7e: {  	[tilespmem:s0+$0x14C50] =	vst v1  }
0x7f: {  	v1 =	vld [tilespmem:s30+$0xFFFFFC20];
	_ =	sdelay $0x4  }
0x80: {  	[tilespmem:s0+$0x14C60] =	vst v1  }
0x81: {  	v1 =	vld [tilespmem:s30+$0xFFFFFC30];
	_ =	sdelay $0x4  }
0x82: {  	[tilespmem:s0+$0x14C70] =	vst v1  }
0x83: {  	v1 =	vld [tilespmem:s30+$0xFFFFFC40];
	_ =	sdelay $0x4  }
0x84: {  	[tilespmem:s0+$0x14C80] =	vst v1  }
0x85: {  	v1 =	vld [tilespmem:s30+$0xFFFFFC50];
	_ =	sdelay $0x4  }
0x86: {  	[tilespmem:s0+$0x14C90] =	vst v1  }
0x87: {  	v1 =	vld [tilespmem:s30+$0xFFFFFC60];
	_ =	sdelay $0x4  }
0x88: {  	[tilespmem:s0+$0x14CA0] =	vst v1  }
0x89: {  	v1 =	vld [tilespmem:s30+$0xFFFFFC70];
	_ =	sdelay $0x4  }
0x8a: {  	[tilespmem:s0+$0x14CB0] =	vst v1  }
0x8b: {  	v1 =	vld [tilespmem:s30+$0xFFFFFE00];
	_ =	sdelay $0x4  }
0x8c: {  	[tilespmem:s0+$0x15040] =	vst v1  }
0x8d: {  	v1 =	vld [tilespmem:s30+$0xFFFFFE10];
	_ =	sdelay $0x4  }
0x8e: {  	[tilespmem:s0+$0x15050] =	vst v1  }
0x8f: {  	v1 =	vld [tilespmem:s30+$0xFFFFFE20];
	_ =	sdelay $0x4  }
0x90: {  	[tilespmem:s0+$0x15060] =	vst v1  }
0x91: {  	v1 =	vld [tilespmem:s30+$0xFFFFFE30];
	_ =	sdelay $0x4  }
0x92: {  	[tilespmem:s0+$0x15070] =	vst v1  }
0x93: {  	v1 =	vld [tilespmem:s30+$0xFFFFFE40];
	_ =	sdelay $0x4  }
0x94: {  	[tilespmem:s0+$0x15080] =	vst v1  }
0x95: {  	v1 =	vld [tilespmem:s30+$0xFFFFFE50];
	_ =	sdelay $0x4  }
0x96: {  	[tilespmem:s0+$0x15090] =	vst v1  }
0x97: {  	v1 =	vld [tilespmem:s30+$0xFFFFFE60];
	_ =	sdelay $0x4  }
0x98: {  	[tilespmem:s0+$0x150A0] =	vst v1  }
0x99: {  	v1 =	vld [tilespmem:s30+$0xFFFFFE70];
	_ =	sdelay $0x4  }
0x9a: {  	[tilespmem:s0+$0x150B0] =	vst v1  }
0x9b: {  	v1 =	vld [tilespmem:s30+$0x0];
	_ =	sdelay $0x4  }
0x9c: {  	[tilespmem:s0+$0x15440] =	vst v1  }
0x9d: {  	v1 =	vld [tilespmem:s30+$0x10];
	_ =	sdelay $0x4  }
0x9e: {  	[tilespmem:s0+$0x15450] =	vst v1  }
0x9f: {  	v1 =	vld [tilespmem:s30+$0x20];
	_ =	sdelay $0x4  }
0xa0: {  	[tilespmem:s0+$0x15460] =	vst v1  }
0xa1: {  	v1 =	vld [tilespmem:s30+$0x30];
	_ =	sdelay $0x4  }
0xa2: {  	[tilespmem:s0+$0x15470] =	vst v1  }
0xa3: {  	v1 =	vld [tilespmem:s30+$0x40];
	_ =	sdelay $0x4  }
0xa4: {  	[tilespmem:s0+$0x15480] =	vst v1  }
0xa5: {  	v1 =	vld [tilespmem:s30+$0x50];
	_ =	sdelay $0x4  }
0xa6: {  	[tilespmem:s0+$0x15490] =	vst v1  }
0xa7: {  	v1 =	vld [tilespmem:s30+$0x60];
	_ =	sdelay $0x4  }
0xa8: {  	[tilespmem:s0+$0x154A0] =	vst v1  }
0xa9: {  	v1 =	vld [tilespmem:s30+$0x70];
	_ =	sdelay $0x4  }
0xaa: {  	[tilespmem:s0+$0x154B0] =	vst v1  }
0xab: {  	v1 =	vld [tilespmem:s30+$0x200];
	_ =	sdelay $0x4  }
0xac: {  	[tilespmem:s0+$0x15840] =	vst v1  }
0xad: {  	v1 =	vld [tilespmem:s30+$0x210];
	_ =	sdelay $0x4  }
0xae: {  	[tilespmem:s0+$0x15850] =	vst v1  }
0xaf: {  	v1 =	vld [tilespmem:s30+$0x220];
	_ =	sdelay $0x4  }
0xb0: {  	[tilespmem:s0+$0x15860] =	vst v1  }
0xb1: {  	v1 =	vld [tilespmem:s30+$0x230];
	_ =	sdelay $0x4  }
0xb2: {  	[tilespmem:s0+$0x15870] =	vst v1  }
0xb3: {  	v1 =	vld [tilespmem:s30+$0x240];
	_ =	sdelay $0x4  }
0xb4: {  	[tilespmem:s0+$0x15880] =	vst v1  }
0xb5: {  	v1 =	vld [tilespmem:s30+$0x250];
	_ =	sdelay $0x4  }
0xb6: {  	[tilespmem:s0+$0x15890] =	vst v1  }
0xb7: {  	v1 =	vld [tilespmem:s30+$0x260];
	_ =	sdelay $0x4  }
0xb8: {  	[tilespmem:s0+$0x158A0] =	vst v1  }
0xb9: {  	v1 =	vld [tilespmem:s30+$0x270];
	_ =	sdelay $0x2  }
0xba: {  	s2 =	sshll.u32 s29, $0x9  }
0xbb: {  	s30 =	sadd.s32 s11, s2  }
0xbc: {  	s19 =	sadd.s32 s30, s12;
	[tilespmem:s0+$0x158B0] =	vst v1;
	s0 =	simm.s32 @!p2 $0x4  }
0xbd: {  	[hbm4b:s19+s4] =	stream.linear.scatter [tilespmem:s22], [sflag:$0x3], $0x1000, $0x38;
	[tilespmem:$0x17080] =	vst v63  }
0xbe: {  	_ =	swait.ge @!p2 [sflag:s0], $0x1000  }
0xbf: {  	[sflag:s0] =	ssyncset.done @!p2 $0x0  }
0xc0: {  	s31 =	simm.s32 $0x11500;
	[sflag:s0] =	ssyncadd.s32 @!p2 $0xFFFFF000  }
0xc1: {  	s2 =	simm.s32 $0x1100;
	s0 =	simm.s32 $0x1300;
	v1 =	vld [tilespmem:s31+$0xFFFFFC00]  }
.LBB2_12:
0xc2: {  	p2 =	sne.s32 s0, $0x1F00;
	_ =	sdelay $0x2  }
0xc3: {  	s18 =	sshra.s32 s2, $0x2;
	s2 =	smov.u32 s0  }
0xc4: {  	[tilespmem:s18+$0x15C40] =	vst v1  }
0xc5: {  	v1 =	vld [tilespmem:s31+$0xFFFFFC10];
	_ =	sdelay $0x4  }
0xc6: {  	[tilespmem:s18+$0x15C50] =	vst v1  }
0xc7: {  	v1 =	vld [tilespmem:s31+$0xFFFFFC20];
	_ =	sdelay $0x4  }
0xc8: {  	[tilespmem:s18+$0x15C60] =	vst v1  }
0xc9: {  	v1 =	vld [tilespmem:s31+$0xFFFFFC30];
	_ =	sdelay $0x4  }
0xca: {  	[tilespmem:s18+$0x15C70] =	vst v1  }
0xcb: {  	v1 =	vld [tilespmem:s31+$0xFFFFFC40];
	_ =	sdelay $0x4  }
0xcc: {  	[tilespmem:s18+$0x15C80] =	vst v1  }
0xcd: {  	v1 =	vld [tilespmem:s31+$0xFFFFFC50];
	_ =	sdelay $0x4  }
0xce: {  	[tilespmem:s18+$0x15C90] =	vst v1  }
0xcf: {  	v1 =	vld [tilespmem:s31+$0xFFFFFC60];
	_ =	sdelay $0x4  }
0xd0: {  	[tilespmem:s18+$0x15CA0] =	vst v1  }
0xd1: {  	v1 =	vld [tilespmem:s31+$0xFFFFFC70];
	_ =	sdelay $0x4  }
0xd2: {  	[tilespmem:s18+$0x15CB0] =	vst v1  }
0xd3: {  	v1 =	vld [tilespmem:s31+$0xFFFFFE00];
	_ =	sdelay $0x4  }
0xd4: {  	[tilespmem:s18+$0x16040] =	vst v1  }
0xd5: {  	v1 =	vld [tilespmem:s31+$0xFFFFFE10];
	_ =	sdelay $0x4  }
0xd6: {  	[tilespmem:s18+$0x16050] =	vst v1  }
0xd7: {  	v1 =	vld [tilespmem:s31+$0xFFFFFE20];
	_ =	sdelay $0x4  }
0xd8: {  	[tilespmem:s18+$0x16060] =	vst v1  }
0xd9: {  	v1 =	vld [tilespmem:s31+$0xFFFFFE30];
	_ =	sdelay $0x4  }
0xda: {  	[tilespmem:s18+$0x16070] =	vst v1  }
0xdb: {  	v1 =	vld [tilespmem:s31+$0xFFFFFE40];
	_ =	sdelay $0x4  }
0xdc: {  	[tilespmem:s18+$0x16080] =	vst v1  }
0xdd: {  	v1 =	vld [tilespmem:s31+$0xFFFFFE50];
	_ =	sdelay $0x4  }
0xde: {  	[tilespmem:s18+$0x16090] =	vst v1  }
0xdf: {  	v1 =	vld [tilespmem:s31+$0xFFFFFE60];
	_ =	sdelay $0x4  }
0xe0: {  	[tilespmem:s18+$0x160A0] =	vst v1  }
0xe1: {  	v1 =	vld [tilespmem:s31+$0xFFFFFE70];
	_ =	sdelay $0x4  }
0xe2: {  	[tilespmem:s18+$0x160B0] =	vst v1  }
0xe3: {  	v1 =	vld [tilespmem:s31+$0x0];
	_ =	sdelay $0x4  }
0xe4: {  	[tilespmem:s18+$0x16440] =	vst v1  }
0xe5: {  	v1 =	vld [tilespmem:s31+$0x10];
	_ =	sdelay $0x4  }
0xe6: {  	[tilespmem:s18+$0x16450] =	vst v1  }
0xe7: {  	v1 =	vld [tilespmem:s31+$0x20];
	_ =	sdelay $0x4  }
0xe8: {  	[tilespmem:s18+$0x16460] =	vst v1  }
0xe9: {  	v1 =	vld [tilespmem:s31+$0x30];
	_ =	sdelay $0x4  }
0xea: {  	[tilespmem:s18+$0x16470] =	vst v1  }
0xeb: {  	v1 =	vld [tilespmem:s31+$0x40];
	_ =	sdelay $0x4  }
0xec: {  	[tilespmem:s18+$0x16480] =	vst v1  }
0xed: {  	v1 =	vld [tilespmem:s31+$0x50];
	_ =	sdelay $0x4  }
0xee: {  	[tilespmem:s18+$0x16490] =	vst v1  }
0xef: {  	v1 =	vld [tilespmem:s31+$0x60];
	_ =	sdelay $0x4  }
0xf0: {  	[tilespmem:s18+$0x164A0] =	vst v1  }
0xf1: {  	v1 =	vld [tilespmem:s31+$0x70];
	_ =	sdelay $0x4  }
0xf2: {  	[tilespmem:s18+$0x164B0] =	vst v1  }
0xf3: {  	v1 =	vld [tilespmem:s31+$0x200];
	_ =	sdelay $0x4  }
0xf4: {  	[tilespmem:s18+$0x16840] =	vst v1  }
0xf5: {  	v1 =	vld [tilespmem:s31+$0x210];
	_ =	sdelay $0x4  }
0xf6: {  	[tilespmem:s18+$0x16850] =	vst v1  }
0xf7: {  	v1 =	vld [tilespmem:s31+$0x220];
	_ =	sdelay $0x4  }
0xf8: {  	[tilespmem:s18+$0x16860] =	vst v1  }
0xf9: {  	v1 =	vld [tilespmem:s31+$0x230];
	_ =	sdelay $0x4  }
0xfa: {  	[tilespmem:s18+$0x16870] =	vst v1  }
0xfb: {  	v1 =	vld [tilespmem:s31+$0x240];
	_ =	sdelay $0x4  }
0xfc: {  	[tilespmem:s18+$0x16880] =	vst v1  }
0xfd: {  	v1 =	vld [tilespmem:s31+$0x250];
	_ =	sdelay $0x4  }
0xfe: {  	[tilespmem:s18+$0x16890] =	vst v1  }
0xff: {  	v1 =	vld [tilespmem:s31+$0x260];
	_ =	sdelay $0x4  }
0x100: {  	[tilespmem:s18+$0x168A0] =	vst v1  }
0x101: {  	v1 =	vld [tilespmem:s31+$0x270];
	_ =	sdelay $0x1  }
.Ltmp4:
0x102: {  	(pc) =	sbr.rel @p2 .LBB2_12-.Ltmp4, $3  }
0x103: {  	_ =	sdelay $0x1  }
0x104: {  	s31 =	sadd.s32 $0x800, s31;
	[tilespmem:s18+$0x168B0] =	vst v1  }
0x105: {  	s0 =	sadd.s32 $0x200, s0;
	v1 =	vld [tilespmem:s31+$0xFFFFFC00]  }
0x106: {  	_ =	sdelay $0x2  }
0x107: {  	s0 =	sshra.s32 s2, $0x2  }
0x108: {  	[tilespmem:s0+$0x15C40] =	vst v1  }
0x109: {  	v1 =	vld [tilespmem:s31+$0xFFFFFC10];
	_ =	sdelay $0x4  }
0x10a: {  	[tilespmem:s0+$0x15C50] =	vst v1  }
0x10b: {  	v1 =	vld [tilespmem:s31+$0xFFFFFC20];
	_ =	sdelay $0x4  }
0x10c: {  	[tilespmem:s0+$0x15C60] =	vst v1  }
0x10d: {  	v1 =	vld [tilespmem:s31+$0xFFFFFC30];
	_ =	sdelay $0x4  }
0x10e: {  	[tilespmem:s0+$0x15C70] =	vst v1  }
0x10f: {  	v1 =	vld [tilespmem:s31+$0xFFFFFC40];
	_ =	sdelay $0x4  }
0x110: {  	[tilespmem:s0+$0x15C80] =	vst v1  }
0x111: {  	v1 =	vld [tilespmem:s31+$0xFFFFFC50];
	_ =	sdelay $0x4  }
0x112: {  	[tilespmem:s0+$0x15C90] =	vst v1  }
0x113: {  	v1 =	vld [tilespmem:s31+$0xFFFFFC60];
	_ =	sdelay $0x4  }
0x114: {  	[tilespmem:s0+$0x15CA0] =	vst v1  }
0x115: {  	v1 =	vld [tilespmem:s31+$0xFFFFFC70];
	_ =	sdelay $0x4  }
0x116: {  	[tilespmem:s0+$0x15CB0] =	vst v1  }
0x117: {  	v1 =	vld [tilespmem:s31+$0xFFFFFE00];
	_ =	sdelay $0x4  }
0x118: {  	[tilespmem:s0+$0x16040] =	vst v1  }
0x119: {  	v1 =	vld [tilespmem:s31+$0xFFFFFE10];
	_ =	sdelay $0x4  }
0x11a: {  	[tilespmem:s0+$0x16050] =	vst v1  }
0x11b: {  	v1 =	vld [tilespmem:s31+$0xFFFFFE20];
	_ =	sdelay $0x4  }
0x11c: {  	[tilespmem:s0+$0x16060] =	vst v1  }
0x11d: {  	v1 =	vld [tilespmem:s31+$0xFFFFFE30];
	_ =	sdelay $0x4  }
0x11e: {  	[tilespmem:s0+$0x16070] =	vst v1  }
0x11f: {  	v1 =	vld [tilespmem:s31+$0xFFFFFE40];
	_ =	sdelay $0x4  }
0x120: {  	[tilespmem:s0+$0x16080] =	vst v1  }
0x121: {  	v1 =	vld [tilespmem:s31+$0xFFFFFE50];
	_ =	sdelay $0x4  }
0x122: {  	[tilespmem:s0+$0x16090] =	vst v1  }
0x123: {  	v1 =	vld [tilespmem:s31+$0xFFFFFE60];
	_ =	sdelay $0x4  }
0x124: {  	[tilespmem:s0+$0x160A0] =	vst v1  }
0x125: {  	v1 =	vld [tilespmem:s31+$0xFFFFFE70];
	_ =	sdelay $0x4  }
0x126: {  	[tilespmem:s0+$0x160B0] =	vst v1  }
0x127: {  	v1 =	vld [tilespmem:s31+$0x0];
	_ =	sdelay $0x4  }
0x128: {  	[tilespmem:s0+$0x16440] =	vst v1  }
0x129: {  	v1 =	vld [tilespmem:s31+$0x10];
	_ =	sdelay $0x4  }
0x12a: {  	[tilespmem:s0+$0x16450] =	vst v1  }
0x12b: {  	v1 =	vld [tilespmem:s31+$0x20];
	_ =	sdelay $0x4  }
0x12c: {  	[tilespmem:s0+$0x16460] =	vst v1  }
0x12d: {  	v1 =	vld [tilespmem:s31+$0x30];
	_ =	sdelay $0x4  }
0x12e: {  	[tilespmem:s0+$0x16470] =	vst v1  }
0x12f: {  	v1 =	vld [tilespmem:s31+$0x40];
	_ =	sdelay $0x4  }
0x130: {  	[tilespmem:s0+$0x16480] =	vst v1  }
0x131: {  	v1 =	vld [tilespmem:s31+$0x50];
	_ =	sdelay $0x4  }
0x132: {  	[tilespmem:s0+$0x16490] =	vst v1  }
0x133: {  	v1 =	vld [tilespmem:s31+$0x60];
	_ =	sdelay $0x4  }
0x134: {  	[tilespmem:s0+$0x164A0] =	vst v1  }
0x135: {  	v1 =	vld [tilespmem:s31+$0x70];
	_ =	sdelay $0x4  }
0x136: {  	[tilespmem:s0+$0x164B0] =	vst v1  }
0x137: {  	v1 =	vld [tilespmem:s31+$0x200];
	_ =	sdelay $0x4  }
0x138: {  	[tilespmem:s0+$0x16840] =	vst v1  }
0x139: {  	v1 =	vld [tilespmem:s31+$0x210];
	_ =	sdelay $0x4  }
0x13a: {  	[tilespmem:s0+$0x16850] =	vst v1  }
0x13b: {  	v1 =	vld [tilespmem:s31+$0x220];
	_ =	sdelay $0x4  }
0x13c: {  	[tilespmem:s0+$0x16860] =	vst v1  }
0x13d: {  	v1 =	vld [tilespmem:s31+$0x230];
	_ =	sdelay $0x4  }
0x13e: {  	[tilespmem:s0+$0x16870] =	vst v1  }
0x13f: {  	v1 =	vld [tilespmem:s31+$0x240];
	_ =	sdelay $0x4  }
0x140: {  	[tilespmem:s0+$0x16880] =	vst v1  }
0x141: {  	v1 =	vld [tilespmem:s31+$0x250];
	_ =	sdelay $0x4  }
0x142: {  	[tilespmem:s0+$0x16890] =	vst v1  }
0x143: {  	v1 =	vld [tilespmem:s31+$0x260];
	_ =	sdelay $0x4  }
0x144: {  	[tilespmem:s0+$0x168A0] =	vst v1  }
0x145: {  	v1 =	vld [tilespmem:s31+$0x270];
	_ =	sdelay $0x4  }
0x146: {  	s19 =	sadd.s32 s30, s13;
	[tilespmem:s0+$0x168B0] =	vst v1  }
0x147: {  	[hbm4b:s19+s4] =	stream.linear.scatter [tilespmem:s23], [sflag:$0x4], $0x1000, $0x38;
	[tilespmem:$0x17080] =	vst v63  }
0x148: {  	_ =	swait.ge [sflag:s24], $0x1000  }
0x149: {  	[sflag:s24] =	ssyncset.done $0x0  }
0x14a: {  	s31 =	simm.s32 $0x11580;
	[sflag:s24] =	ssyncadd.s32 $0xFFFFF000  }
0x14b: {  	s2 =	simm.s32 $0x1100;
	s0 =	simm.s32 $0x1300;
	v1 =	vld [tilespmem:s31+$0xFFFFFC00]  }
.LBB2_14:
0x14c: {  	p2 =	sne.s32 s0, $0x1F00;
	_ =	sdelay $0x2  }
0x14d: {  	s18 =	sshra.s32 s2, $0x2;
	s2 =	smov.u32 s0  }
0x14e: {  	[tilespmem:s18+$0x14C40] =	vst v1  }
0x14f: {  	v1 =	vld [tilespmem:s31+$0xFFFFFC10];
	_ =	sdelay $0x4  }
0x150: {  	[tilespmem:s18+$0x14C50] =	vst v1  }
0x151: {  	v1 =	vld [tilespmem:s31+$0xFFFFFC20];
	_ =	sdelay $0x4  }
0x152: {  	[tilespmem:s18+$0x14C60] =	vst v1  }
0x153: {  	v1 =	vld [tilespmem:s31+$0xFFFFFC30];
	_ =	sdelay $0x4  }
0x154: {  	[tilespmem:s18+$0x14C70] =	vst v1  }
0x155: {  	v1 =	vld [tilespmem:s31+$0xFFFFFC40];
	_ =	sdelay $0x4  }
0x156: {  	[tilespmem:s18+$0x14C80] =	vst v1  }
0x157: {  	v1 =	vld [tilespmem:s31+$0xFFFFFC50];
	_ =	sdelay $0x4  }
0x158: {  	[tilespmem:s18+$0x14C90] =	vst v1  }
0x159: {  	v1 =	vld [tilespmem:s31+$0xFFFFFC60];
	_ =	sdelay $0x4  }
0x15a: {  	[tilespmem:s18+$0x14CA0] =	vst v1  }
0x15b: {  	v1 =	vld [tilespmem:s31+$0xFFFFFC70];
	_ =	sdelay $0x4  }
0x15c: {  	[tilespmem:s18+$0x14CB0] =	vst v1  }
0x15d: {  	v1 =	vld [tilespmem:s31+$0xFFFFFE00];
	_ =	sdelay $0x4  }
0x15e: {  	[tilespmem:s18+$0x15040] =	vst v1  }
0x15f: {  	v1 =	vld [tilespmem:s31+$0xFFFFFE10];
	_ =	sdelay $0x4  }
0x160: {  	[tilespmem:s18+$0x15050] =	vst v1  }
0x161: {  	v1 =	vld [tilespmem:s31+$0xFFFFFE20];
	_ =	sdelay $0x4  }
0x162: {  	[tilespmem:s18+$0x15060] =	vst v1  }
0x163: {  	v1 =	vld [tilespmem:s31+$0xFFFFFE30];
	_ =	sdelay $0x4  }
0x164: {  	[tilespmem:s18+$0x15070] =	vst v1  }
0x165: {  	v1 =	vld [tilespmem:s31+$0xFFFFFE40];
	_ =	sdelay $0x4  }
0x166: {  	[tilespmem:s18+$0x15080] =	vst v1  }
0x167: {  	v1 =	vld [tilespmem:s31+$0xFFFFFE50];
	_ =	sdelay $0x4  }
0x168: {  	[tilespmem:s18+$0x15090] =	vst v1  }
0x169: {  	v1 =	vld [tilespmem:s31+$0xFFFFFE60];
	_ =	sdelay $0x4  }
0x16a: {  	[tilespmem:s18+$0x150A0] =	vst v1  }
0x16b: {  	v1 =	vld [tilespmem:s31+$0xFFFFFE70];
	_ =	sdelay $0x4  }
0x16c: {  	[tilespmem:s18+$0x150B0] =	vst v1  }
0x16d: {  	v1 =	vld [tilespmem:s31+$0x0];
	_ =	sdelay $0x4  }
0x16e: {  	[tilespmem:s18+$0x15440] =	vst v1  }
0x16f: {  	v1 =	vld [tilespmem:s31+$0x10];
	_ =	sdelay $0x4  }
0x170: {  	[tilespmem:s18+$0x15450] =	vst v1  }
0x171: {  	v1 =	vld [tilespmem:s31+$0x20];
	_ =	sdelay $0x4  }
0x172: {  	[tilespmem:s18+$0x15460] =	vst v1  }
0x173: {  	v1 =	vld [tilespmem:s31+$0x30];
	_ =	sdelay $0x4  }
0x174: {  	[tilespmem:s18+$0x15470] =	vst v1  }
0x175: {  	v1 =	vld [tilespmem:s31+$0x40];
	_ =	sdelay $0x4  }
0x176: {  	[tilespmem:s18+$0x15480] =	vst v1  }
0x177: {  	v1 =	vld [tilespmem:s31+$0x50];
	_ =	sdelay $0x4  }
0x178: {  	[tilespmem:s18+$0x15490] =	vst v1  }
0x179: {  	v1 =	vld [tilespmem:s31+$0x60];
	_ =	sdelay $0x4  }
0x17a: {  	[tilespmem:s18+$0x154A0] =	vst v1  }
0x17b: {  	v1 =	vld [tilespmem:s31+$0x70];
	_ =	sdelay $0x4  }
0x17c: {  	[tilespmem:s18+$0x154B0] =	vst v1  }
0x17d: {  	v1 =	vld [tilespmem:s31+$0x200];
	_ =	sdelay $0x4  }
0x17e: {  	[tilespmem:s18+$0x15840] =	vst v1  }
0x17f: {  	v1 =	vld [tilespmem:s31+$0x210];
	_ =	sdelay $0x4  }
0x180: {  	[tilespmem:s18+$0x15850] =	vst v1  }
0x181: {  	v1 =	vld [tilespmem:s31+$0x220];
	_ =	sdelay $0x4  }
0x182: {  	[tilespmem:s18+$0x15860] =	vst v1  }
0x183: {  	v1 =	vld [tilespmem:s31+$0x230];
	_ =	sdelay $0x4  }
0x184: {  	[tilespmem:s18+$0x15870] =	vst v1  }
0x185: {  	v1 =	vld [tilespmem:s31+$0x240];
	_ =	sdelay $0x4  }
0x186: {  	[tilespmem:s18+$0x15880] =	vst v1  }
0x187: {  	v1 =	vld [tilespmem:s31+$0x250];
	_ =	sdelay $0x4  }
0x188: {  	[tilespmem:s18+$0x15890] =	vst v1  }
0x189: {  	v1 =	vld [tilespmem:s31+$0x260];
	_ =	sdelay $0x4  }
0x18a: {  	[tilespmem:s18+$0x158A0] =	vst v1  }
0x18b: {  	v1 =	vld [tilespmem:s31+$0x270];
	_ =	sdelay $0x1  }
.Ltmp5:
0x18c: {  	(pc) =	sbr.rel @p2 .LBB2_14-.Ltmp5, $3  }
0x18d: {  	_ =	sdelay $0x1  }
0x18e: {  	s31 =	sadd.s32 $0x800, s31;
	[tilespmem:s18+$0x158B0] =	vst v1  }
0x18f: {  	s0 =	sadd.s32 $0x200, s0;
	v1 =	vld [tilespmem:s31+$0xFFFFFC00]  }
0x190: {  	_ =	sdelay $0x2  }
0x191: {  	s0 =	sshra.s32 s2, $0x2  }
0x192: {  	[tilespmem:s0+$0x14C40] =	vst v1  }
0x193: {  	v1 =	vld [tilespmem:s31+$0xFFFFFC10];
	_ =	sdelay $0x4  }
0x194: {  	[tilespmem:s0+$0x14C50] =	vst v1  }
0x195: {  	v1 =	vld [tilespmem:s31+$0xFFFFFC20];
	_ =	sdelay $0x4  }
0x196: {  	[tilespmem:s0+$0x14C60] =	vst v1  }
0x197: {  	v1 =	vld [tilespmem:s31+$0xFFFFFC30];
	_ =	sdelay $0x4  }
0x198: {  	[tilespmem:s0+$0x14C70] =	vst v1  }
0x199: {  	v1 =	vld [tilespmem:s31+$0xFFFFFC40];
	_ =	sdelay $0x4  }
0x19a: {  	[tilespmem:s0+$0x14C80] =	vst v1  }
0x19b: {  	v1 =	vld [tilespmem:s31+$0xFFFFFC50];
	_ =	sdelay $0x4  }
0x19c: {  	[tilespmem:s0+$0x14C90] =	vst v1  }
0x19d: {  	v1 =	vld [tilespmem:s31+$0xFFFFFC60];
	_ =	sdelay $0x4  }
0x19e: {  	[tilespmem:s0+$0x14CA0] =	vst v1  }
0x19f: {  	v1 =	vld [tilespmem:s31+$0xFFFFFC70];
	_ =	sdelay $0x4  }
0x1a0: {  	[tilespmem:s0+$0x14CB0] =	vst v1  }
0x1a1: {  	v1 =	vld [tilespmem:s31+$0xFFFFFE00];
	_ =	sdelay $0x4  }
0x1a2: {  	[tilespmem:s0+$0x15040] =	vst v1  }
0x1a3: {  	v1 =	vld [tilespmem:s31+$0xFFFFFE10];
	_ =	sdelay $0x4  }
0x1a4: {  	[tilespmem:s0+$0x15050] =	vst v1  }
0x1a5: {  	v1 =	vld [tilespmem:s31+$0xFFFFFE20];
	_ =	sdelay $0x4  }
0x1a6: {  	[tilespmem:s0+$0x15060] =	vst v1  }
0x1a7: {  	v1 =	vld [tilespmem:s31+$0xFFFFFE30];
	_ =	sdelay $0x4  }
0x1a8: {  	[tilespmem:s0+$0x15070] =	vst v1  }
0x1a9: {  	v1 =	vld [tilespmem:s31+$0xFFFFFE40];
	_ =	sdelay $0x4  }
0x1aa: {  	[tilespmem:s0+$0x15080] =	vst v1  }
0x1ab: {  	v1 =	vld [tilespmem:s31+$0xFFFFFE50];
	_ =	sdelay $0x4  }
0x1ac: {  	[tilespmem:s0+$0x15090] =	vst v1  }
0x1ad: {  	v1 =	vld [tilespmem:s31+$0xFFFFFE60];
	_ =	sdelay $0x4  }
0x1ae: {  	[tilespmem:s0+$0x150A0] =	vst v1  }
0x1af: {  	v1 =	vld [tilespmem:s31+$0xFFFFFE70];
	_ =	sdelay $0x4  }
0x1b0: {  	[tilespmem:s0+$0x150B0] =	vst v1  }
0x1b1: {  	v1 =	vld [tilespmem:s31+$0x0];
	_ =	sdelay $0x4  }
0x1b2: {  	[tilespmem:s0+$0x15440] =	vst v1  }
0x1b3: {  	v1 =	vld [tilespmem:s31+$0x10];
	_ =	sdelay $0x4  }
0x1b4: {  	[tilespmem:s0+$0x15450] =	vst v1  }
0x1b5: {  	v1 =	vld [tilespmem:s31+$0x20];
	_ =	sdelay $0x4  }
0x1b6: {  	[tilespmem:s0+$0x15460] =	vst v1  }
0x1b7: {  	v1 =	vld [tilespmem:s31+$0x30];
	_ =	sdelay $0x4  }
0x1b8: {  	[tilespmem:s0+$0x15470] =	vst v1  }
0x1b9: {  	v1 =	vld [tilespmem:s31+$0x40];
	_ =	sdelay $0x4  }
0x1ba: {  	[tilespmem:s0+$0x15480] =	vst v1  }
0x1bb: {  	v1 =	vld [tilespmem:s31+$0x50];
	_ =	sdelay $0x4  }
0x1bc: {  	[tilespmem:s0+$0x15490] =	vst v1  }
0x1bd: {  	v1 =	vld [tilespmem:s31+$0x60];
	_ =	sdelay $0x4  }
0x1be: {  	[tilespmem:s0+$0x154A0] =	vst v1  }
0x1bf: {  	v1 =	vld [tilespmem:s31+$0x70];
	_ =	sdelay $0x4  }
0x1c0: {  	[tilespmem:s0+$0x154B0] =	vst v1  }
0x1c1: {  	v1 =	vld [tilespmem:s31+$0x200];
	_ =	sdelay $0x4  }
0x1c2: {  	[tilespmem:s0+$0x15840] =	vst v1  }
0x1c3: {  	v1 =	vld [tilespmem:s31+$0x210];
	_ =	sdelay $0x4  }
0x1c4: {  	[tilespmem:s0+$0x15850] =	vst v1  }
0x1c5: {  	v1 =	vld [tilespmem:s31+$0x220];
	_ =	sdelay $0x4  }
0x1c6: {  	[tilespmem:s0+$0x15860] =	vst v1  }
0x1c7: {  	v1 =	vld [tilespmem:s31+$0x230];
	_ =	sdelay $0x4  }
0x1c8: {  	[tilespmem:s0+$0x15870] =	vst v1  }
0x1c9: {  	v1 =	vld [tilespmem:s31+$0x240];
	_ =	sdelay $0x4  }
0x1ca: {  	[tilespmem:s0+$0x15880] =	vst v1  }
0x1cb: {  	v1 =	vld [tilespmem:s31+$0x250];
	_ =	sdelay $0x4  }
0x1cc: {  	[tilespmem:s0+$0x15890] =	vst v1  }
0x1cd: {  	v1 =	vld [tilespmem:s31+$0x260];
	_ =	sdelay $0x4  }
0x1ce: {  	[tilespmem:s0+$0x158A0] =	vst v1  }
0x1cf: {  	v1 =	vld [tilespmem:s31+$0x270];
	_ =	sdelay $0x4  }
0x1d0: {  	s19 =	sadd.s32 s30, s14;
	[tilespmem:s0+$0x158B0] =	vst v1  }
0x1d1: {  	[hbm4b:s19+s4] =	stream.linear.scatter [tilespmem:s22], [sflag:$0x3], $0x1000, $0x38;
	[tilespmem:$0x17080] =	vst v63  }
0x1d2: {  	_ =	swait.ge [sflag:s25], $0x1000  }
0x1d3: {  	[sflag:s25] =	ssyncset.done $0x0  }
0x1d4: {  	s31 =	simm.s32 $0x11600;
	[sflag:s25] =	ssyncadd.s32 $0xFFFFF000  }
0x1d5: {  	s2 =	simm.s32 $0x1100;
	s0 =	simm.s32 $0x1300;
	v1 =	vld [tilespmem:s31+$0xFFFFFC00]  }
.LBB2_16:
0x1d6: {  	p2 =	sne.s32 s0, $0x1F00;
	_ =	sdelay $0x2  }
0x1d7: {  	s18 =	sshra.s32 s2, $0x2;
	s2 =	smov.u32 s0  }
0x1d8: {  	[tilespmem:s18+$0x15C40] =	vst v1  }
0x1d9: {  	v1 =	vld [tilespmem:s31+$0xFFFFFC10];
	_ =	sdelay $0x4  }
0x1da: {  	[tilespmem:s18+$0x15C50] =	vst v1  }
0x1db: {  	v1 =	vld [tilespmem:s31+$0xFFFFFC20];
	_ =	sdelay $0x4  }
0x1dc: {  	[tilespmem:s18+$0x15C60] =	vst v1  }
0x1dd: {  	v1 =	vld [tilespmem:s31+$0xFFFFFC30];
	_ =	sdelay $0x4  }
0x1de: {  	[tilespmem:s18+$0x15C70] =	vst v1  }
0x1df: {  	v1 =	vld [tilespmem:s31+$0xFFFFFC40];
	_ =	sdelay $0x4  }
0x1e0: {  	[tilespmem:s18+$0x15C80] =	vst v1  }
0x1e1: {  	v1 =	vld [tilespmem:s31+$0xFFFFFC50];
	_ =	sdelay $0x4  }
0x1e2: {  	[tilespmem:s18+$0x15C90] =	vst v1  }
0x1e3: {  	v1 =	vld [tilespmem:s31+$0xFFFFFC60];
	_ =	sdelay $0x4  }
0x1e4: {  	[tilespmem:s18+$0x15CA0] =	vst v1  }
0x1e5: {  	v1 =	vld [tilespmem:s31+$0xFFFFFC70];
	_ =	sdelay $0x4  }
0x1e6: {  	[tilespmem:s18+$0x15CB0] =	vst v1  }
0x1e7: {  	v1 =	vld [tilespmem:s31+$0xFFFFFE00];
	_ =	sdelay $0x4  }
0x1e8: {  	[tilespmem:s18+$0x16040] =	vst v1  }
0x1e9: {  	v1 =	vld [tilespmem:s31+$0xFFFFFE10];
	_ =	sdelay $0x4  }
0x1ea: {  	[tilespmem:s18+$0x16050] =	vst v1  }
0x1eb: {  	v1 =	vld [tilespmem:s31+$0xFFFFFE20];
	_ =	sdelay $0x4  }
0x1ec: {  	[tilespmem:s18+$0x16060] =	vst v1  }
0x1ed: {  	v1 =	vld [tilespmem:s31+$0xFFFFFE30];
	_ =	sdelay $0x4  }
0x1ee: {  	[tilespmem:s18+$0x16070] =	vst v1  }
0x1ef: {  	v1 =	vld [tilespmem:s31+$0xFFFFFE40];
	_ =	sdelay $0x4  }
0x1f0: {  	[tilespmem:s18+$0x16080] =	vst v1  }
0x1f1: {  	v1 =	vld [tilespmem:s31+$0xFFFFFE50];
	_ =	sdelay $0x4  }
0x1f2: {  	[tilespmem:s18+$0x16090] =	vst v1  }
0x1f3: {  	v1 =	vld [tilespmem:s31+$0xFFFFFE60];
	_ =	sdelay $0x4  }
0x1f4: {  	[tilespmem:s18+$0x160A0] =	vst v1  }
0x1f5: {  	v1 =	vld [tilespmem:s31+$0xFFFFFE70];
	_ =	sdelay $0x4  }
0x1f6: {  	[tilespmem:s18+$0x160B0] =	vst v1  }
0x1f7: {  	v1 =	vld [tilespmem:s31+$0x0];
	_ =	sdelay $0x4  }
0x1f8: {  	[tilespmem:s18+$0x16440] =	vst v1  }
0x1f9: {  	v1 =	vld [tilespmem:s31+$0x10];
	_ =	sdelay $0x4  }
0x1fa: {  	[tilespmem:s18+$0x16450] =	vst v1  }
0x1fb: {  	v1 =	vld [tilespmem:s31+$0x20];
	_ =	sdelay $0x4  }
0x1fc: {  	[tilespmem:s18+$0x16460] =	vst v1  }
0x1fd: {  	v1 =	vld [tilespmem:s31+$0x30];
	_ =	sdelay $0x4  }
0x1fe: {  	[tilespmem:s18+$0x16470] =	vst v1  }
0x1ff: {  	v1 =	vld [tilespmem:s31+$0x40];
	_ =	sdelay $0x4  }
0x200: {  	[tilespmem:s18+$0x16480] =	vst v1  }
0x201: {  	v1 =	vld [tilespmem:s31+$0x50];
	_ =	sdelay $0x4  }
0x202: {  	[tilespmem:s18+$0x16490] =	vst v1  }
0x203: {  	v1 =	vld [tilespmem:s31+$0x60];
	_ =	sdelay $0x4  }
0x204: {  	[tilespmem:s18+$0x164A0] =	vst v1  }
0x205: {  	v1 =	vld [tilespmem:s31+$0x70];
	_ =	sdelay $0x4  }
0x206: {  	[tilespmem:s18+$0x164B0] =	vst v1  }
0x207: {  	v1 =	vld [tilespmem:s31+$0x200];
	_ =	sdelay $0x4  }
0x208: {  	[tilespmem:s18+$0x16840] =	vst v1  }
0x209: {  	v1 =	vld [tilespmem:s31+$0x210];
	_ =	sdelay $0x4  }
0x20a: {  	[tilespmem:s18+$0x16850] =	vst v1  }
0x20b: {  	v1 =	vld [tilespmem:s31+$0x220];
	_ =	sdelay $0x4  }
0x20c: {  	[tilespmem:s18+$0x16860] =	vst v1  }
0x20d: {  	v1 =	vld [tilespmem:s31+$0x230];
	_ =	sdelay $0x4  }
0x20e: {  	[tilespmem:s18+$0x16870] =	vst v1  }
0x20f: {  	v1 =	vld [tilespmem:s31+$0x240];
	_ =	sdelay $0x4  }
0x210: {  	[tilespmem:s18+$0x16880] =	vst v1  }
0x211: {  	v1 =	vld [tilespmem:s31+$0x250];
	_ =	sdelay $0x4  }
0x212: {  	[tilespmem:s18+$0x16890] =	vst v1  }
0x213: {  	v1 =	vld [tilespmem:s31+$0x260];
	_ =	sdelay $0x4  }
0x214: {  	[tilespmem:s18+$0x168A0] =	vst v1  }
0x215: {  	v1 =	vld [tilespmem:s31+$0x270];
	_ =	sdelay $0x1  }
.Ltmp6:
0x216: {  	(pc) =	sbr.rel @p2 .LBB2_16-.Ltmp6, $3  }
0x217: {  	_ =	sdelay $0x1  }
0x218: {  	s31 =	sadd.s32 $0x800, s31;
	[tilespmem:s18+$0x168B0] =	vst v1  }
0x219: {  	s0 =	sadd.s32 $0x200, s0;
	v1 =	vld [tilespmem:s31+$0xFFFFFC00]  }
0x21a: {  	_ =	sdelay $0x2  }
0x21b: {  	s0 =	sshra.s32 s2, $0x2  }
0x21c: {  	[tilespmem:s0+$0x15C40] =	vst v1  }
0x21d: {  	v1 =	vld [tilespmem:s31+$0xFFFFFC10];
	_ =	sdelay $0x4  }
0x21e: {  	[tilespmem:s0+$0x15C50] =	vst v1  }
0x21f: {  	v1 =	vld [tilespmem:s31+$0xFFFFFC20];
	_ =	sdelay $0x4  }
0x220: {  	[tilespmem:s0+$0x15C60] =	vst v1  }
0x221: {  	v1 =	vld [tilespmem:s31+$0xFFFFFC30];
	_ =	sdelay $0x4  }
0x222: {  	[tilespmem:s0+$0x15C70] =	vst v1  }
0x223: {  	v1 =	vld [tilespmem:s31+$0xFFFFFC40];
	_ =	sdelay $0x4  }
0x224: {  	[tilespmem:s0+$0x15C80] =	vst v1  }
0x225: {  	v1 =	vld [tilespmem:s31+$0xFFFFFC50];
	_ =	sdelay $0x4  }
0x226: {  	[tilespmem:s0+$0x15C90] =	vst v1  }
0x227: {  	v1 =	vld [tilespmem:s31+$0xFFFFFC60];
	_ =	sdelay $0x4  }
0x228: {  	[tilespmem:s0+$0x15CA0] =	vst v1  }
0x229: {  	v1 =	vld [tilespmem:s31+$0xFFFFFC70];
	_ =	sdelay $0x4  }
0x22a: {  	[tilespmem:s0+$0x15CB0] =	vst v1  }
0x22b: {  	v1 =	vld [tilespmem:s31+$0xFFFFFE00];
	_ =	sdelay $0x4  }
0x22c: {  	[tilespmem:s0+$0x16040] =	vst v1  }
0x22d: {  	v1 =	vld [tilespmem:s31+$0xFFFFFE10];
	_ =	sdelay $0x4  }
0x22e: {  	[tilespmem:s0+$0x16050] =	vst v1  }
0x22f: {  	v1 =	vld [tilespmem:s31+$0xFFFFFE20];
	_ =	sdelay $0x4  }
0x230: {  	[tilespmem:s0+$0x16060] =	vst v1  }
0x231: {  	v1 =	vld [tilespmem:s31+$0xFFFFFE30];
	_ =	sdelay $0x4  }
0x232: {  	[tilespmem:s0+$0x16070] =	vst v1  }
0x233: {  	v1 =	vld [tilespmem:s31+$0xFFFFFE40];
	_ =	sdelay $0x4  }
0x234: {  	[tilespmem:s0+$0x16080] =	vst v1  }
0x235: {  	v1 =	vld [tilespmem:s31+$0xFFFFFE50];
	_ =	sdelay $0x4  }
0x236: {  	[tilespmem:s0+$0x16090] =	vst v1  }
0x237: {  	v1 =	vld [tilespmem:s31+$0xFFFFFE60];
	_ =	sdelay $0x4  }
0x238: {  	[tilespmem:s0+$0x160A0] =	vst v1  }
0x239: {  	v1 =	vld [tilespmem:s31+$0xFFFFFE70];
	_ =	sdelay $0x4  }
0x23a: {  	[tilespmem:s0+$0x160B0] =	vst v1  }
0x23b: {  	v1 =	vld [tilespmem:s31+$0x0];
	_ =	sdelay $0x4  }
0x23c: {  	[tilespmem:s0+$0x16440] =	vst v1  }
0x23d: {  	v1 =	vld [tilespmem:s31+$0x10];
	_ =	sdelay $0x4  }
0x23e: {  	[tilespmem:s0+$0x16450] =	vst v1  }
0x23f: {  	v1 =	vld [tilespmem:s31+$0x20];
	_ =	sdelay $0x4  }
0x240: {  	[tilespmem:s0+$0x16460] =	vst v1  }
0x241: {  	v1 =	vld [tilespmem:s31+$0x30];
	_ =	sdelay $0x4  }
0x242: {  	[tilespmem:s0+$0x16470] =	vst v1  }
0x243: {  	v1 =	vld [tilespmem:s31+$0x40];
	_ =	sdelay $0x4  }
0x244: {  	[tilespmem:s0+$0x16480] =	vst v1  }
0x245: {  	v1 =	vld [tilespmem:s31+$0x50];
	_ =	sdelay $0x4  }
0x246: {  	[tilespmem:s0+$0x16490] =	vst v1  }
0x247: {  	v1 =	vld [tilespmem:s31+$0x60];
	_ =	sdelay $0x4  }
0x248: {  	[tilespmem:s0+$0x164A0] =	vst v1  }
0x249: {  	v1 =	vld [tilespmem:s31+$0x70];
	_ =	sdelay $0x4  }
0x24a: {  	[tilespmem:s0+$0x164B0] =	vst v1  }
0x24b: {  	v1 =	vld [tilespmem:s31+$0x200];
	_ =	sdelay $0x4  }
0x24c: {  	[tilespmem:s0+$0x16840] =	vst v1  }
0x24d: {  	v1 =	vld [tilespmem:s31+$0x210];
	_ =	sdelay $0x4  }
0x24e: {  	[tilespmem:s0+$0x16850] =	vst v1  }
0x24f: {  	v1 =	vld [tilespmem:s31+$0x220];
	_ =	sdelay $0x4  }
0x250: {  	[tilespmem:s0+$0x16860] =	vst v1  }
0x251: {  	v1 =	vld [tilespmem:s31+$0x230];
	_ =	sdelay $0x4  }
0x252: {  	[tilespmem:s0+$0x16870] =	vst v1  }
0x253: {  	v1 =	vld [tilespmem:s31+$0x240];
	_ =	sdelay $0x4  }
0x254: {  	[tilespmem:s0+$0x16880] =	vst v1  }
0x255: {  	v1 =	vld [tilespmem:s31+$0x250];
	_ =	sdelay $0x4  }
0x256: {  	[tilespmem:s0+$0x16890] =	vst v1  }
0x257: {  	v1 =	vld [tilespmem:s31+$0x260];
	_ =	sdelay $0x4  }
0x258: {  	[tilespmem:s0+$0x168A0] =	vst v1  }
0x259: {  	s29 =	sadd.s32 $0x1, s29;
	v1 =	vld [tilespmem:s31+$0x270]  }
0x25a: {  	p2 =	sne.s32 s29, $0x4  }
.Ltmp7:
0x25b: {  	_ = 	snop;
	(pc) =	sbr.rel @p2 .LBB2_9-.Ltmp7, $3  }
0x25c: {  	_ =	sdelay $0x1  }
0x25d: {  	s31 =	sadd.s32 s30, s15;
	[tilespmem:s0+$0x168B0] =	vst v1  }
0x25e: {  	[hbm4b:s31+s4] =	stream.linear.scatter [tilespmem:s23], [sflag:$0x4], $0x1000, $0x38;
	[tilespmem:$0x17080] =	vst v63  }
.Ltmp8:
0x25f: {  	(pc) =	sbr.rel @p1 .LBB2_22-.Ltmp8, $2  }
0x260: {  	_ =	sdelay $0x2  }
0x261: {  	s0 =	simm.s32 $0x0  }
0x262: {  	s0 =	sadd.s32 $0x1, s0  }
0x263: {  	p2 =	slt.s32 s0, s16  }
.Ltmp9:
0x264: {  	_ =	swait.ge [sflag:s26], $0x4000;
	(pc) =	sbr.rel @!p2 .LBB2_21-.Ltmp9, $4  }
0x265: {  	[sflag:s26] =	ssyncset.done $0x0  }
0x266: {  	[sflag:s26] =	ssyncadd.s32 $0xFFFFC000  }
0x267: {  	_ =	swait.ge [sflag:s26], $0x4000  }
0x268: {  	[sflag:s26] =	ssyncset.done $0x0  }
.LBB2_20:
0x269: {  	s0 =	sadd.s32 $0x1, s0  }
0x26a: {  	[sflag:s26] =	ssyncadd.s32 $0xFFFFC000;
	p2 =	slt.s32 s0, s16  }
.Ltmp10:
0x26b: {  	_ =	swait.ge [sflag:s26], $0x4000;
	(pc) =	sbr.rel @p2 .LBB2_20-.Ltmp10, $4  }
0x26c: {  	[sflag:s26] =	ssyncset.done $0x0  }
0x26d: {  	[sflag:s26] =	ssyncadd.s32 $0xFFFFC000  }
0x26e: {  	_ =	swait.ge [sflag:s26], $0x4000  }
0x26f: {  	[sflag:s26] =	ssyncset.done $0x0  }
.Ltmp11:
0x270: {  	_ = 	snop;
	(pc) =	sbr.rel .LBB2_21-.Ltmp11, $1  }
0x271: {  	_ =	sdelay $0x3  }
.LBB2_3:
0x272: {  	s29 =	sshll.u32 s9, $0x10  }
.LBB2_7:
0x273: {  	s2 =	sshll.u32 s2, $0x13;
	s9 =	sshll.u32 s18, $0xF;
	s0 =	sadd.s32 $0x1, s0  }
0x274: {  	s2 =	sor.u32 s9, s2;
	p2 =	slt.u32 s0, s8  }
.Ltmp12:
0x275: {  	s31 =	sshra.s32 s29, $0x2;
	s2 =	sshrl.u32 s2, $0x3;
	(pc) =	sbr.rel @!p2 .LBB2_8-.Ltmp12, $4  }
0x276: {  	s9 =	sadd.s32 $0x1080, s31;
	s2 =	sadd.s32 s3, s2  }
0x277: {  	[hbm4b:s2+s4] =	stream.linear.scatter [tilespmem:s9], [sflag:$0x2], $0x4000, $0x38;
	[tilespmem:$0x17080] =	vst v63  }
0x278: {  	s2 =	sadd.s32 $0x800, s2  }
0x279: {  	[hbm4b:s2+s4] =	stream.linear.scatter [tilespmem:s9], [sflag:$0x2], $0x4000, $0x38;
	[tilespmem:$0x17080] =	vst v63  }
.LBB2_2:
0x27a: {  	p2 =	seq.s32 s0, s7;
	s18 =	sand.u32 $0xF, s0  }
0x27b: {  	p3 =	seq.s32 @!p2 s18, $0x0  }
0x27c: {  	p2 =	por p2, p3  }
.Ltmp13:
0x27d: {  	_ = 	snop;
	(pc) =	sbr.rel @!p2 .LBB2_3-.Ltmp13, $4  }
0x27e: {  	_ = 	snop  }
0x27f: {  	s2 =	sshrl.u32 s0, $0x4  }
0x280: {  	p4 =	sgt.u32 s0, $0x5F;
	s10 =	sadd.s32 $0x4, s2  }
0x281: {  	s9 =	ssub.s32 s2, s5;
	s2 =	smov.u32 @p4 s10  }
0x282: {  	s10 =	ssub.s32 s2, s6  }
0x283: {  	s10 =	sshll.u32 s10, $0xB  }
0x284: {  	s10 =	sshra.s32 s10, $0x2  }
0x285: {  	v1 =	vld [tilespmem:s10+$0x80]  }
0x286: {  	v2 =	vld [tilespmem:s10+$0x90]  }
0x287: {  	v3 =	vld [tilespmem:s10+$0xA0]  }
0x288: {  	v4 =	vld [tilespmem:s10+$0xB0]  }
0x289: {  	v5 =	vld [tilespmem:s10+$0xC0]  }
0x28a: {  	v6 =	vld [tilespmem:s10+$0xD0]  }
0x28b: {  	v7 =	vld [tilespmem:s10+$0xE0]  }
0x28c: {  	v8 =	vld [tilespmem:s10+$0xF0]  }
0x28d: {  	v9 =	vld [tilespmem:s10+$0x100]  }
0x28e: {  	v10 =	vld [tilespmem:s10+$0x110]  }
0x28f: {  	v11 =	vld [tilespmem:s10+$0x120]  }
0x290: {  	v12 =	vld [tilespmem:s10+$0x130]  }
0x291: {  	v13 =	vld [tilespmem:s10+$0x140]  }
0x292: {  	v14 =	vld [tilespmem:s10+$0x150]  }
0x293: {  	v15 =	vld [tilespmem:s10+$0x160]  }
0x294: {  	v16 =	vld [tilespmem:s10+$0x170]  }
0x295: {  	v17 =	vld [tilespmem:s10+$0x180]  }
0x296: {  	v18 =	vld [tilespmem:s10+$0x190]  }
0x297: {  	v19 =	vld [tilespmem:s10+$0x1A0]  }
0x298: {  	v20 =	vld [tilespmem:s10+$0x1B0]  }
0x299: {  	v21 =	vld [tilespmem:s10+$0x1C0]  }
0x29a: {  	v22 =	vld [tilespmem:s10+$0x1D0]  }
0x29b: {  	v23 =	vld [tilespmem:s10+$0x1E0]  }
0x29c: {  	v24 =	vld [tilespmem:s10+$0x1F0]  }
0x29d: {  	v25 =	vld [tilespmem:s10+$0x200]  }
0x29e: {  	v26 =	vld [tilespmem:s10+$0x210]  }
0x29f: {  	s29 =	sshll.u32 s9, $0x10;
	v32 =	vld [tilespmem:s10+$0x270]  }
0x2a0: {  	s17 =	simm.s32 $0x0;
	s9 =	sshra.s32 s29, $0x2;
	v27 =	vld [tilespmem:s10+$0x220]  }
0x2a1: {  	s19 =	sand.u32 $0x3000, s17;
	s30 =	sor.u32 $0x1080, s9;
	v28 =	vld [tilespmem:s10+$0x230]  }
0x2a2: {  	s17 =	sand.u32 $0x380, s17;
	v29 =	vld [tilespmem:s10+$0x240];
	s9 =	sadd.s32 s19, s30  }
0x2a3: {  	v30 =	vld [tilespmem:s10+$0x250];
	s31 =	sadd.s32 s17, s9  }
0x2a4: {  	v31 =	vld [tilespmem:s10+$0x260];
	[tilespmem:s31+$0xC70] =	vst v32  }
0x2a5: {  	[tilespmem:s31+$0x0] =	vst v1  }
0x2a6: {  	[tilespmem:s31+$0x10] =	vst v2  }
0x2a7: {  	[tilespmem:s31+$0x20] =	vst v3  }
0x2a8: {  	[tilespmem:s31+$0x30] =	vst v4  }
0x2a9: {  	[tilespmem:s31+$0x40] =	vst v5  }
0x2aa: {  	[tilespmem:s31+$0x50] =	vst v6  }
0x2ab: {  	[tilespmem:s31+$0x60] =	vst v7  }
0x2ac: {  	[tilespmem:s31+$0x70] =	vst v8  }
0x2ad: {  	[tilespmem:s31+$0x400] =	vst v9  }
0x2ae: {  	[tilespmem:s31+$0x410] =	vst v10  }
0x2af: {  	[tilespmem:s31+$0x420] =	vst v11  }
0x2b0: {  	[tilespmem:s31+$0x430] =	vst v12  }
0x2b1: {  	[tilespmem:s31+$0x440] =	vst v13  }
0x2b2: {  	[tilespmem:s31+$0x450] =	vst v14  }
0x2b3: {  	[tilespmem:s31+$0x460] =	vst v15  }
0x2b4: {  	[tilespmem:s31+$0x470] =	vst v16  }
0x2b5: {  	[tilespmem:s31+$0x800] =	vst v17  }
0x2b6: {  	[tilespmem:s31+$0x810] =	vst v18  }
0x2b7: {  	[tilespmem:s31+$0x820] =	vst v19  }
0x2b8: {  	[tilespmem:s31+$0x830] =	vst v20  }
0x2b9: {  	[tilespmem:s31+$0x840] =	vst v21  }
0x2ba: {  	[tilespmem:s31+$0x850] =	vst v22  }
0x2bb: {  	[tilespmem:s31+$0x860] =	vst v23  }
0x2bc: {  	[tilespmem:s31+$0x870] =	vst v24  }
0x2bd: {  	[tilespmem:s31+$0xC00] =	vst v25  }
0x2be: {  	[tilespmem:s31+$0xC10] =	vst v26  }
0x2bf: {  	[tilespmem:s31+$0xC20] =	vst v27  }
0x2c0: {  	s19 =	simm.s32 $0x200;
	[tilespmem:s31+$0xC30] =	vst v28  }
0x2c1: {  	s10 =	simm.s32 $0x80;
	s17 =	sand.u32 $0x3000, s19;
	s9 =	simm.s32 $0x400;
	[tilespmem:s31+$0xC40] =	vst v29  }
.LBB2_5:
0x2c2: {  	p2 =	sne.s32 s9, $0x3E00;
	s19 =	sand.u32 $0x380, s10;
	s17 =	sadd.s32 s17, s30;
	[tilespmem:s31+$0xC50] =	vst v30  }
0x2c3: {  	[tilespmem:s31+$0xC60] =	vst v31;
	s31 =	sadd.s32 s19, s17  }
0x2c4: {  	[tilespmem:s31+$0xC70] =	vst v32  }
0x2c5: {  	[tilespmem:s31+$0x0] =	vst v1  }
0x2c6: {  	[tilespmem:s31+$0x10] =	vst v2  }
0x2c7: {  	[tilespmem:s31+$0x20] =	vst v3  }
0x2c8: {  	[tilespmem:s31+$0x30] =	vst v4  }
0x2c9: {  	[tilespmem:s31+$0x40] =	vst v5  }
0x2ca: {  	[tilespmem:s31+$0x50] =	vst v6  }
0x2cb: {  	[tilespmem:s31+$0x60] =	vst v7  }
0x2cc: {  	[tilespmem:s31+$0x70] =	vst v8  }
0x2cd: {  	[tilespmem:s31+$0x400] =	vst v9  }
0x2ce: {  	[tilespmem:s31+$0x410] =	vst v10  }
0x2cf: {  	[tilespmem:s31+$0x420] =	vst v11  }
0x2d0: {  	[tilespmem:s31+$0x430] =	vst v12  }
0x2d1: {  	[tilespmem:s31+$0x440] =	vst v13  }
0x2d2: {  	[tilespmem:s31+$0x450] =	vst v14  }
0x2d3: {  	[tilespmem:s31+$0x460] =	vst v15  }
0x2d4: {  	[tilespmem:s31+$0x470] =	vst v16  }
0x2d5: {  	[tilespmem:s31+$0x800] =	vst v17  }
0x2d6: {  	[tilespmem:s31+$0x810] =	vst v18  }
0x2d7: {  	[tilespmem:s31+$0x820] =	vst v19  }
0x2d8: {  	[tilespmem:s31+$0x830] =	vst v20  }
0x2d9: {  	[tilespmem:s31+$0x840] =	vst v21  }
0x2da: {  	[tilespmem:s31+$0x850] =	vst v22  }
0x2db: {  	[tilespmem:s31+$0x860] =	vst v23  }
0x2dc: {  	[tilespmem:s31+$0x870] =	vst v24  }
.Ltmp14:
0x2dd: {  	[tilespmem:s31+$0xC00] =	vst v25;
	(pc) =	sbr.rel @p2 .LBB2_5-.Ltmp14, $4  }
0x2de: {  	[tilespmem:s31+$0xC10] =	vst v26  }
0x2df: {  	[tilespmem:s31+$0xC20] =	vst v27  }
0x2e0: {  	[tilespmem:s31+$0xC30] =	vst v28  }
0x2e1: {  	s10 =	sadd.s32 $0x80, s10;
	s17 =	sand.u32 $0x3000, s9;
	s9 =	sadd.s32 $0x200, s9;
	[tilespmem:s31+$0xC40] =	vst v29  }
0x2e2: {  	s9 =	sand.u32 $0x380, s10;
	s30 =	sadd.s32 s17, s30;
	[tilespmem:s31+$0xC50] =	vst v30  }
0x2e3: {  	[tilespmem:s31+$0xC60] =	vst v31;
	s9 =	sadd.s32 s9, s30  }
0x2e4: {  	[tilespmem:s9+$0xC70] =	vst v32  }
0x2e5: {  	[tilespmem:s9+$0x0] =	vst v1  }
0x2e6: {  	[tilespmem:s9+$0x10] =	vst v2  }
0x2e7: {  	[tilespmem:s9+$0x20] =	vst v3  }
0x2e8: {  	[tilespmem:s9+$0x30] =	vst v4  }
0x2e9: {  	[tilespmem:s9+$0x40] =	vst v5  }
0x2ea: {  	[tilespmem:s9+$0x50] =	vst v6  }
0x2eb: {  	[tilespmem:s9+$0x60] =	vst v7  }
0x2ec: {  	[tilespmem:s9+$0x70] =	vst v8  }
0x2ed: {  	[tilespmem:s9+$0x400] =	vst v9  }
0x2ee: {  	[tilespmem:s9+$0x410] =	vst v10  }
0x2ef: {  	[tilespmem:s9+$0x420] =	vst v11  }
0x2f0: {  	[tilespmem:s9+$0x430] =	vst v12  }
0x2f1: {  	[tilespmem:s9+$0x440] =	vst v13  }
0x2f2: {  	[tilespmem:s9+$0x450] =	vst v14  }
0x2f3: {  	[tilespmem:s9+$0x460] =	vst v15  }
0x2f4: {  	[tilespmem:s9+$0x470] =	vst v16  }
0x2f5: {  	[tilespmem:s9+$0x800] =	vst v17  }
0x2f6: {  	[tilespmem:s9+$0x810] =	vst v18  }
0x2f7: {  	[tilespmem:s9+$0x820] =	vst v19  }
0x2f8: {  	[tilespmem:s9+$0x830] =	vst v20  }
0x2f9: {  	[tilespmem:s9+$0x840] =	vst v21  }
0x2fa: {  	[tilespmem:s9+$0x850] =	vst v22  }
0x2fb: {  	[tilespmem:s9+$0x860] =	vst v23  }
0x2fc: {  	[tilespmem:s9+$0x870] =	vst v24  }
0x2fd: {  	[tilespmem:s9+$0xC00] =	vst v25  }
0x2fe: {  	[tilespmem:s9+$0xC10] =	vst v26  }
.Ltmp15:
0x2ff: {  	[tilespmem:s9+$0xC20] =	vst v27;
	(pc) =	sbr.rel .LBB2_7-.Ltmp15, $4  }
0x300: {  	[tilespmem:s9+$0xC30] =	vst v28  }
0x301: {  	[tilespmem:s9+$0xC40] =	vst v29  }
0x302: {  	[tilespmem:s9+$0xC50] =	vst v30  }
0x303: {  	[tilespmem:s9+$0xC60] =	vst v31  }
.LBB2_23:
0x304: {  	_ =	sfence.sel $0x180000  }
0x305: {  	[bflag:$0x0] =	sbarrier.arrive $0xFFFF  }
0x306: {  	_ =	strace $0x90000047  }
0x307: {  	s0 =	stileid.u32;
	[bflag:$0x2] =	sbarrier.arrive $0xFFFF  }
0x308: {  	p0 =	sne.s32 s0, $0x0;
	s0 =	rddreg [dreg:$0x4]  }
0x309: {  	s0 =	sadd.s32 @!p0 $0x100000, s0  }
0x30a: {  	[sflag:s0] =	ssyncadd.tile.s32 @!p0 $0x1;
	_ =	shalt  }
.Lfunc_end2:
_tile_overlayer_lowered:
.L_overlay_start_2:
0x30b: {  	(tag) =	ssettag $0x2  }
0x30c: {  	s0 =	rddreg [dreg:$0x0];
	s2 =	stileid.u32  }
0x30d: {  	s1 =	rddreg [dreg:$0x1];
	p0 =	sne.s32 s2, $0x0  }
0x30e: {  	s3 =	rddreg [dreg:$0x2];
	[bflag:$0x3] =	sbarrier.arrive $0xFFFF;
	s2 =	simm.s32 @!p0 $0x1C06  }
0x30f: {  	[timem:s3], [sflag:s2] =	dma.local @!p0 [hbm:s0], s1  }
0x310: {  	s0 =	simm.s32 @!p0 $0x6  }
0x311: {  	_ =	swait.ge @!p0 [sflag:s0], s1  }
0x312: {  	s1 =	ssub.s32 @!p0 $0x0, s1;
	[sflag:s0] =	ssyncset.done @!p0 $0x0  }
0x313: {  	[sflag:s0] =	ssyncadd.s32 @!p0 s1  }
0x314: {  	[bflag:$0x3] =	sbarrier.arrive $0xFFFF  }
0x315: {  	_ =	shalt  }

</sc_bundles>
